<compile_context>
chip_gen: v7x
topology: tpu7x:2x2x1
jax: 0.10.2.dev20260603
libtpu: 0.0.44.dev20260713+nightly
codegen_flags: <defaults>
</compile_context>

<pallas_src>
import functools
import jax
import jax.numpy as jnp
from jax import lax
from jax.experimental import pallas as pl
from jax.experimental.pallas import tpu as pltpu
from jax.experimental.pallas import tpu_sc as plsc

B, L = 1024, 200
WORD_DIM, POS_DIM = 128, 32
OUT_DIM = WORD_DIM + 2 * POS_DIM
POS_TAB = 512 * POS_DIM
N = B * L
C = 128
NUM_WORKERS = 32
TPW = N // NUM_WORKERS
CPW = TPW // C


def _sc_embed(widx, eidx, fidx, widx_r, eidx_r, fidx_r,
              word_table, etab_flat, ftab_flat):
    mesh = plsc.VectorSubcoreMesh(core_axis_name="c", subcore_axis_name="s")

    @functools.partial(
        pl.kernel,
        out_type=(
            jax.ShapeDtypeStruct((N, OUT_DIM), jnp.float32),
            jax.ShapeDtypeStruct((N, OUT_DIM), jnp.float32),
        ),
        mesh=mesh,
        scratch_types=[
            pltpu.VMEM((C,), jnp.int32),
            pltpu.VMEM((C,), jnp.int32),
            pltpu.VMEM((C,), jnp.int32),
            pltpu.VMEM((C,), jnp.int32),
            pltpu.VMEM((C,), jnp.int32),
            pltpu.VMEM((C,), jnp.int32),
            pltpu.VMEM((POS_TAB,), jnp.float32),
            pltpu.VMEM((POS_TAB,), jnp.float32),
            pltpu.VMEM((C, OUT_DIM), jnp.float32),
            pltpu.VMEM((C, OUT_DIM), jnp.float32),
            pltpu.SemaphoreType.DMA,
            pltpu.SemaphoreType.DMA,
        ],
    )
    def kern(widx_hbm, eidx_hbm, fidx_hbm, widxr_hbm, eidxr_hbm, fidxr_hbm,
             wtab_hbm, etab_hbm, ftab_hbm,
             out_hbm, rout_hbm,
             widx_v, eidx_v, fidx_v, widxr_v, eidxr_v, fidxr_v,
             etab_v, ftab_v, cbuf_f, cbuf_r, gsem, wsem):
        wid = lax.axis_index("s") * 2 + lax.axis_index("c")
        tok0 = wid * TPW

        pltpu.sync_copy(etab_hbm, etab_v)
        pltpu.sync_copy(ftab_hbm, ftab_v)

        def assemble(cbuf, e_v, f_v):
            def asm_body(g, carry):
                ev = e_v[pl.ds(g * 16, 16)] * POS_DIM
                fv = f_v[pl.ds(g * 16, 16)] * POS_DIM
                for r in range(16):
                    row = g * 16 + r
                    se = ev[r]
                    sf = fv[r]
                    cbuf[row, pl.ds(WORD_DIM, 16)] = etab_v[pl.ds(se, 16)]
                    cbuf[row, pl.ds(WORD_DIM + 16, 16)] = (
                        etab_v[pl.ds(se + 16, 16)])
                    cbuf[row, pl.ds(WORD_DIM + 32, 16)] = (
                        ftab_v[pl.ds(sf, 16)])
                    cbuf[row, pl.ds(WORD_DIM + 48, 16)] = (
                        ftab_v[pl.ds(sf + 16, 16)])
                return carry
            lax.fori_loop(0, C // 16, asm_body, 0)

        def body(j, carry):
            base = tok0 + j * C
            i1 = pltpu.async_copy(widx_hbm.at[pl.ds(base, C)], widx_v, gsem)
            i2 = pltpu.async_copy(eidx_hbm.at[pl.ds(base, C)], eidx_v, gsem)
            i3 = pltpu.async_copy(fidx_hbm.at[pl.ds(base, C)], fidx_v, gsem)
            i4 = pltpu.async_copy(widxr_hbm.at[pl.ds(base, C)], widxr_v, gsem)
            i5 = pltpu.async_copy(eidxr_hbm.at[pl.ds(base, C)], eidxr_v, gsem)
            i6 = pltpu.async_copy(fidxr_hbm.at[pl.ds(base, C)], fidxr_v, gsem)
            i1.wait()
            i2.wait()
            i3.wait()
            i4.wait()
            i5.wait()
            i6.wait()
            gwf = pltpu.async_copy(
                wtab_hbm.at[widx_v],
                cbuf_f.at[:, pl.ds(0, WORD_DIM)], gsem)
            gwr = pltpu.async_copy(
                wtab_hbm.at[widxr_v],
                cbuf_r.at[:, pl.ds(0, WORD_DIM)], gsem)
            assemble(cbuf_f, eidx_v, fidx_v)
            assemble(cbuf_r, eidxr_v, fidxr_v)
            gwf.wait()
            gwr.wait()
            w1 = pltpu.async_copy(cbuf_f, out_hbm.at[pl.ds(base, C)], wsem)
            w2 = pltpu.async_copy(cbuf_r, rout_hbm.at[pl.ds(base, C)], wsem)
            w1.wait()
            w2.wait()
            return carry

        lax.fori_loop(0, CPW, body, 0)

    return kern(widx, eidx, fidx, widx_r, eidx_r, fidx_r,
                word_table, etab_flat, ftab_flat)


def kernel(sentence, entity_position, filler_position,
           word_table, entity_pos_table, filler_pos_table):
    sentence = sentence.astype(jnp.int32)
    entity_position = entity_position.astype(jnp.int32)
    filler_position = filler_position.astype(jnp.int32)

    widx = sentence.reshape(N)
    eidx = entity_position.reshape(N)
    fidx = filler_position.reshape(N)
    widx_r = jnp.flip(sentence, axis=1).reshape(N)
    eidx_r = jnp.flip(entity_position, axis=1).reshape(N)
    fidx_r = jnp.flip(filler_position, axis=1).reshape(N)

    out, rout = _sc_embed(
        widx, eidx, fidx, widx_r, eidx_r, fidx_r,
        word_table,
        entity_pos_table.reshape(POS_TAB),
        filler_pos_table.reshape(POS_TAB))
    return (out.reshape(B, L, OUT_DIM), rout.reshape(B, L, OUT_DIM))

# --- scband reference (transcript-rebuilt; emitter-appended) ---
"""Pipeline reference for scband-sentence-embedding-18468359373387 (READ-ONLY COPY).

The authoritative reference and input builder live on the scoring server;
editing this copy changes nothing except your own understanding.
"""

import jax, jax.numpy as jnp
import numpy as np

B, L = 1024, 200
WORD_VOCAB, WORD_DIM = 100000, 128
POS_VOCAB, POS_DIM = 512, 32


def setup_inputs(seed: int = 0) -> dict:
    key = jax.random.key(seed)
    k1, k2, k3, k4, k5, k6 = jax.random.split(key, 6)
    return {
        "sentence": jax.random.randint(k1, (B, L), 0, WORD_VOCAB, dtype=jnp.int64) if jax.config.jax_enable_x64 else jax.random.randint(k1, (B, L), 0, WORD_VOCAB),
        "entity_position": jax.random.randint(k2, (B, L), 0, POS_VOCAB),
        "filler_position": jax.random.randint(k3, (B, L), 0, POS_VOCAB),
        "word_table": jax.random.normal(k4, (WORD_VOCAB, WORD_DIM), dtype=jnp.float32) * 0.02,
        "entity_pos_table": jax.random.normal(k5, (POS_VOCAB, POS_DIM), dtype=jnp.float32) * 0.02,
        "filler_pos_table": jax.random.normal(k6, (POS_VOCAB, POS_DIM), dtype=jnp.float32) * 0.02,
    }


def reference(sentence, entity_position, filler_position, word_table, entity_pos_table, filler_pos_table):
    # Each sub-embedding returns (embedding, reversed_embedding) where the
    # reversed variant is the embedding of the time-reversed sequence.
    word_emb = jnp.take(word_table, sentence, axis=0)
    rev_word_emb = jnp.flip(word_emb, axis=1)

    ent_emb = jnp.take(entity_pos_table, entity_position, axis=0)
    rev_ent_emb = jnp.flip(ent_emb, axis=1)

    fil_emb = jnp.take(filler_pos_table, filler_position, axis=0)
    rev_fil_emb = jnp.flip(fil_emb, axis=1)

    sentence_embedding = jnp.concatenate([word_emb, ent_emb, fil_emb], axis=2)
    reversed_sentence_embedding = jnp.concatenate([rev_word_emb, rev_ent_emb, rev_fil_emb], axis=2)
    return (sentence_embedding, reversed_sentence_embedding)

if __name__ == "__main__":
    import jax
    _d = setup_inputs()
    print(jax.jit(kernel)(*tuple(_d.values())))

</pallas_src>

<mosaic_0001>
#map = affine_map<(d0, d1) -> (0)>
#map1 = affine_map<(d0, d1) -> (0, 0)>
module attributes {stable_mosaic.version = 14 : i64} {
  func.func @kern(%arg0: i32, %arg1: i32, %arg2: memref<204800xi32, #tpu.memory_space<hbm>>, %arg3: memref<204800xi32, #tpu.memory_space<hbm>>, %arg4: memref<204800xi32, #tpu.memory_space<hbm>>, %arg5: memref<204800xi32, #tpu.memory_space<hbm>>, %arg6: memref<204800xi32, #tpu.memory_space<hbm>>, %arg7: memref<204800xi32, #tpu.memory_space<hbm>>, %arg8: memref<100000x128xf32, #tpu.memory_space<hbm>>, %arg9: memref<16384xf32, #tpu.memory_space<hbm>>, %arg10: memref<16384xf32, #tpu.memory_space<hbm>>, %arg11: memref<204800x192xf32, #tpu.memory_space<hbm>>, %arg12: memref<204800x192xf32, #tpu.memory_space<hbm>>, %arg13: memref<128xi32, #tpu.memory_space<vmem>>, %arg14: memref<128xi32, #tpu.memory_space<vmem>>, %arg15: memref<128xi32, #tpu.memory_space<vmem>>, %arg16: memref<128xi32, #tpu.memory_space<vmem>>, %arg17: memref<128xi32, #tpu.memory_space<vmem>>, %arg18: memref<128xi32, #tpu.memory_space<vmem>>, %arg19: memref<16384xf32, #tpu.memory_space<vmem>>, %arg20: memref<16384xf32, #tpu.memory_space<vmem>>, %arg21: memref<128x192xf32, #tpu.memory_space<vmem>>, %arg22: memref<128x192xf32, #tpu.memory_space<vmem>>, %arg23: memref<!tpu.dma_semaphore, #tpu.memory_space<semaphore_mem>>, %arg24: memref<!tpu.dma_semaphore, #tpu.memory_space<semaphore_mem>>) attributes {dimension_semantics = [#tpu.dimension_semantics<core_parallel>, #tpu.dimension_semantics<subcore_parallel>], iteration_bounds = array<i64: 2, 16>, scalar_prefetch = 0 : i64, scratch_operands = 12 : i64, tpu.core_type = #tpu.core_type<sc_vector_subcore>, window_params = [{transform_indices = #map}, {transform_indices = #map}, {transform_indices = #map}, {transform_indices = #map}, {transform_indices = #map}, {transform_indices = #map}, {transform_indices = #map1}, {transform_indices = #map}, {transform_indices = #map}, {transform_indices = #map1}, {transform_indices = #map1}]} {
    %mul3A = arith.constant 2 : i32
    %mul3A_0 = arith.muli %arg1, %mul3A : i32
    %add3A = arith.addi %mul3A_0, %arg0 : i32
    %mul3A_1 = arith.constant 6400 : i32
    %mul3A_2 = arith.muli %add3A, %mul3A_1 : i32
    "tpu.region"() ({
      %run_scoped3A = tpu.sem_alloc : memref<!tpu.dma_semaphore, #tpu.memory_space<semaphore_mem>>
      tpu.enqueue_dma source(%arg9 : memref<16384xf32, #tpu.memory_space<hbm>>) target(%arg19 : memref<16384xf32, #tpu.memory_space<vmem>>) target_semaphore(%run_scoped3A : memref<!tpu.dma_semaphore, #tpu.memory_space<semaphore_mem>>)
      tpu.wait_dma2 semaphore(%run_scoped3A : memref<!tpu.dma_semaphore, #tpu.memory_space<semaphore_mem>>) src(%arg9 : memref<16384xf32, #tpu.memory_space<hbm>>) dst(%arg19 : memref<16384xf32, #tpu.memory_space<vmem>>)
      tpu.yield
    }) : () -> ()
    "tpu.region"() ({
      %run_scoped3A = tpu.sem_alloc : memref<!tpu.dma_semaphore, #tpu.memory_space<semaphore_mem>>
      tpu.enqueue_dma source(%arg10 : memref<16384xf32, #tpu.memory_space<hbm>>) target(%arg20 : memref<16384xf32, #tpu.memory_space<vmem>>) target_semaphore(%run_scoped3A : memref<!tpu.dma_semaphore, #tpu.memory_space<semaphore_mem>>)
      tpu.wait_dma2 semaphore(%run_scoped3A : memref<!tpu.dma_semaphore, #tpu.memory_space<semaphore_mem>>) src(%arg10 : memref<16384xf32, #tpu.memory_space<hbm>>) dst(%arg20 : memref<16384xf32, #tpu.memory_space<vmem>>)
      tpu.yield
    }) : () -> ()
    %scan3A = arith.constant 0 : i32
    %scan3A_3 = arith.constant 0 : i32
    %scan3A_4 = arith.constant 50 : i32
    %scan3A_5 = arith.addi %scan3A_3, %scan3A_4 : i32
    %scan3A_6 = arith.constant 1 : i32
    scf.for %scan3A_8 = %scan3A_3 to %scan3A_5 step %scan3A_6  : i32 {
      %mul3A_9 = arith.constant 128 : i32
      %mul3A_10 = arith.muli %scan3A_8, %mul3A_9 : i32
      %add3A_11 = arith.addi %mul3A_2, %mul3A_10 : i32
      %dma_start3A = tpu.memref_slice %arg2[%add3A_11] : memref<204800xi32, #tpu.memory_space<hbm>> -> memref<128xi32, #tpu.memory_space<hbm>>
      %dma_start3A_12 = tpu.memref_slice %arg2[%add3A_11] : memref<204800xi32, #tpu.memory_space<hbm>> -> memref<128xi32, #tpu.memory_space<hbm>>
      tpu.enqueue_dma source(%dma_start3A_12 : memref<128xi32, #tpu.memory_space<hbm>>) target(%arg13 : memref<128xi32, #tpu.memory_space<vmem>>) target_semaphore(%arg23 : memref<!tpu.dma_semaphore, #tpu.memory_space<semaphore_mem>>)
      %dma_start3A_13 = tpu.memref_slice %arg3[%add3A_11] : memref<204800xi32, #tpu.memory_space<hbm>> -> memref<128xi32, #tpu.memory_space<hbm>>
      %dma_start3A_14 = tpu.memref_slice %arg3[%add3A_11] : memref<204800xi32, #tpu.memory_space<hbm>> -> memref<128xi32, #tpu.memory_space<hbm>>
      tpu.enqueue_dma source(%dma_start3A_14 : memref<128xi32, #tpu.memory_space<hbm>>) target(%arg14 : memref<128xi32, #tpu.memory_space<vmem>>) target_semaphore(%arg23 : memref<!tpu.dma_semaphore, #tpu.memory_space<semaphore_mem>>)
      %dma_start3A_15 = tpu.memref_slice %arg4[%add3A_11] : memref<204800xi32, #tpu.memory_space<hbm>> -> memref<128xi32, #tpu.memory_space<hbm>>
      %dma_start3A_16 = tpu.memref_slice %arg4[%add3A_11] : memref<204800xi32, #tpu.memory_space<hbm>> -> memref<128xi32, #tpu.memory_space<hbm>>
      tpu.enqueue_dma source(%dma_start3A_16 : memref<128xi32, #tpu.memory_space<hbm>>) target(%arg15 : memref<128xi32, #tpu.memory_space<vmem>>) target_semaphore(%arg23 : memref<!tpu.dma_semaphore, #tpu.memory_space<semaphore_mem>>)
      %dma_start3A_17 = tpu.memref_slice %arg5[%add3A_11] : memref<204800xi32, #tpu.memory_space<hbm>> -> memref<128xi32, #tpu.memory_space<hbm>>
      %dma_start3A_18 = tpu.memref_slice %arg5[%add3A_11] : memref<204800xi32, #tpu.memory_space<hbm>> -> memref<128xi32, #tpu.memory_space<hbm>>
      tpu.enqueue_dma source(%dma_start3A_18 : memref<128xi32, #tpu.memory_space<hbm>>) target(%arg16 : memref<128xi32, #tpu.memory_space<vmem>>) target_semaphore(%arg23 : memref<!tpu.dma_semaphore, #tpu.memory_space<semaphore_mem>>)
      %dma_start3A_19 = tpu.memref_slice %arg6[%add3A_11] : memref<204800xi32, #tpu.memory_space<hbm>> -> memref<128xi32, #tpu.memory_space<hbm>>
      %dma_start3A_20 = tpu.memref_slice %arg6[%add3A_11] : memref<204800xi32, #tpu.memory_space<hbm>> -> memref<128xi32, #tpu.memory_space<hbm>>
      tpu.enqueue_dma source(%dma_start3A_20 : memref<128xi32, #tpu.memory_space<hbm>>) target(%arg17 : memref<128xi32, #tpu.memory_space<vmem>>) target_semaphore(%arg23 : memref<!tpu.dma_semaphore, #tpu.memory_space<semaphore_mem>>)
      %dma_start3A_21 = tpu.memref_slice %arg7[%add3A_11] : memref<204800xi32, #tpu.memory_space<hbm>> -> memref<128xi32, #tpu.memory_space<hbm>>
      %dma_start3A_22 = tpu.memref_slice %arg7[%add3A_11] : memref<204800xi32, #tpu.memory_space<hbm>> -> memref<128xi32, #tpu.memory_space<hbm>>
      tpu.enqueue_dma source(%dma_start3A_22 : memref<128xi32, #tpu.memory_space<hbm>>) target(%arg18 : memref<128xi32, #tpu.memory_space<vmem>>) target_semaphore(%arg23 : memref<!tpu.dma_semaphore, #tpu.memory_space<semaphore_mem>>)
      %dma_wait3A = tpu.memref_slice %arg2[%add3A_11] : memref<204800xi32, #tpu.memory_space<hbm>> -> memref<128xi32, #tpu.memory_space<hbm>>
      %dma_wait3A_23 = tpu.memref_slice %arg2[%add3A_11] : memref<204800xi32, #tpu.memory_space<hbm>> -> memref<128xi32, #tpu.memory_space<hbm>>
      tpu.wait_dma2 semaphore(%arg23 : memref<!tpu.dma_semaphore, #tpu.memory_space<semaphore_mem>>) src(%dma_wait3A_23 : memref<128xi32, #tpu.memory_space<hbm>>) dst(%arg13 : memref<128xi32, #tpu.memory_space<vmem>>)
      %dma_wait3A_24 = tpu.memref_slice %arg3[%add3A_11] : memref<204800xi32, #tpu.memory_space<hbm>> -> memref<128xi32, #tpu.memory_space<hbm>>
      %dma_wait3A_25 = tpu.memref_slice %arg3[%add3A_11] : memref<204800xi32, #tpu.memory_space<hbm>> -> memref<128xi32, #tpu.memory_space<hbm>>
      tpu.wait_dma2 semaphore(%arg23 : memref<!tpu.dma_semaphore, #tpu.memory_space<semaphore_mem>>) src(%dma_wait3A_25 : memref<128xi32, #tpu.memory_space<hbm>>) dst(%arg14 : memref<128xi32, #tpu.memory_space<vmem>>)
      %dma_wait3A_26 = tpu.memref_slice %arg4[%add3A_11] : memref<204800xi32, #tpu.memory_space<hbm>> -> memref<128xi32, #tpu.memory_space<hbm>>
      %dma_wait3A_27 = tpu.memref_slice %arg4[%add3A_11] : memref<204800xi32, #tpu.memory_space<hbm>> -> memref<128xi32, #tpu.memory_space<hbm>>
      tpu.wait_dma2 semaphore(%arg23 : memref<!tpu.dma_semaphore, #tpu.memory_space<semaphore_mem>>) src(%dma_wait3A_27 : memref<128xi32, #tpu.memory_space<hbm>>) dst(%arg15 : memref<128xi32, #tpu.memory_space<vmem>>)
      %dma_wait3A_28 = tpu.memref_slice %arg5[%add3A_11] : memref<204800xi32, #tpu.memory_space<hbm>> -> memref<128xi32, #tpu.memory_space<hbm>>
      %dma_wait3A_29 = tpu.memref_slice %arg5[%add3A_11] : memref<204800xi32, #tpu.memory_space<hbm>> -> memref<128xi32, #tpu.memory_space<hbm>>
      tpu.wait_dma2 semaphore(%arg23 : memref<!tpu.dma_semaphore, #tpu.memory_space<semaphore_mem>>) src(%dma_wait3A_29 : memref<128xi32, #tpu.memory_space<hbm>>) dst(%arg16 : memref<128xi32, #tpu.memory_space<vmem>>)
      %dma_wait3A_30 = tpu.memref_slice %arg6[%add3A_11] : memref<204800xi32, #tpu.memory_space<hbm>> -> memref<128xi32, #tpu.memory_space<hbm>>
      %dma_wait3A_31 = tpu.memref_slice %arg6[%add3A_11] : memref<204800xi32, #tpu.memory_space<hbm>> -> memref<128xi32, #tpu.memory_space<hbm>>
      tpu.wait_dma2 semaphore(%arg23 : memref<!tpu.dma_semaphore, #tpu.memory_space<semaphore_mem>>) src(%dma_wait3A_31 : memref<128xi32, #tpu.memory_space<hbm>>) dst(%arg17 : memref<128xi32, #tpu.memory_space<vmem>>)
      %dma_wait3A_32 = tpu.memref_slice %arg7[%add3A_11] : memref<204800xi32, #tpu.memory_space<hbm>> -> memref<128xi32, #tpu.memory_space<hbm>>
      %dma_wait3A_33 = tpu.memref_slice %arg7[%add3A_11] : memref<204800xi32, #tpu.memory_space<hbm>> -> memref<128xi32, #tpu.memory_space<hbm>>
      tpu.wait_dma2 semaphore(%arg23 : memref<!tpu.dma_semaphore, #tpu.memory_space<semaphore_mem>>) src(%dma_wait3A_33 : memref<128xi32, #tpu.memory_space<hbm>>) dst(%arg18 : memref<128xi32, #tpu.memory_space<vmem>>)
      %dma_start3A_34 = arith.constant 0 : i32
      %dma_start3A_35 = arith.constant 0 : i32
      %dma_start3A_36 = tpu.memref_slice %arg21[%dma_start3A_34, %dma_start3A_35] : memref<128x192xf32, #tpu.memory_space<vmem>> -> memref<128x128xf32, #tpu.memory_space<vmem>>
      %dma_start3A_37 = arith.constant 0 : i32
      %dma_start3A_38 = arith.constant 0 : i32
      %dma_start3A_39 = tpu.memref_slice %arg8[%dma_start3A_37, %dma_start3A_38] : memref<100000x128xf32, #tpu.memory_space<hbm>> -> memref<100000x128xf32, #tpu.memory_space<hbm>>
      tpu.enqueue_indirect_dma source(%dma_start3A_39 : memref<100000x128xf32, #tpu.memory_space<hbm>>) target(%dma_start3A_36 : memref<128x128xf32, #tpu.memory_space<vmem>>) offsets(%arg13 : memref<128xi32, #tpu.memory_space<vmem>>) semaphore(%arg23 : memref<!tpu.dma_semaphore, #tpu.memory_space<semaphore_mem>>)
      %dma_start3A_40 = arith.constant 0 : i32
      %dma_start3A_41 = arith.constant 0 : i32
      %dma_start3A_42 = tpu.memref_slice %arg22[%dma_start3A_40, %dma_start3A_41] : memref<128x192xf32, #tpu.memory_space<vmem>> -> memref<128x128xf32, #tpu.memory_space<vmem>>
      %dma_start3A_43 = arith.constant 0 : i32
      %dma_start3A_44 = arith.constant 0 : i32
      %dma_start3A_45 = tpu.memref_slice %arg8[%dma_start3A_43, %dma_start3A_44] : memref<100000x128xf32, #tpu.memory_space<hbm>> -> memref<100000x128xf32, #tpu.memory_space<hbm>>
      tpu.enqueue_indirect_dma source(%dma_start3A_45 : memref<100000x128xf32, #tpu.memory_space<hbm>>) target(%dma_start3A_42 : memref<128x128xf32, #tpu.memory_space<vmem>>) offsets(%arg16 : memref<128xi32, #tpu.memory_space<vmem>>) semaphore(%arg23 : memref<!tpu.dma_semaphore, #tpu.memory_space<semaphore_mem>>)
      %scan3A_46 = arith.constant 0 : i32
      %scan3A_47 = arith.constant 0 : i32
      %scan3A_48 = arith.constant 8 : i32
      %scan3A_49 = arith.addi %scan3A_47, %scan3A_48 : i32
      %scan3A_50 = arith.constant 1 : i32
      scf.for %scan3A_86 = %scan3A_47 to %scan3A_49 step %scan3A_50  : i32 {
        %mul3A_87 = arith.constant 16 : i32
        %mul3A_88 = arith.muli %scan3A_86, %mul3A_87 : i32
        %get3A = arith.index_cast %mul3A_88 : i32 to index
        %get3A_89 = tpu.vector_load %arg14[%get3A] {strides = array<i32>} : memref<128xi32, #tpu.memory_space<vmem>>, vector<16xi32>,
        %get3A_90 = vector.shape_cast %get3A_89 : vector<16xi32> to vector<16xi32>
        %mul3A_91 = arith.constant 32 : i32
        %mul3A_92 = vector.broadcast %mul3A_91 : i32 to vector<16xi32>
        %mul3A_93 = arith.muli %get3A_90, %mul3A_92 : vector<16xi32>
        %mul3A_94 = arith.constant 16 : i32
        %mul3A_95 = arith.muli %scan3A_86, %mul3A_94 : i32
        %get3A_96 = arith.index_cast %mul3A_95 : i32 to index
        %get3A_97 = tpu.vector_load %arg15[%get3A_96] {strides = array<i32>} : memref<128xi32, #tpu.memory_space<vmem>>, vector<16xi32>,
        %get3A_98 = vector.shape_cast %get3A_97 : vector<16xi32> to vector<16xi32>
        %mul3A_99 = arith.constant 32 : i32
        %mul3A_100 = vector.broadcast %mul3A_99 : i32 to vector<16xi32>
        %mul3A_101 = arith.muli %get3A_98, %mul3A_100 : vector<16xi32>
        %mul3A_102 = arith.constant 16 : i32
        %mul3A_103 = arith.muli %scan3A_86, %mul3A_102 : i32
        %add3A_104 = arith.constant 0 : i32
        %add3A_105 = arith.addi %mul3A_103, %add3A_104 : i32
        %slice3A = vector.extract_strided_slice %mul3A_93 {offsets = [0], sizes = [1], strides = [1]} : vector<16xi32> to vector<1xi32>
        %squeeze3A = vector.extract %slice3A[0] : i32 from vector<1xi32>
        %slice3A_106 = vector.extract_strided_slice %mul3A_101 {offsets = [0], sizes = [1], strides = [1]} : vector<16xi32> to vector<1xi32>
        %squeeze3A_107 = vector.extract %slice3A_106[0] : i32 from vector<1xi32>
        %get3A_108 = arith.index_cast %squeeze3A : i32 to index
        %get3A_109 = tpu.vector_load %arg19[%get3A_108] {strides = array<i32>} : memref<16384xf32, #tpu.memory_space<vmem>>, vector<16xf32>,
        %get3A_110 = vector.shape_cast %get3A_109 : vector<16xf32> to vector<16xf32>
        %swap3A = arith.index_cast %add3A_105 : i32 to index
        %swap3A_111 = arith.constant 128 : index
        %swap3A_112 = tpu.vector_load %arg21[%swap3A, %swap3A_111] {strides = array<i32>} : memref<128x192xf32, #tpu.memory_space<vmem>>, vector<1x16xf32>,
        %swap3A_113 = vector.shape_cast %swap3A_112 : vector<1x16xf32> to vector<16xf32>
        %swap3A_114 = vector.shape_cast %get3A_110 : vector<16xf32> to vector<1x16xf32>
        tpu.vector_store %arg21[%swap3A, %swap3A_111], %swap3A_114 {strides = array<i32>} : memref<128x192xf32, #tpu.memory_space<vmem>>, vector<1x16xf32>,
        %add3A_115 = arith.constant 16 : i32
        %add3A_116 = arith.addi %squeeze3A, %add3A_115 : i32
        %get3A_117 = arith.index_cast %add3A_116 : i32 to index
        %get3A_118 = tpu.vector_load %arg19[%get3A_117] {strides = array<i32>} : memref<16384xf32, #tpu.memory_space<vmem>>, vector<16xf32>,
        %get3A_119 = vector.shape_cast %get3A_118 : vector<16xf32> to vector<16xf32>
        %swap3A_120 = arith.index_cast %add3A_105 : i32 to index
        %swap3A_121 = arith.constant 144 : index
        %swap3A_122 = tpu.vector_load %arg21[%swap3A_120, %swap3A_121] {strides = array<i32>} : memref<128x192xf32, #tpu.memory_space<vmem>>, vector<1x16xf32>,
        %swap3A_123 = vector.shape_cast %swap3A_122 : vector<1x16xf32> to vector<16xf32>
        %swap3A_124 = vector.shape_cast %get3A_119 : vector<16xf32> to vector<1x16xf32>
        tpu.vector_store %arg21[%swap3A_120, %swap3A_121], %swap3A_124 {strides = array<i32>} : memref<128x192xf32, #tpu.memory_space<vmem>>, vector<1x16xf32>,
        %get3A_125 = arith.index_cast %squeeze3A_107 : i32 to index
        %get3A_126 = tpu.vector_load %arg20[%get3A_125] {strides = array<i32>} : memref<16384xf32, #tpu.memory_space<vmem>>, vector<16xf32>,
        %get3A_127 = vector.shape_cast %get3A_126 : vector<16xf32> to vector<16xf32>
        %swap3A_128 = arith.index_cast %add3A_105 : i32 to index
        %swap3A_129 = arith.constant 160 : index
        %swap3A_130 = tpu.vector_load %arg21[%swap3A_128, %swap3A_129] {strides = array<i32>} : memref<128x192xf32, #tpu.memory_space<vmem>>, vector<1x16xf32>,
        %swap3A_131 = vector.shape_cast %swap3A_130 : vector<1x16xf32> to vector<16xf32>
        %swap3A_132 = vector.shape_cast %get3A_127 : vector<16xf32> to vector<1x16xf32>
        tpu.vector_store %arg21[%swap3A_128, %swap3A_129], %swap3A_132 {strides = array<i32>} : memref<128x192xf32, #tpu.memory_space<vmem>>, vector<1x16xf32>,
        %add3A_133 = arith.constant 16 : i32
        %add3A_134 = arith.addi %squeeze3A_107, %add3A_133 : i32
        %get3A_135 = arith.index_cast %add3A_134 : i32 to index
        %get3A_136 = tpu.vector_load %arg20[%get3A_135] {strides = array<i32>} : memref<16384xf32, #tpu.memory_space<vmem>>, vector<16xf32>,
        %get3A_137 = vector.shape_cast %get3A_136 : vector<16xf32> to vector<16xf32>
        %swap3A_138 = arith.index_cast %add3A_105 : i32 to index
        %swap3A_139 = arith.constant 176 : index
        %swap3A_140 = tpu.vector_load %arg21[%swap3A_138, %swap3A_139] {strides = array<i32>} : memref<128x192xf32, #tpu.memory_space<vmem>>, vector<1x16xf32>,
        %swap3A_141 = vector.shape_cast %swap3A_140 : vector<1x16xf32> to vector<16xf32>
        %swap3A_142 = vector.shape_cast %get3A_137 : vector<16xf32> to vector<1x16xf32>
        tpu.vector_store %arg21[%swap3A_138, %swap3A_139], %swap3A_142 {strides = array<i32>} : memref<128x192xf32, #tpu.memory_space<vmem>>, vector<1x16xf32>,
        %mul3A_143 = arith.constant 16 : i32
        %mul3A_144 = arith.muli %scan3A_86, %mul3A_143 : i32
        %add3A_145 = arith.constant 1 : i32
        %add3A_146 = arith.addi %mul3A_144, %add3A_145 : i32
        %slice3A_147 = vector.extract_strided_slice %mul3A_93 {offsets = [1], sizes = [1], strides = [1]} : vector<16xi32> to vector<1xi32>
        %squeeze3A_148 = vector.extract %slice3A_147[0] : i32 from vector<1xi32>
        %slice3A_149 = vector.extract_strided_slice %mul3A_101 {offsets = [1], sizes = [1], strides = [1]} : vector<16xi32> to vector<1xi32>
        %squeeze3A_150 = vector.extract %slice3A_149[0] : i32 from vector<1xi32>
        %get3A_151 = arith.index_cast %squeeze3A_148 : i32 to index
        %get3A_152 = tpu.vector_load %arg19[%get3A_151] {strides = array<i32>} : memref<16384xf32, #tpu.memory_space<vmem>>, vector<16xf32>,
        %get3A_153 = vector.shape_cast %get3A_152 : vector<16xf32> to vector<16xf32>
        %swap3A_154 = arith.index_cast %add3A_146 : i32 to index
        %swap3A_155 = arith.constant 128 : index
        %swap3A_156 = tpu.vector_load %arg21[%swap3A_154, %swap3A_155] {strides = array<i32>} : memref<128x192xf32, #tpu.memory_space<vmem>>, vector<1x16xf32>,
        %swap3A_157 = vector.shape_cast %swap3A_156 : vector<1x16xf32> to vector<16xf32>
        %swap3A_158 = vector.shape_cast %get3A_153 : vector<16xf32> to vector<1x16xf32>
        tpu.vector_store %arg21[%swap3A_154, %swap3A_155], %swap3A_158 {strides = array<i32>} : memref<128x192xf32, #tpu.memory_space<vmem>>, vector<1x16xf32>,
        %add3A_159 = arith.constant 16 : i32
        %add3A_160 = arith.addi %squeeze3A_148, %add3A_159 : i32
        %get3A_161 = arith.index_cast %add3A_160 : i32 to index
        %get3A_162 = tpu.vector_load %arg19[%get3A_161] {strides = array<i32>} : memref<16384xf32, #tpu.memory_space<vmem>>, vector<16xf32>,
        %get3A_163 = vector.shape_cast %get3A_162 : vector<16xf32> to vector<16xf32>
        %swap3A_164 = arith.index_cast %add3A_146 : i32 to index
        %swap3A_165 = arith.constant 144 : index
        %swap3A_166 = tpu.vector_load %arg21[%swap3A_164, %swap3A_165] {strides = array<i32>} : memref<128x192xf32, #tpu.memory_space<vmem>>, vector<1x16xf32>,
        %swap3A_167 = vector.shape_cast %swap3A_166 : vector<1x16xf32> to vector<16xf32>
        %swap3A_168 = vector.shape_cast %get3A_163 : vector<16xf32> to vector<1x16xf32>
        tpu.vector_store %arg21[%swap3A_164, %swap3A_165], %swap3A_168 {strides = array<i32>} : memref<128x192xf32, #tpu.memory_space<vmem>>, vector<1x16xf32>,
        %get3A_169 = arith.index_cast %squeeze3A_150 : i32 to index
        %get3A_170 = tpu.vector_load %arg20[%get3A_169] {strides = array<i32>} : memref<16384xf32, #tpu.memory_space<vmem>>, vector<16xf32>,
        %get3A_171 = vector.shape_cast %get3A_170 : vector<16xf32> to vector<16xf32>
        %swap3A_172 = arith.index_cast %add3A_146 : i32 to index
        %swap3A_173 = arith.constant 160 : index
        %swap3A_174 = tpu.vector_load %arg21[%swap3A_172, %swap3A_173] {strides = array<i32>} : memref<128x192xf32, #tpu.memory_space<vmem>>, vector<1x16xf32>,
        %swap3A_175 = vector.shape_cast %swap3A_174 : vector<1x16xf32> to vector<16xf32>
        %swap3A_176 = vector.shape_cast %get3A_171 : vector<16xf32> to vector<1x16xf32>
        tpu.vector_store %arg21[%swap3A_172, %swap3A_173], %swap3A_176 {strides = array<i32>} : memref<128x192xf32, #tpu.memory_space<vmem>>, vector<1x16xf32>,
        %add3A_177 = arith.constant 16 : i32
        %add3A_178 = arith.addi %squeeze3A_150, %add3A_177 : i32
        %get3A_179 = arith.index_cast %add3A_178 : i32 to index
        %get3A_180 = tpu.vector_load %arg20[%get3A_179] {strides = array<i32>} : memref<16384xf32, #tpu.memory_space<vmem>>, vector<16xf32>,
        %get3A_181 = vector.shape_cast %get3A_180 : vector<16xf32> to vector<16xf32>
        %swap3A_182 = arith.index_cast %add3A_146 : i32 to index
        %swap3A_183 = arith.constant 176 : index
        %swap3A_184 = tpu.vector_load %arg21[%swap3A_182, %swap3A_183] {strides = array<i32>} : memref<128x192xf32, #tpu.memory_space<vmem>>, vector<1x16xf32>,
        %swap3A_185 = vector.shape_cast %swap3A_184 : vector<1x16xf32> to vector<16xf32>
        %swap3A_186 = vector.shape_cast %get3A_181 : vector<16xf32> to vector<1x16xf32>
        tpu.vector_store %arg21[%swap3A_182, %swap3A_183], %swap3A_186 {strides = array<i32>} : memref<128x192xf32, #tpu.memory_space<vmem>>, vector<1x16xf32>,
        %mul3A_187 = arith.constant 16 : i32
        %mul3A_188 = arith.muli %scan3A_86, %mul3A_187 : i32
        %add3A_189 = arith.constant 2 : i32
        %add3A_190 = arith.addi %mul3A_188, %add3A_189 : i32
        %slice3A_191 = vector.extract_strided_slice %mul3A_93 {offsets = [2], sizes = [1], strides = [1]} : vector<16xi32> to vector<1xi32>
        %squeeze3A_192 = vector.extract %slice3A_191[0] : i32 from vector<1xi32>
        %slice3A_193 = vector.extract_strided_slice %mul3A_101 {offsets = [2], sizes = [1], strides = [1]} : vector<16xi32> to vector<1xi32>
        %squeeze3A_194 = vector.extract %slice3A_193[0] : i32 from vector<1xi32>
        %get3A_195 = arith.index_cast %squeeze3A_192 : i32 to index
        %get3A_196 = tpu.vector_load %arg19[%get3A_195] {strides = array<i32>} : memref<16384xf32, #tpu.memory_space<vmem>>, vector<16xf32>,
        %get3A_197 = vector.shape_cast %get3A_196 : vector<16xf32> to vector<16xf32>
        %swap3A_198 = arith.index_cast %add3A_190 : i32 to index
        %swap3A_199 = arith.constant 128 : index
        %swap3A_200 = tpu.vector_load %arg21[%swap3A_198, %swap3A_199] {strides = array<i32>} : memref<128x192xf32, #tpu.memory_space<vmem>>, vector<1x16xf32>,
        %swap3A_201 = vector.shape_cast %swap3A_200 : vector<1x16xf32> to vector<16xf32>
        %swap3A_202 = vector.shape_cast %get3A_197 : vector<16xf32> to vector<1x16xf32>
        tpu.vector_store %arg21[%swap3A_198, %swap3A_199], %swap3A_202 {strides = array<i32>} : memref<128x192xf32, #tpu.memory_space<vmem>>, vector<1x16xf32>,
        %add3A_203 = arith.constant 16 : i32
        %add3A_204 = arith.addi %squeeze3A_192, %add3A_203 : i32
        %get3A_205 = arith.index_cast %add3A_204 : i32 to index
        %get3A_206 = tpu.vector_load %arg19[%get3A_205] {strides = array<i32>} : memref<16384xf32, #tpu.memory_space<vmem>>, vector<16xf32>,
        %get3A_207 = vector.shape_cast %get3A_206 : vector<16xf32> to vector<16xf32>
        %swap3A_208 = arith.index_cast %add3A_190 : i32 to index
        %swap3A_209 = arith.constant 144 : index
        %swap3A_210 = tpu.vector_load %arg21[%swap3A_208, %swap3A_209] {strides = array<i32>} : memref<128x192xf32, #tpu.memory_space<vmem>>, vector<1x16xf32>,
        %swap3A_211 = vector.shape_cast %swap3A_210 : vector<1x16xf32> to vector<16xf32>
        %swap3A_212 = vector.shape_cast %get3A_207 : vector<16xf32> to vector<1x16xf32>
        tpu.vector_store %arg21[%swap3A_208, %swap3A_209], %swap3A_212 {strides = array<i32>} : memref<128x192xf32, #tpu.memory_space<vmem>>, vector<1x16xf32>,
        %get3A_213 = arith.index_cast %squeeze3A_194 : i32 to index
        %get3A_214 = tpu.vector_load %arg20[%get3A_213] {strides = array<i32>} : memref<16384xf32, #tpu.memory_space<vmem>>, vector<16xf32>,
        %get3A_215 = vector.shape_cast %get3A_214 : vector<16xf32> to vector<16xf32>
        %swap3A_216 = arith.index_cast %add3A_190 : i32 to index
        %swap3A_217 = arith.constant 160 : index
        %swap3A_218 = tpu.vector_load %arg21[%swap3A_216, %swap3A_217] {strides = array<i32>} : memref<128x192xf32, #tpu.memory_space<vmem>>, vector<1x16xf32>,
        %swap3A_219 = vector.shape_cast %swap3A_218 : vector<1x16xf32> to vector<16xf32>
        %swap3A_220 = vector.shape_cast %get3A_215 : vector<16xf32> to vector<1x16xf32>
        tpu.vector_store %arg21[%swap3A_216, %swap3A_217], %swap3A_220 {strides = array<i32>} : memref<128x192xf32, #tpu.memory_space<vmem>>, vector<1x16xf32>,
        %add3A_221 = arith.constant 16 : i32
        %add3A_222 = arith.addi %squeeze3A_194, %add3A_221 : i32
        %get3A_223 = arith.index_cast %add3A_222 : i32 to index
        %get3A_224 = tpu.vector_load %arg20[%get3A_223] {strides = array<i32>} : memref<16384xf32, #tpu.memory_space<vmem>>, vector<16xf32>,
        %get3A_225 = vector.shape_cast %get3A_224 : vector<16xf32> to vector<16xf32>
        %swap3A_226 = arith.index_cast %add3A_190 : i32 to index
        %swap3A_227 = arith.constant 176 : index
        %swap3A_228 = tpu.vector_load %arg21[%swap3A_226, %swap3A_227] {strides = array<i32>} : memref<128x192xf32, #tpu.memory_space<vmem>>, vector<1x16xf32>,
        %swap3A_229 = vector.shape_cast %swap3A_228 : vector<1x16xf32> to vector<16xf32>
        %swap3A_230 = vector.shape_cast %get3A_225 : vector<16xf32> to vector<1x16xf32>
        tpu.vector_store %arg21[%swap3A_226, %swap3A_227], %swap3A_230 {strides = array<i32>} : memref<128x192xf32, #tpu.memory_space<vmem>>, vector<1x16xf32>,
        %mul3A_231 = arith.constant 16 : i32
        %mul3A_232 = arith.muli %scan3A_86, %mul3A_231 : i32
        %add3A_233 = arith.constant 3 : i32
        %add3A_234 = arith.addi %mul3A_232, %add3A_233 : i32
        %slice3A_235 = vector.extract_strided_slice %mul3A_93 {offsets = [3], sizes = [1], strides = [1]} : vector<16xi32> to vector<1xi32>
        %squeeze3A_236 = vector.extract %slice3A_235[0] : i32 from vector<1xi32>
        %slice3A_237 = vector.extract_strided_slice %mul3A_101 {offsets = [3], sizes = [1], strides = [1]} : vector<16xi32> to vector<1xi32>
        %squeeze3A_238 = vector.extract %slice3A_237[0] : i32 from vector<1xi32>
        %get3A_239 = arith.index_cast %squeeze3A_236 : i32 to index
        %get3A_240 = tpu.vector_load %arg19[%get3A_239] {strides = array<i32>} : memref<16384xf32, #tpu.memory_space<vmem>>, vector<16xf32>,
        %get3A_241 = vector.shape_cast %get3A_240 : vector<16xf32> to vector<16xf32>
        %swap3A_242 = arith.index_cast %add3A_234 : i32 to index
        %swap3A_243 = arith.constant 128 : index
        %swap3A_244 = tpu.vector_load %arg21[%swap3A_242, %swap3A_243] {strides = array<i32>} : memref<128x192xf32, #tpu.memory_space<vmem>>, vector<1x16xf32>,
        %swap3A_245 = vector.shape_cast %swap3A_244 : vector<1x16xf32> to vector<16xf32>
        %swap3A_246 = vector.shape_cast %get3A_241 : vector<16xf32> to vector<1x16xf32>
        tpu.vector_store %arg21[%swap3A_242, %swap3A_243], %swap3A_246 {strides = array<i32>} : memref<128x192xf32, #tpu.memory_space<vmem>>, vector<1x16xf32>,
        %add3A_247 = arith.constant 16 : i32
        %add3A_248 = arith.addi %squeeze3A_236, %add3A_247 : i32
        %get3A_249 = arith.index_cast %add3A_248 : i32 to index
        %get3A_250 = tpu.vector_load %arg19[%get3A_249] {strides = array<i32>} : memref<16384xf32, #tpu.memory_space<vmem>>, vector<16xf32>,
        %get3A_251 = vector.shape_cast %get3A_250 : vector<16xf32> to vector<16xf32>
        %swap3A_252 = arith.index_cast %add3A_234 : i32 to index
        %swap3A_253 = arith.constant 144 : index
        %swap3A_254 = tpu.vector_load %arg21[%swap3A_252, %swap3A_253] {strides = array<i32>} : memref<128x192xf32, #tpu.memory_space<vmem>>, vector<1x16xf32>,
        %swap3A_255 = vector.shape_cast %swap3A_254 : vector<1x16xf32> to vector<16xf32>
        %swap3A_256 = vector.shape_cast %get3A_251 : vector<16xf32> to vector<1x16xf32>
        tpu.vector_store %arg21[%swap3A_252, %swap3A_253], %swap3A_256 {strides = array<i32>} : memref<128x192xf32, #tpu.memory_space<vmem>>, vector<1x16xf32>,
        %get3A_257 = arith.index_cast %squeeze3A_238 : i32 to index
        %get3A_258 = tpu.vector_load %arg20[%get3A_257] {strides = array<i32>} : memref<16384xf32, #tpu.memory_space<vmem>>, vector<16xf32>,
        %get3A_259 = vector.shape_cast %get3A_258 : vector<16xf32> to vector<16xf32>
        %swap3A_260 = arith.index_cast %add3A_234 : i32 to index
        %swap3A_261 = arith.constant 160 : index
        %swap3A_262 = tpu.vector_load %arg21[%swap3A_260, %swap3A_261] {strides = array<i32>} : memref<128x192xf32, #tpu.memory_space<vmem>>, vector<1x16xf32>,
        %swap3A_263 = vector.shape_cast %swap3A_262 : vector<1x16xf32> to vector<16xf32>
        %swap3A_264 = vector.shape_cast %get3A_259 : vector<16xf32> to vector<1x16xf32>
        tpu.vector_store %arg21[%swap3A_260, %swap3A_261], %swap3A_264 {strides = array<i32>} : memref<128x192xf32, #tpu.memory_space<vmem>>, vector<1x16xf32>,
        %add3A_265 = arith.constant 16 : i32
        %add3A_266 = arith.addi %squeeze3A_238, %add3A_265 : i32
        %get3A_267 = arith.index_cast %add3A_266 : i32 to index
        %get3A_268 = tpu.vector_load %arg20[%get3A_267] {strides = array<i32>} : memref<16384xf32, #tpu.memory_space<vmem>>, vector<16xf32>,
        %get3A_269 = vector.shape_cast %get3A_268 : vector<16xf32> to vector<16xf32>
        %swap3A_270 = arith.index_cast %add3A_234 : i32 to index
        %swap3A_271 = arith.constant 176 : index
        %swap3A_272 = tpu.vector_load %arg21[%swap3A_270, %swap3A_271] {strides = array<i32>} : memref<128x192xf32, #tpu.memory_space<vmem>>, vector<1x16xf32>,
        %swap3A_273 = vector.shape_cast %swap3A_272 : vector<1x16xf32> to vector<16xf32>
        %swap3A_274 = vector.shape_cast %get3A_269 : vector<16xf32> to vector<1x16xf32>
        tpu.vector_store %arg21[%swap3A_270, %swap3A_271], %swap3A_274 {strides = array<i32>} : memref<128x192xf32, #tpu.memory_space<vmem>>, vector<1x16xf32>,
        %mul3A_275 = arith.constant 16 : i32
        %mul3A_276 = arith.muli %scan3A_86, %mul3A_275 : i32
        %add3A_277 = arith.constant 4 : i32
        %add3A_278 = arith.addi %mul3A_276, %add3A_277 : i32
        %slice3A_279 = vector.extract_strided_slice %mul3A_93 {offsets = [4], sizes = [1], strides = [1]} : vector<16xi32> to vector<1xi32>
        %squeeze3A_280 = vector.extract %slice3A_279[0] : i32 from vector<1xi32>
        %slice3A_281 = vector.extract_strided_slice %mul3A_101 {offsets = [4], sizes = [1], strides = [1]} : vector<16xi32> to vector<1xi32>
        %squeeze3A_282 = vector.extract %slice3A_281[0] : i32 from vector<1xi32>
        %get3A_283 = arith.index_cast %squeeze3A_280 : i32 to index
        %get3A_284 = tpu.vector_load %arg19[%get3A_283] {strides = array<i32>} : memref<16384xf32, #tpu.memory_space<vmem>>, vector<16xf32>,
        %get3A_285 = vector.shape_cast %get3A_284 : vector<16xf32> to vector<16xf32>
        %swap3A_286 = arith.index_cast %add3A_278 : i32 to index
        %swap3A_287 = arith.constant 128 : index
        %swap3A_288 = tpu.vector_load %arg21[%swap3A_286, %swap3A_287] {strides = array<i32>} : memref<128x192xf32, #tpu.memory_space<vmem>>, vector<1x16xf32>,
        %swap3A_289 = vector.shape_cast %swap3A_288 : vector<1x16xf32> to vector<16xf32>
        %swap3A_290 = vector.shape_cast %get3A_285 : vector<16xf32> to vector<1x16xf32>
        tpu.vector_store %arg21[%swap3A_286, %swap3A_287], %swap3A_290 {strides = array<i32>} : memref<128x192xf32, #tpu.memory_space<vmem>>, vector<1x16xf32>,
        %add3A_291 = arith.constant 16 : i32
        %add3A_292 = arith.addi %squeeze3A_280, %add3A_291 : i32
        %get3A_293 = arith.index_cast %add3A_292 : i32 to index
        %get3A_294 = tpu.vector_load %arg19[%get3A_293] {strides = array<i32>} : memref<16384xf32, #tpu.memory_space<vmem>>, vector<16xf32>,
        %get3A_295 = vector.shape_cast %get3A_294 : vector<16xf32> to vector<16xf32>
        %swap3A_296 = arith.index_cast %add3A_278 : i32 to index
        %swap3A_297 = arith.constant 144 : index
        %swap3A_298 = tpu.vector_load %arg21[%swap3A_296, %swap3A_297] {strides = array<i32>} : memref<128x192xf32, #tpu.memory_space<vmem>>, vector<1x16xf32>,
        %swap3A_299 = vector.shape_cast %swap3A_298 : vector<1x16xf32> to vector<16xf32>
        %swap3A_300 = vector.shape_cast %get3A_295 : vector<16xf32> to vector<1x16xf32>
        tpu.vector_store %arg21[%swap3A_296, %swap3A_297], %swap3A_300 {strides = array<i32>} : memref<128x192xf32, #tpu.memory_space<vmem>>, vector<1x16xf32>,
        %get3A_301 = arith.index_cast %squeeze3A_282 : i32 to index
        %get3A_302 = tpu.vector_load %arg20[%get3A_301] {strides = array<i32>} : memref<16384xf32, #tpu.memory_space<vmem>>, vector<16xf32>,
        %get3A_303 = vector.shape_cast %get3A_302 : vector<16xf32> to vector<16xf32>
        %swap3A_304 = arith.index_cast %add3A_278 : i32 to index
        %swap3A_305 = arith.constant 160 : index
        %swap3A_306 = tpu.vector_load %arg21[%swap3A_304, %swap3A_305] {strides = array<i32>} : memref<128x192xf32, #tpu.memory_space<vmem>>, vector<1x16xf32>,
        %swap3A_307 = vector.shape_cast %swap3A_306 : vector<1x16xf32> to vector<16xf32>
        %swap3A_308 = vector.shape_cast %get3A_303 : vector<16xf32> to vector<1x16xf32>
        tpu.vector_store %arg21[%swap3A_304, %swap3A_305], %swap3A_308 {strides = array<i32>} : memref<128x192xf32, #tpu.memory_space<vmem>>, vector<1x16xf32>,
        %add3A_309 = arith.constant 16 : i32
        %add3A_310 = arith.addi %squeeze3A_282, %add3A_309 : i32
        %get3A_311 = arith.index_cast %add3A_310 : i32 to index
        %get3A_312 = tpu.vector_load %arg20[%get3A_311] {strides = array<i32>} : memref<16384xf32, #tpu.memory_space<vmem>>, vector<16xf32>,
        %get3A_313 = vector.shape_cast %get3A_312 : vector<16xf32> to vector<16xf32>
        %swap3A_314 = arith.index_cast %add3A_278 : i32 to index
        %swap3A_315 = arith.constant 176 : index
        %swap3A_316 = tpu.vector_load %arg21[%swap3A_314, %swap3A_315] {strides = array<i32>} : memref<128x192xf32, #tpu.memory_space<vmem>>, vector<1x16xf32>,
        %swap3A_317 = vector.shape_cast %swap3A_316 : vector<1x16xf32> to vector<16xf32>
        %swap3A_318 = vector.shape_cast %get3A_313 : vector<16xf32> to vector<1x16xf32>
        tpu.vector_store %arg21[%swap3A_314, %swap3A_315], %swap3A_318 {strides = array<i32>} : memref<128x192xf32, #tpu.memory_space<vmem>>, vector<1x16xf32>,
        %mul3A_319 = arith.constant 16 : i32
        %mul3A_320 = arith.muli %scan3A_86, %mul3A_319 : i32
        %add3A_321 = arith.constant 5 : i32
        %add3A_322 = arith.addi %mul3A_320, %add3A_321 : i32
        %slice3A_323 = vector.extract_strided_slice %mul3A_93 {offsets = [5], sizes = [1], strides = [1]} : vector<16xi32> to vector<1xi32>
        %squeeze3A_324 = vector.extract %slice3A_323[0] : i32 from vector<1xi32>
        %slice3A_325 = vector.extract_strided_slice %mul3A_101 {offsets = [5], sizes = [1], strides = [1]} : vector<16xi32> to vector<1xi32>
        %squeeze3A_326 = vector.extract %slice3A_325[0] : i32 from vector<1xi32>
        %get3A_327 = arith.index_cast %squeeze3A_324 : i32 to index
        %get3A_328 = tpu.vector_load %arg19[%get3A_327] {strides = array<i32>} : memref<16384xf32, #tpu.memory_space<vmem>>, vector<16xf32>,
        %get3A_329 = vector.shape_cast %get3A_328 : vector<16xf32> to vector<16xf32>
        %swap3A_330 = arith.index_cast %add3A_322 : i32 to index
        %swap3A_331 = arith.constant 128 : index
        %swap3A_332 = tpu.vector_load %arg21[%swap3A_330, %swap3A_331] {strides = array<i32>} : memref<128x192xf32, #tpu.memory_space<vmem>>, vector<1x16xf32>,
        %swap3A_333 = vector.shape_cast %swap3A_332 : vector<1x16xf32> to vector<16xf32>
        %swap3A_334 = vector.shape_cast %get3A_329 : vector<16xf32> to vector<1x16xf32>
        tpu.vector_store %arg21[%swap3A_330, %swap3A_331], %swap3A_334 {strides = array<i32>} : memref<128x192xf32, #tpu.memory_space<vmem>>, vector<1x16xf32>,
        %add3A_335 = arith.constant 16 : i32
        %add3A_336 = arith.addi %squeeze3A_324, %add3A_335 : i32
        %get3A_337 = arith.index_cast %add3A_336 : i32 to index
        %get3A_338 = tpu.vector_load %arg19[%get3A_337] {strides = array<i32>} : memref<16384xf32, #tpu.memory_space<vmem>>, vector<16xf32>,
        %get3A_339 = vector.shape_cast %get3A_338 : vector<16xf32> to vector<16xf32>
        %swap3A_340 = arith.index_cast %add3A_322 : i32 to index
        %swap3A_341 = arith.constant 144 : index
        %swap3A_342 = tpu.vector_load %arg21[%swap3A_340, %swap3A_341] {strides = array<i32>} : memref<128x192xf32, #tpu.memory_space<vmem>>, vector<1x16xf32>,
        %swap3A_343 = vector.shape_cast %swap3A_342 : vector<1x16xf32> to vector<16xf32>
        %swap3A_344 = vector.shape_cast %get3A_339 : vector<16xf32> to vector<1x16xf32>
        tpu.vector_store %arg21[%swap3A_340, %swap3A_341], %swap3A_344 {strides = array<i32>} : memref<128x192xf32, #tpu.memory_space<vmem>>, vector<1x16xf32>,
        %get3A_345 = arith.index_cast %squeeze3A_326 : i32 to index
        %get3A_346 = tpu.vector_load %arg20[%get3A_345] {strides = array<i32>} : memref<16384xf32, #tpu.memory_space<vmem>>, vector<16xf32>,
        %get3A_347 = vector.shape_cast %get3A_346 : vector<16xf32> to vector<16xf32>
        %swap3A_348 = arith.index_cast %add3A_322 : i32 to index
        %swap3A_349 = arith.constant 160 : index
        %swap3A_350 = tpu.vector_load %arg21[%swap3A_348, %swap3A_349] {strides = array<i32>} : memref<128x192xf32, #tpu.memory_space<vmem>>, vector<1x16xf32>,
        %swap3A_351 = vector.shape_cast %swap3A_350 : vector<1x16xf32> to vector<16xf32>
        %swap3A_352 = vector.shape_cast %get3A_347 : vector<16xf32> to vector<1x16xf32>
        tpu.vector_store %arg21[%swap3A_348, %swap3A_349], %swap3A_352 {strides = array<i32>} : memref<128x192xf32, #tpu.memory_space<vmem>>, vector<1x16xf32>,
        %add3A_353 = arith.constant 16 : i32
        %add3A_354 = arith.addi %squeeze3A_326, %add3A_353 : i32
        %get3A_355 = arith.index_cast %add3A_354 : i32 to index
        %get3A_356 = tpu.vector_load %arg20[%get3A_355] {strides = array<i32>} : memref<16384xf32, #tpu.memory_space<vmem>>, vector<16xf32>,
        %get3A_357 = vector.shape_cast %get3A_356 : vector<16xf32> to vector<16xf32>
        %swap3A_358 = arith.index_cast %add3A_322 : i32 to index
        %swap3A_359 = arith.constant 176 : index
        %swap3A_360 = tpu.vector_load %arg21[%swap3A_358, %swap3A_359] {strides = array<i32>} : memref<128x192xf32, #tpu.memory_space<vmem>>, vector<1x16xf32>,
        %swap3A_361 = vector.shape_cast %swap3A_360 : vector<1x16xf32> to vector<16xf32>
        %swap3A_362 = vector.shape_cast %get3A_357 : vector<16xf32> to vector<1x16xf32>
        tpu.vector_store %arg21[%swap3A_358, %swap3A_359], %swap3A_362 {strides = array<i32>} : memref<128x192xf32, #tpu.memory_space<vmem>>, vector<1x16xf32>,
        %mul3A_363 = arith.constant 16 : i32
        %mul3A_364 = arith.muli %scan3A_86, %mul3A_363 : i32
        %add3A_365 = arith.constant 6 : i32
        %add3A_366 = arith.addi %mul3A_364, %add3A_365 : i32
        %slice3A_367 = vector.extract_strided_slice %mul3A_93 {offsets = [6], sizes = [1], strides = [1]} : vector<16xi32> to vector<1xi32>
        %squeeze3A_368 = vector.extract %slice3A_367[0] : i32 from vector<1xi32>
        %slice3A_369 = vector.extract_strided_slice %mul3A_101 {offsets = [6], sizes = [1], strides = [1]} : vector<16xi32> to vector<1xi32>
        %squeeze3A_370 = vector.extract %slice3A_369[0] : i32 from vector<1xi32>
        %get3A_371 = arith.index_cast %squeeze3A_368 : i32 to index
        %get3A_372 = tpu.vector_load %arg19[%get3A_371] {strides = array<i32>} : memref<16384xf32, #tpu.memory_space<vmem>>, vector<16xf32>,
        %get3A_373 = vector.shape_cast %get3A_372 : vector<16xf32> to vector<16xf32>
        %swap3A_374 = arith.index_cast %add3A_366 : i32 to index
        %swap3A_375 = arith.constant 128 : index
        %swap3A_376 = tpu.vector_load %arg21[%swap3A_374, %swap3A_375] {strides = array<i32>} : memref<128x192xf32, #tpu.memory_space<vmem>>, vector<1x16xf32>,
        %swap3A_377 = vector.shape_cast %swap3A_376 : vector<1x16xf32> to vector<16xf32>
        %swap3A_378 = vector.shape_cast %get3A_373 : vector<16xf32> to vector<1x16xf32>
        tpu.vector_store %arg21[%swap3A_374, %swap3A_375], %swap3A_378 {strides = array<i32>} : memref<128x192xf32, #tpu.memory_space<vmem>>, vector<1x16xf32>,
        %add3A_379 = arith.constant 16 : i32
        %add3A_380 = arith.addi %squeeze3A_368, %add3A_379 : i32
        %get3A_381 = arith.index_cast %add3A_380 : i32 to index
        %get3A_382 = tpu.vector_load %arg19[%get3A_381] {strides = array<i32>} : memref<16384xf32, #tpu.memory_space<vmem>>, vector<16xf32>,
        %get3A_383 = vector.shape_cast %get3A_382 : vector<16xf32> to vector<16xf32>
        %swap3A_384 = arith.index_cast %add3A_366 : i32 to index
        %swap3A_385 = arith.constant 144 : index
        %swap3A_386 = tpu.vector_load %arg21[%swap3A_384, %swap3A_385] {strides = array<i32>} : memref<128x192xf32, #tpu.memory_space<vmem>>, vector<1x16xf32>,
        %swap3A_387 = vector.shape_cast %swap3A_386 : vector<1x16xf32> to vector<16xf32>
        %swap3A_388 = vector.shape_cast %get3A_383 : vector<16xf32> to vector<1x16xf32>
        tpu.vector_store %arg21[%swap3A_384, %swap3A_385], %swap3A_388 {strides = array<i32>} : memref<128x192xf32, #tpu.memory_space<vmem>>, vector<1x16xf32>,
        %get3A_389 = arith.index_cast %squeeze3A_370 : i32 to index
        %get3A_390 = tpu.vector_load %arg20[%get3A_389] {strides = array<i32>} : memref<16384xf32, #tpu.memory_space<vmem>>, vector<16xf32>,
        %get3A_391 = vector.shape_cast %get3A_390 : vector<16xf32> to vector<16xf32>
        %swap3A_392 = arith.index_cast %add3A_366 : i32 to index
        %swap3A_393 = arith.constant 160 : index
        %swap3A_394 = tpu.vector_load %arg21[%swap3A_392, %swap3A_393] {strides = array<i32>} : memref<128x192xf32, #tpu.memory_space<vmem>>, vector<1x16xf32>,
        %swap3A_395 = vector.shape_cast %swap3A_394 : vector<1x16xf32> to vector<16xf32>
        %swap3A_396 = vector.shape_cast %get3A_391 : vector<16xf32> to vector<1x16xf32>
        tpu.vector_store %arg21[%swap3A_392, %swap3A_393], %swap3A_396 {strides = array<i32>} : memref<128x192xf32, #tpu.memory_space<vmem>>, vector<1x16xf32>,
        %add3A_397 = arith.constant 16 : i32
        %add3A_398 = arith.addi %squeeze3A_370, %add3A_397 : i32
        %get3A_399 = arith.index_cast %add3A_398 : i32 to index
        %get3A_400 = tpu.vector_load %arg20[%get3A_399] {strides = array<i32>} : memref<16384xf32, #tpu.memory_space<vmem>>, vector<16xf32>,
        %get3A_401 = vector.shape_cast %get3A_400 : vector<16xf32> to vector<16xf32>
        %swap3A_402 = arith.index_cast %add3A_366 : i32 to index
        %swap3A_403 = arith.constant 176 : index
        %swap3A_404 = tpu.vector_load %arg21[%swap3A_402, %swap3A_403] {strides = array<i32>} : memref<128x192xf32, #tpu.memory_space<vmem>>, vector<1x16xf32>,
        %swap3A_405 = vector.shape_cast %swap3A_404 : vector<1x16xf32> to vector<16xf32>
        %swap3A_406 = vector.shape_cast %get3A_401 : vector<16xf32> to vector<1x16xf32>
        tpu.vector_store %arg21[%swap3A_402, %swap3A_403], %swap3A_406 {strides = array<i32>} : memref<128x192xf32, #tpu.memory_space<vmem>>, vector<1x16xf32>,
        %mul3A_407 = arith.constant 16 : i32
        %mul3A_408 = arith.muli %scan3A_86, %mul3A_407 : i32
        %add3A_409 = arith.constant 7 : i32
        %add3A_410 = arith.addi %mul3A_408, %add3A_409 : i32
        %slice3A_411 = vector.extract_strided_slice %mul3A_93 {offsets = [7], sizes = [1], strides = [1]} : vector<16xi32> to vector<1xi32>
        %squeeze3A_412 = vector.extract %slice3A_411[0] : i32 from vector<1xi32>
        %slice3A_413 = vector.extract_strided_slice %mul3A_101 {offsets = [7], sizes = [1], strides = [1]} : vector<16xi32> to vector<1xi32>
        %squeeze3A_414 = vector.extract %slice3A_413[0] : i32 from vector<1xi32>
        %get3A_415 = arith.index_cast %squeeze3A_412 : i32 to index
        %get3A_416 = tpu.vector_load %arg19[%get3A_415] {strides = array<i32>} : memref<16384xf32, #tpu.memory_space<vmem>>, vector<16xf32>,
        %get3A_417 = vector.shape_cast %get3A_416 : vector<16xf32> to vector<16xf32>
        %swap3A_418 = arith.index_cast %add3A_410 : i32 to index
        %swap3A_419 = arith.constant 128 : index
        %swap3A_420 = tpu.vector_load %arg21[%swap3A_418, %swap3A_419] {strides = array<i32>} : memref<128x192xf32, #tpu.memory_space<vmem>>, vector<1x16xf32>,
        %swap3A_421 = vector.shape_cast %swap3A_420 : vector<1x16xf32> to vector<16xf32>
        %swap3A_422 = vector.shape_cast %get3A_417 : vector<16xf32> to vector<1x16xf32>
        tpu.vector_store %arg21[%swap3A_418, %swap3A_419], %swap3A_422 {strides = array<i32>} : memref<128x192xf32, #tpu.memory_space<vmem>>, vector<1x16xf32>,
        %add3A_423 = arith.constant 16 : i32
        %add3A_424 = arith.addi %squeeze3A_412, %add3A_423 : i32
        %get3A_425 = arith.index_cast %add3A_424 : i32 to index
        %get3A_426 = tpu.vector_load %arg19[%get3A_425] {strides = array<i32>} : memref<16384xf32, #tpu.memory_space<vmem>>, vector<16xf32>,
        %get3A_427 = vector.shape_cast %get3A_426 : vector<16xf32> to vector<16xf32>
        %swap3A_428 = arith.index_cast %add3A_410 : i32 to index
        %swap3A_429 = arith.constant 144 : index
        %swap3A_430 = tpu.vector_load %arg21[%swap3A_428, %swap3A_429] {strides = array<i32>} : memref<128x192xf32, #tpu.memory_space<vmem>>, vector<1x16xf32>,
        %swap3A_431 = vector.shape_cast %swap3A_430 : vector<1x16xf32> to vector<16xf32>
        %swap3A_432 = vector.shape_cast %get3A_427 : vector<16xf32> to vector<1x16xf32>
        tpu.vector_store %arg21[%swap3A_428, %swap3A_429], %swap3A_432 {strides = array<i32>} : memref<128x192xf32, #tpu.memory_space<vmem>>, vector<1x16xf32>,
        %get3A_433 = arith.index_cast %squeeze3A_414 : i32 to index
        %get3A_434 = tpu.vector_load %arg20[%get3A_433] {strides = array<i32>} : memref<16384xf32, #tpu.memory_space<vmem>>, vector<16xf32>,
        %get3A_435 = vector.shape_cast %get3A_434 : vector<16xf32> to vector<16xf32>
        %swap3A_436 = arith.index_cast %add3A_410 : i32 to index
        %swap3A_437 = arith.constant 160 : index
        %swap3A_438 = tpu.vector_load %arg21[%swap3A_436, %swap3A_437] {strides = array<i32>} : memref<128x192xf32, #tpu.memory_space<vmem>>, vector<1x16xf32>,
        %swap3A_439 = vector.shape_cast %swap3A_438 : vector<1x16xf32> to vector<16xf32>
        %swap3A_440 = vector.shape_cast %get3A_435 : vector<16xf32> to vector<1x16xf32>
        tpu.vector_store %arg21[%swap3A_436, %swap3A_437], %swap3A_440 {strides = array<i32>} : memref<128x192xf32, #tpu.memory_space<vmem>>, vector<1x16xf32>,
        %add3A_441 = arith.constant 16 : i32
        %add3A_442 = arith.addi %squeeze3A_414, %add3A_441 : i32
        %get3A_443 = arith.index_cast %add3A_442 : i32 to index
        %get3A_444 = tpu.vector_load %arg20[%get3A_443] {strides = array<i32>} : memref<16384xf32, #tpu.memory_space<vmem>>, vector<16xf32>,
        %get3A_445 = vector.shape_cast %get3A_444 : vector<16xf32> to vector<16xf32>
        %swap3A_446 = arith.index_cast %add3A_410 : i32 to index
        %swap3A_447 = arith.constant 176 : index
        %swap3A_448 = tpu.vector_load %arg21[%swap3A_446, %swap3A_447] {strides = array<i32>} : memref<128x192xf32, #tpu.memory_space<vmem>>, vector<1x16xf32>,
        %swap3A_449 = vector.shape_cast %swap3A_448 : vector<1x16xf32> to vector<16xf32>
        %swap3A_450 = vector.shape_cast %get3A_445 : vector<16xf32> to vector<1x16xf32>
        tpu.vector_store %arg21[%swap3A_446, %swap3A_447], %swap3A_450 {strides = array<i32>} : memref<128x192xf32, #tpu.memory_space<vmem>>, vector<1x16xf32>,
        %mul3A_451 = arith.constant 16 : i32
        %mul3A_452 = arith.muli %scan3A_86, %mul3A_451 : i32
        %add3A_453 = arith.constant 8 : i32
        %add3A_454 = arith.addi %mul3A_452, %add3A_453 : i32
        %slice3A_455 = vector.extract_strided_slice %mul3A_93 {offsets = [8], sizes = [1], strides = [1]} : vector<16xi32> to vector<1xi32>
        %squeeze3A_456 = vector.extract %slice3A_455[0] : i32 from vector<1xi32>
        %slice3A_457 = vector.extract_strided_slice %mul3A_101 {offsets = [8], sizes = [1], strides = [1]} : vector<16xi32> to vector<1xi32>
        %squeeze3A_458 = vector.extract %slice3A_457[0] : i32 from vector<1xi32>
        %get3A_459 = arith.index_cast %squeeze3A_456 : i32 to index
        %get3A_460 = tpu.vector_load %arg19[%get3A_459] {strides = array<i32>} : memref<16384xf32, #tpu.memory_space<vmem>>, vector<16xf32>,
        %get3A_461 = vector.shape_cast %get3A_460 : vector<16xf32> to vector<16xf32>
        %swap3A_462 = arith.index_cast %add3A_454 : i32 to index
        %swap3A_463 = arith.constant 128 : index
        %swap3A_464 = tpu.vector_load %arg21[%swap3A_462, %swap3A_463] {strides = array<i32>} : memref<128x192xf32, #tpu.memory_space<vmem>>, vector<1x16xf32>,
        %swap3A_465 = vector.shape_cast %swap3A_464 : vector<1x16xf32> to vector<16xf32>
        %swap3A_466 = vector.shape_cast %get3A_461 : vector<16xf32> to vector<1x16xf32>
        tpu.vector_store %arg21[%swap3A_462, %swap3A_463], %swap3A_466 {strides = array<i32>} : memref<128x192xf32, #tpu.memory_space<vmem>>, vector<1x16xf32>,
        %add3A_467 = arith.constant 16 : i32
        %add3A_468 = arith.addi %squeeze3A_456, %add3A_467 : i32
        %get3A_469 = arith.index_cast %add3A_468 : i32 to index
        %get3A_470 = tpu.vector_load %arg19[%get3A_469] {strides = array<i32>} : memref<16384xf32, #tpu.memory_space<vmem>>, vector<16xf32>,
        %get3A_471 = vector.shape_cast %get3A_470 : vector<16xf32> to vector<16xf32>
        %swap3A_472 = arith.index_cast %add3A_454 : i32 to index
        %swap3A_473 = arith.constant 144 : index
        %swap3A_474 = tpu.vector_load %arg21[%swap3A_472, %swap3A_473] {strides = array<i32>} : memref<128x192xf32, #tpu.memory_space<vmem>>, vector<1x16xf32>,
        %swap3A_475 = vector.shape_cast %swap3A_474 : vector<1x16xf32> to vector<16xf32>
        %swap3A_476 = vector.shape_cast %get3A_471 : vector<16xf32> to vector<1x16xf32>
        tpu.vector_store %arg21[%swap3A_472, %swap3A_473], %swap3A_476 {strides = array<i32>} : memref<128x192xf32, #tpu.memory_space<vmem>>, vector<1x16xf32>,
        %get3A_477 = arith.index_cast %squeeze3A_458 : i32 to index
        %get3A_478 = tpu.vector_load %arg20[%get3A_477] {strides = array<i32>} : memref<16384xf32, #tpu.memory_space<vmem>>, vector<16xf32>,
        %get3A_479 = vector.shape_cast %get3A_478 : vector<16xf32> to vector<16xf32>
        %swap3A_480 = arith.index_cast %add3A_454 : i32 to index
        %swap3A_481 = arith.constant 160 : index
        %swap3A_482 = tpu.vector_load %arg21[%swap3A_480, %swap3A_481] {strides = array<i32>} : memref<128x192xf32, #tpu.memory_space<vmem>>, vector<1x16xf32>,
        %swap3A_483 = vector.shape_cast %swap3A_482 : vector<1x16xf32> to vector<16xf32>
        %swap3A_484 = vector.shape_cast %get3A_479 : vector<16xf32> to vector<1x16xf32>
        tpu.vector_store %arg21[%swap3A_480, %swap3A_481], %swap3A_484 {strides = array<i32>} : memref<128x192xf32, #tpu.memory_space<vmem>>, vector<1x16xf32>,
        %add3A_485 = arith.constant 16 : i32
        %add3A_486 = arith.addi %squeeze3A_458, %add3A_485 : i32
        %get3A_487 = arith.index_cast %add3A_486 : i32 to index
        %get3A_488 = tpu.vector_load %arg20[%get3A_487] {strides = array<i32>} : memref<16384xf32, #tpu.memory_space<vmem>>, vector<16xf32>,
        %get3A_489 = vector.shape_cast %get3A_488 : vector<16xf32> to vector<16xf32>
        %swap3A_490 = arith.index_cast %add3A_454 : i32 to index
        %swap3A_491 = arith.constant 176 : index
        %swap3A_492 = tpu.vector_load %arg21[%swap3A_490, %swap3A_491] {strides = array<i32>} : memref<128x192xf32, #tpu.memory_space<vmem>>, vector<1x16xf32>,
        %swap3A_493 = vector.shape_cast %swap3A_492 : vector<1x16xf32> to vector<16xf32>
        %swap3A_494 = vector.shape_cast %get3A_489 : vector<16xf32> to vector<1x16xf32>
        tpu.vector_store %arg21[%swap3A_490, %swap3A_491], %swap3A_494 {strides = array<i32>} : memref<128x192xf32, #tpu.memory_space<vmem>>, vector<1x16xf32>,
        %mul3A_495 = arith.constant 16 : i32
        %mul3A_496 = arith.muli %scan3A_86, %mul3A_495 : i32
        %add3A_497 = arith.constant 9 : i32
        %add3A_498 = arith.addi %mul3A_496, %add3A_497 : i32
        %slice3A_499 = vector.extract_strided_slice %mul3A_93 {offsets = [9], sizes = [1], strides = [1]} : vector<16xi32> to vector<1xi32>
        %squeeze3A_500 = vector.extract %slice3A_499[0] : i32 from vector<1xi32>
        %slice3A_501 = vector.extract_strided_slice %mul3A_101 {offsets = [9], sizes = [1], strides = [1]} : vector<16xi32> to vector<1xi32>
        %squeeze3A_502 = vector.extract %slice3A_501[0] : i32 from vector<1xi32>
        %get3A_503 = arith.index_cast %squeeze3A_500 : i32 to index
        %get3A_504 = tpu.vector_load %arg19[%get3A_503] {strides = array<i32>} : memref<16384xf32, #tpu.memory_space<vmem>>, vector<16xf32>,
        %get3A_505 = vector.shape_cast %get3A_504 : vector<16xf32> to vector<16xf32>
        %swap3A_506 = arith.index_cast %add3A_498 : i32 to index
        %swap3A_507 = arith.constant 128 : index
        %swap3A_508 = tpu.vector_load %arg21[%swap3A_506, %swap3A_507] {strides = array<i32>} : memref<128x192xf32, #tpu.memory_space<vmem>>, vector<1x16xf32>,
        %swap3A_509 = vector.shape_cast %swap3A_508 : vector<1x16xf32> to vector<16xf32>
        %swap3A_510 = vector.shape_cast %get3A_505 : vector<16xf32> to vector<1x16xf32>
        tpu.vector_store %arg21[%swap3A_506, %swap3A_507], %swap3A_510 {strides = array<i32>} : memref<128x192xf32, #tpu.memory_space<vmem>>, vector<1x16xf32>,
        %add3A_511 = arith.constant 16 : i32
        %add3A_512 = arith.addi %squeeze3A_500, %add3A_511 : i32
        %get3A_513 = arith.index_cast %add3A_512 : i32 to index
        %get3A_514 = tpu.vector_load %arg19[%get3A_513] {strides = array<i32>} : memref<16384xf32, #tpu.memory_space<vmem>>, vector<16xf32>,
        %get3A_515 = vector.shape_cast %get3A_514 : vector<16xf32> to vector<16xf32>
        %swap3A_516 = arith.index_cast %add3A_498 : i32 to index
        %swap3A_517 = arith.constant 144 : index
        %swap3A_518 = tpu.vector_load %arg21[%swap3A_516, %swap3A_517] {strides = array<i32>} : memref<128x192xf32, #tpu.memory_space<vmem>>, vector<1x16xf32>,
        %swap3A_519 = vector.shape_cast %swap3A_518 : vector<1x16xf32> to vector<16xf32>
        %swap3A_520 = vector.shape_cast %get3A_515 : vector<16xf32> to vector<1x16xf32>
        tpu.vector_store %arg21[%swap3A_516, %swap3A_517], %swap3A_520 {strides = array<i32>} : memref<128x192xf32, #tpu.memory_space<vmem>>, vector<1x16xf32>,
        %get3A_521 = arith.index_cast %squeeze3A_502 : i32 to index
        %get3A_522 = tpu.vector_load %arg20[%get3A_521] {strides = array<i32>} : memref<16384xf32, #tpu.memory_space<vmem>>, vector<16xf32>,
        %get3A_523 = vector.shape_cast %get3A_522 : vector<16xf32> to vector<16xf32>
        %swap3A_524 = arith.index_cast %add3A_498 : i32 to index
        %swap3A_525 = arith.constant 160 : index
        %swap3A_526 = tpu.vector_load %arg21[%swap3A_524, %swap3A_525] {strides = array<i32>} : memref<128x192xf32, #tpu.memory_space<vmem>>, vector<1x16xf32>,
        %swap3A_527 = vector.shape_cast %swap3A_526 : vector<1x16xf32> to vector<16xf32>
        %swap3A_528 = vector.shape_cast %get3A_523 : vector<16xf32> to vector<1x16xf32>
        tpu.vector_store %arg21[%swap3A_524, %swap3A_525], %swap3A_528 {strides = array<i32>} : memref<128x192xf32, #tpu.memory_space<vmem>>, vector<1x16xf32>,
        %add3A_529 = arith.constant 16 : i32
        %add3A_530 = arith.addi %squeeze3A_502, %add3A_529 : i32
        %get3A_531 = arith.index_cast %add3A_530 : i32 to index
        %get3A_532 = tpu.vector_load %arg20[%get3A_531] {strides = array<i32>} : memref<16384xf32, #tpu.memory_space<vmem>>, vector<16xf32>,
        %get3A_533 = vector.shape_cast %get3A_532 : vector<16xf32> to vector<16xf32>
        %swap3A_534 = arith.index_cast %add3A_498 : i32 to index
        %swap3A_535 = arith.constant 176 : index
        %swap3A_536 = tpu.vector_load %arg21[%swap3A_534, %swap3A_535] {strides = array<i32>} : memref<128x192xf32, #tpu.memory_space<vmem>>, vector<1x16xf32>,
        %swap3A_537 = vector.shape_cast %swap3A_536 : vector<1x16xf32> to vector<16xf32>
        %swap3A_538 = vector.shape_cast %get3A_533 : vector<16xf32> to vector<1x16xf32>
        tpu.vector_store %arg21[%swap3A_534, %swap3A_535], %swap3A_538 {strides = array<i32>} : memref<128x192xf32, #tpu.memory_space<vmem>>, vector<1x16xf32>,
        %mul3A_539 = arith.constant 16 : i32
        %mul3A_540 = arith.muli %scan3A_86, %mul3A_539 : i32
        %add3A_541 = arith.constant 10 : i32
        %add3A_542 = arith.addi %mul3A_540, %add3A_541 : i32
        %slice3A_543 = vector.extract_strided_slice %mul3A_93 {offsets = [10], sizes = [1], strides = [1]} : vector<16xi32> to vector<1xi32>
        %squeeze3A_544 = vector.extract %slice3A_543[0] : i32 from vector<1xi32>
        %slice3A_545 = vector.extract_strided_slice %mul3A_101 {offsets = [10], sizes = [1], strides = [1]} : vector<16xi32> to vector<1xi32>
        %squeeze3A_546 = vector.extract %slice3A_545[0] : i32 from vector<1xi32>
        %get3A_547 = arith.index_cast %squeeze3A_544 : i32 to index
        %get3A_548 = tpu.vector_load %arg19[%get3A_547] {strides = array<i32>} : memref<16384xf32, #tpu.memory_space<vmem>>, vector<16xf32>,
        %get3A_549 = vector.shape_cast %get3A_548 : vector<16xf32> to vector<16xf32>
        %swap3A_550 = arith.index_cast %add3A_542 : i32 to index
        %swap3A_551 = arith.constant 128 : index
        %swap3A_552 = tpu.vector_load %arg21[%swap3A_550, %swap3A_551] {strides = array<i32>} : memref<128x192xf32, #tpu.memory_space<vmem>>, vector<1x16xf32>,
        %swap3A_553 = vector.shape_cast %swap3A_552 : vector<1x16xf32> to vector<16xf32>
        %swap3A_554 = vector.shape_cast %get3A_549 : vector<16xf32> to vector<1x16xf32>
        tpu.vector_store %arg21[%swap3A_550, %swap3A_551], %swap3A_554 {strides = array<i32>} : memref<128x192xf32, #tpu.memory_space<vmem>>, vector<1x16xf32>,
        %add3A_555 = arith.constant 16 : i32
        %add3A_556 = arith.addi %squeeze3A_544, %add3A_555 : i32
        %get3A_557 = arith.index_cast %add3A_556 : i32 to index
        %get3A_558 = tpu.vector_load %arg19[%get3A_557] {strides = array<i32>} : memref<16384xf32, #tpu.memory_space<vmem>>, vector<16xf32>,
        %get3A_559 = vector.shape_cast %get3A_558 : vector<16xf32> to vector<16xf32>
        %swap3A_560 = arith.index_cast %add3A_542 : i32 to index
        %swap3A_561 = arith.constant 144 : index
        %swap3A_562 = tpu.vector_load %arg21[%swap3A_560, %swap3A_561] {strides = array<i32>} : memref<128x192xf32, #tpu.memory_space<vmem>>, vector<1x16xf32>,
        %swap3A_563 = vector.shape_cast %swap3A_562 : vector<1x16xf32> to vector<16xf32>
        %swap3A_564 = vector.shape_cast %get3A_559 : vector<16xf32> to vector<1x16xf32>
        tpu.vector_store %arg21[%swap3A_560, %swap3A_561], %swap3A_564 {strides = array<i32>} : memref<128x192xf32, #tpu.memory_space<vmem>>, vector<1x16xf32>,
        %get3A_565 = arith.index_cast %squeeze3A_546 : i32 to index
        %get3A_566 = tpu.vector_load %arg20[%get3A_565] {strides = array<i32>} : memref<16384xf32, #tpu.memory_space<vmem>>, vector<16xf32>,
        %get3A_567 = vector.shape_cast %get3A_566 : vector<16xf32> to vector<16xf32>
        %swap3A_568 = arith.index_cast %add3A_542 : i32 to index
        %swap3A_569 = arith.constant 160 : index
        %swap3A_570 = tpu.vector_load %arg21[%swap3A_568, %swap3A_569] {strides = array<i32>} : memref<128x192xf32, #tpu.memory_space<vmem>>, vector<1x16xf32>,
        %swap3A_571 = vector.shape_cast %swap3A_570 : vector<1x16xf32> to vector<16xf32>
        %swap3A_572 = vector.shape_cast %get3A_567 : vector<16xf32> to vector<1x16xf32>
        tpu.vector_store %arg21[%swap3A_568, %swap3A_569], %swap3A_572 {strides = array<i32>} : memref<128x192xf32, #tpu.memory_space<vmem>>, vector<1x16xf32>,
        %add3A_573 = arith.constant 16 : i32
        %add3A_574 = arith.addi %squeeze3A_546, %add3A_573 : i32
        %get3A_575 = arith.index_cast %add3A_574 : i32 to index
        %get3A_576 = tpu.vector_load %arg20[%get3A_575] {strides = array<i32>} : memref<16384xf32, #tpu.memory_space<vmem>>, vector<16xf32>,
        %get3A_577 = vector.shape_cast %get3A_576 : vector<16xf32> to vector<16xf32>
        %swap3A_578 = arith.index_cast %add3A_542 : i32 to index
        %swap3A_579 = arith.constant 176 : index
        %swap3A_580 = tpu.vector_load %arg21[%swap3A_578, %swap3A_579] {strides = array<i32>} : memref<128x192xf32, #tpu.memory_space<vmem>>, vector<1x16xf32>,
        %swap3A_581 = vector.shape_cast %swap3A_580 : vector<1x16xf32> to vector<16xf32>
        %swap3A_582 = vector.shape_cast %get3A_577 : vector<16xf32> to vector<1x16xf32>
        tpu.vector_store %arg21[%swap3A_578, %swap3A_579], %swap3A_582 {strides = array<i32>} : memref<128x192xf32, #tpu.memory_space<vmem>>, vector<1x16xf32>,
        %mul3A_583 = arith.constant 16 : i32
        %mul3A_584 = arith.muli %scan3A_86, %mul3A_583 : i32
        %add3A_585 = arith.constant 11 : i32
        %add3A_586 = arith.addi %mul3A_584, %add3A_585 : i32
        %slice3A_587 = vector.extract_strided_slice %mul3A_93 {offsets = [11], sizes = [1], strides = [1]} : vector<16xi32> to vector<1xi32>
        %squeeze3A_588 = vector.extract %slice3A_587[0] : i32 from vector<1xi32>
        %slice3A_589 = vector.extract_strided_slice %mul3A_101 {offsets = [11], sizes = [1], strides = [1]} : vector<16xi32> to vector<1xi32>
        %squeeze3A_590 = vector.extract %slice3A_589[0] : i32 from vector<1xi32>
        %get3A_591 = arith.index_cast %squeeze3A_588 : i32 to index
        %get3A_592 = tpu.vector_load %arg19[%get3A_591] {strides = array<i32>} : memref<16384xf32, #tpu.memory_space<vmem>>, vector<16xf32>,
        %get3A_593 = vector.shape_cast %get3A_592 : vector<16xf32> to vector<16xf32>
        %swap3A_594 = arith.index_cast %add3A_586 : i32 to index
        %swap3A_595 = arith.constant 128 : index
        %swap3A_596 = tpu.vector_load %arg21[%swap3A_594, %swap3A_595] {strides = array<i32>} : memref<128x192xf32, #tpu.memory_space<vmem>>, vector<1x16xf32>,
        %swap3A_597 = vector.shape_cast %swap3A_596 : vector<1x16xf32> to vector<16xf32>
        %swap3A_598 = vector.shape_cast %get3A_593 : vector<16xf32> to vector<1x16xf32>
        tpu.vector_store %arg21[%swap3A_594, %swap3A_595], %swap3A_598 {strides = array<i32>} : memref<128x192xf32, #tpu.memory_space<vmem>>, vector<1x16xf32>,
        %add3A_599 = arith.constant 16 : i32
        %add3A_600 = arith.addi %squeeze3A_588, %add3A_599 : i32
        %get3A_601 = arith.index_cast %add3A_600 : i32 to index
        %get3A_602 = tpu.vector_load %arg19[%get3A_601] {strides = array<i32>} : memref<16384xf32, #tpu.memory_space<vmem>>, vector<16xf32>,
        %get3A_603 = vector.shape_cast %get3A_602 : vector<16xf32> to vector<16xf32>
        %swap3A_604 = arith.index_cast %add3A_586 : i32 to index
        %swap3A_605 = arith.constant 144 : index
        %swap3A_606 = tpu.vector_load %arg21[%swap3A_604, %swap3A_605] {strides = array<i32>} : memref<128x192xf32, #tpu.memory_space<vmem>>, vector<1x16xf32>,
        %swap3A_607 = vector.shape_cast %swap3A_606 : vector<1x16xf32> to vector<16xf32>
        %swap3A_608 = vector.shape_cast %get3A_603 : vector<16xf32> to vector<1x16xf32>
        tpu.vector_store %arg21[%swap3A_604, %swap3A_605], %swap3A_608 {strides = array<i32>} : memref<128x192xf32, #tpu.memory_space<vmem>>, vector<1x16xf32>,
        %get3A_609 = arith.index_cast %squeeze3A_590 : i32 to index
        %get3A_610 = tpu.vector_load %arg20[%get3A_609] {strides = array<i32>} : memref<16384xf32, #tpu.memory_space<vmem>>, vector<16xf32>,
        %get3A_611 = vector.shape_cast %get3A_610 : vector<16xf32> to vector<16xf32>
        %swap3A_612 = arith.index_cast %add3A_586 : i32 to index
        %swap3A_613 = arith.constant 160 : index
        %swap3A_614 = tpu.vector_load %arg21[%swap3A_612, %swap3A_613] {strides = array<i32>} : memref<128x192xf32, #tpu.memory_space<vmem>>, vector<1x16xf32>,
        %swap3A_615 = vector.shape_cast %swap3A_614 : vector<1x16xf32> to vector<16xf32>
        %swap3A_616 = vector.shape_cast %get3A_611 : vector<16xf32> to vector<1x16xf32>
        tpu.vector_store %arg21[%swap3A_612, %swap3A_613], %swap3A_616 {strides = array<i32>} : memref<128x192xf32, #tpu.memory_space<vmem>>, vector<1x16xf32>,
        %add3A_617 = arith.constant 16 : i32
        %add3A_618 = arith.addi %squeeze3A_590, %add3A_617 : i32
        %get3A_619 = arith.index_cast %add3A_618 : i32 to index
        %get3A_620 = tpu.vector_load %arg20[%get3A_619] {strides = array<i32>} : memref<16384xf32, #tpu.memory_space<vmem>>, vector<16xf32>,
        %get3A_621 = vector.shape_cast %get3A_620 : vector<16xf32> to vector<16xf32>
        %swap3A_622 = arith.index_cast %add3A_586 : i32 to index
        %swap3A_623 = arith.constant 176 : index
        %swap3A_624 = tpu.vector_load %arg21[%swap3A_622, %swap3A_623] {strides = array<i32>} : memref<128x192xf32, #tpu.memory_space<vmem>>, vector<1x16xf32>,
        %swap3A_625 = vector.shape_cast %swap3A_624 : vector<1x16xf32> to vector<16xf32>
        %swap3A_626 = vector.shape_cast %get3A_621 : vector<16xf32> to vector<1x16xf32>
        tpu.vector_store %arg21[%swap3A_622, %swap3A_623], %swap3A_626 {strides = array<i32>} : memref<128x192xf32, #tpu.memory_space<vmem>>, vector<1x16xf32>,
        %mul3A_627 = arith.constant 16 : i32
        %mul3A_628 = arith.muli %scan3A_86, %mul3A_627 : i32
        %add3A_629 = arith.constant 12 : i32
        %add3A_630 = arith.addi %mul3A_628, %add3A_629 : i32
        %slice3A_631 = vector.extract_strided_slice %mul3A_93 {offsets = [12], sizes = [1], strides = [1]} : vector<16xi32> to vector<1xi32>
        %squeeze3A_632 = vector.extract %slice3A_631[0] : i32 from vector<1xi32>
        %slice3A_633 = vector.extract_strided_slice %mul3A_101 {offsets = [12], sizes = [1], strides = [1]} : vector<16xi32> to vector<1xi32>
        %squeeze3A_634 = vector.extract %slice3A_633[0] : i32 from vector<1xi32>
        %get3A_635 = arith.index_cast %squeeze3A_632 : i32 to index
        %get3A_636 = tpu.vector_load %arg19[%get3A_635] {strides = array<i32>} : memref<16384xf32, #tpu.memory_space<vmem>>, vector<16xf32>,
        %get3A_637 = vector.shape_cast %get3A_636 : vector<16xf32> to vector<16xf32>
        %swap3A_638 = arith.index_cast %add3A_630 : i32 to index
        %swap3A_639 = arith.constant 128 : index
        %swap3A_640 = tpu.vector_load %arg21[%swap3A_638, %swap3A_639] {strides = array<i32>} : memref<128x192xf32, #tpu.memory_space<vmem>>, vector<1x16xf32>,
        %swap3A_641 = vector.shape_cast %swap3A_640 : vector<1x16xf32> to vector<16xf32>
        %swap3A_642 = vector.shape_cast %get3A_637 : vector<16xf32> to vector<1x16xf32>
        tpu.vector_store %arg21[%swap3A_638, %swap3A_639], %swap3A_642 {strides = array<i32>} : memref<128x192xf32, #tpu.memory_space<vmem>>, vector<1x16xf32>,
        %add3A_643 = arith.constant 16 : i32
        %add3A_644 = arith.addi %squeeze3A_632, %add3A_643 : i32
        %get3A_645 = arith.index_cast %add3A_644 : i32 to index
        %get3A_646 = tpu.vector_load %arg19[%get3A_645] {strides = array<i32>} : memref<16384xf32, #tpu.memory_space<vmem>>, vector<16xf32>,
        %get3A_647 = vector.shape_cast %get3A_646 : vector<16xf32> to vector<16xf32>
        %swap3A_648 = arith.index_cast %add3A_630 : i32 to index
        %swap3A_649 = arith.constant 144 : index
        %swap3A_650 = tpu.vector_load %arg21[%swap3A_648, %swap3A_649] {strides = array<i32>} : memref<128x192xf32, #tpu.memory_space<vmem>>, vector<1x16xf32>,
        %swap3A_651 = vector.shape_cast %swap3A_650 : vector<1x16xf32> to vector<16xf32>
        %swap3A_652 = vector.shape_cast %get3A_647 : vector<16xf32> to vector<1x16xf32>
        tpu.vector_store %arg21[%swap3A_648, %swap3A_649], %swap3A_652 {strides = array<i32>} : memref<128x192xf32, #tpu.memory_space<vmem>>, vector<1x16xf32>,
        %get3A_653 = arith.index_cast %squeeze3A_634 : i32 to index
        %get3A_654 = tpu.vector_load %arg20[%get3A_653] {strides = array<i32>} : memref<16384xf32, #tpu.memory_space<vmem>>, vector<16xf32>,
        %get3A_655 = vector.shape_cast %get3A_654 : vector<16xf32> to vector<16xf32>
        %swap3A_656 = arith.index_cast %add3A_630 : i32 to index
        %swap3A_657 = arith.constant 160 : index
        %swap3A_658 = tpu.vector_load %arg21[%swap3A_656, %swap3A_657] {strides = array<i32>} : memref<128x192xf32, #tpu.memory_space<vmem>>, vector<1x16xf32>,
        %swap3A_659 = vector.shape_cast %swap3A_658 : vector<1x16xf32> to vector<16xf32>
        %swap3A_660 = vector.shape_cast %get3A_655 : vector<16xf32> to vector<1x16xf32>
        tpu.vector_store %arg21[%swap3A_656, %swap3A_657], %swap3A_660 {strides = array<i32>} : memref<128x192xf32, #tpu.memory_space<vmem>>, vector<1x16xf32>,
        %add3A_661 = arith.constant 16 : i32
        %add3A_662 = arith.addi %squeeze3A_634, %add3A_661 : i32
        %get3A_663 = arith.index_cast %add3A_662 : i32 to index
        %get3A_664 = tpu.vector_load %arg20[%get3A_663] {strides = array<i32>} : memref<16384xf32, #tpu.memory_space<vmem>>, vector<16xf32>,
        %get3A_665 = vector.shape_cast %get3A_664 : vector<16xf32> to vector<16xf32>
        %swap3A_666 = arith.index_cast %add3A_630 : i32 to index
        %swap3A_667 = arith.constant 176 : index
        %swap3A_668 = tpu.vector_load %arg21[%swap3A_666, %swap3A_667] {strides = array<i32>} : memref<128x192xf32, #tpu.memory_space<vmem>>, vector<1x16xf32>,
        %swap3A_669 = vector.shape_cast %swap3A_668 : vector<1x16xf32> to vector<16xf32>
        %swap3A_670 = vector.shape_cast %get3A_665 : vector<16xf32> to vector<1x16xf32>
        tpu.vector_store %arg21[%swap3A_666, %swap3A_667], %swap3A_670 {strides = array<i32>} : memref<128x192xf32, #tpu.memory_space<vmem>>, vector<1x16xf32>,
        %mul3A_671 = arith.constant 16 : i32
        %mul3A_672 = arith.muli %scan3A_86, %mul3A_671 : i32
        %add3A_673 = arith.constant 13 : i32
        %add3A_674 = arith.addi %mul3A_672, %add3A_673 : i32
        %slice3A_675 = vector.extract_strided_slice %mul3A_93 {offsets = [13], sizes = [1], strides = [1]} : vector<16xi32> to vector<1xi32>
        %squeeze3A_676 = vector.extract %slice3A_675[0] : i32 from vector<1xi32>
        %slice3A_677 = vector.extract_strided_slice %mul3A_101 {offsets = [13], sizes = [1], strides = [1]} : vector<16xi32> to vector<1xi32>
        %squeeze3A_678 = vector.extract %slice3A_677[0] : i32 from vector<1xi32>
        %get3A_679 = arith.index_cast %squeeze3A_676 : i32 to index
        %get3A_680 = tpu.vector_load %arg19[%get3A_679] {strides = array<i32>} : memref<16384xf32, #tpu.memory_space<vmem>>, vector<16xf32>,
        %get3A_681 = vector.shape_cast %get3A_680 : vector<16xf32> to vector<16xf32>
        %swap3A_682 = arith.index_cast %add3A_674 : i32 to index
        %swap3A_683 = arith.constant 128 : index
        %swap3A_684 = tpu.vector_load %arg21[%swap3A_682, %swap3A_683] {strides = array<i32>} : memref<128x192xf32, #tpu.memory_space<vmem>>, vector<1x16xf32>,
        %swap3A_685 = vector.shape_cast %swap3A_684 : vector<1x16xf32> to vector<16xf32>
        %swap3A_686 = vector.shape_cast %get3A_681 : vector<16xf32> to vector<1x16xf32>
        tpu.vector_store %arg21[%swap3A_682, %swap3A_683], %swap3A_686 {strides = array<i32>} : memref<128x192xf32, #tpu.memory_space<vmem>>, vector<1x16xf32>,
        %add3A_687 = arith.constant 16 : i32
        %add3A_688 = arith.addi %squeeze3A_676, %add3A_687 : i32
        %get3A_689 = arith.index_cast %add3A_688 : i32 to index
        %get3A_690 = tpu.vector_load %arg19[%get3A_689] {strides = array<i32>} : memref<16384xf32, #tpu.memory_space<vmem>>, vector<16xf32>,
        %get3A_691 = vector.shape_cast %get3A_690 : vector<16xf32> to vector<16xf32>
        %swap3A_692 = arith.index_cast %add3A_674 : i32 to index
        %swap3A_693 = arith.constant 144 : index
        %swap3A_694 = tpu.vector_load %arg21[%swap3A_692, %swap3A_693] {strides = array<i32>} : memref<128x192xf32, #tpu.memory_space<vmem>>, vector<1x16xf32>,
        %swap3A_695 = vector.shape_cast %swap3A_694 : vector<1x16xf32> to vector<16xf32>
        %swap3A_696 = vector.shape_cast %get3A_691 : vector<16xf32> to vector<1x16xf32>
        tpu.vector_store %arg21[%swap3A_692, %swap3A_693], %swap3A_696 {strides = array<i32>} : memref<128x192xf32, #tpu.memory_space<vmem>>, vector<1x16xf32>,
        %get3A_697 = arith.index_cast %squeeze3A_678 : i32 to index
        %get3A_698 = tpu.vector_load %arg20[%get3A_697] {strides = array<i32>} : memref<16384xf32, #tpu.memory_space<vmem>>, vector<16xf32>,
        %get3A_699 = vector.shape_cast %get3A_698 : vector<16xf32> to vector<16xf32>
        %swap3A_700 = arith.index_cast %add3A_674 : i32 to index
        %swap3A_701 = arith.constant 160 : index
        %swap3A_702 = tpu.vector_load %arg21[%swap3A_700, %swap3A_701] {strides = array<i32>} : memref<128x192xf32, #tpu.memory_space<vmem>>, vector<1x16xf32>,
        %swap3A_703 = vector.shape_cast %swap3A_702 : vector<1x16xf32> to vector<16xf32>
        %swap3A_704 = vector.shape_cast %get3A_699 : vector<16xf32> to vector<1x16xf32>
        tpu.vector_store %arg21[%swap3A_700, %swap3A_701], %swap3A_704 {strides = array<i32>} : memref<128x192xf32, #tpu.memory_space<vmem>>, vector<1x16xf32>,
        %add3A_705 = arith.constant 16 : i32
        %add3A_706 = arith.addi %squeeze3A_678, %add3A_705 : i32
        %get3A_707 = arith.index_cast %add3A_706 : i32 to index
        %get3A_708 = tpu.vector_load %arg20[%get3A_707] {strides = array<i32>} : memref<16384xf32, #tpu.memory_space<vmem>>, vector<16xf32>,
        %get3A_709 = vector.shape_cast %get3A_708 : vector<16xf32> to vector<16xf32>
        %swap3A_710 = arith.index_cast %add3A_674 : i32 to index
        %swap3A_711 = arith.constant 176 : index
        %swap3A_712 = tpu.vector_load %arg21[%swap3A_710, %swap3A_711] {strides = array<i32>} : memref<128x192xf32, #tpu.memory_space<vmem>>, vector<1x16xf32>,
        %swap3A_713 = vector.shape_cast %swap3A_712 : vector<1x16xf32> to vector<16xf32>
        %swap3A_714 = vector.shape_cast %get3A_709 : vector<16xf32> to vector<1x16xf32>
        tpu.vector_store %arg21[%swap3A_710, %swap3A_711], %swap3A_714 {strides = array<i32>} : memref<128x192xf32, #tpu.memory_space<vmem>>, vector<1x16xf32>,
        %mul3A_715 = arith.constant 16 : i32
        %mul3A_716 = arith.muli %scan3A_86, %mul3A_715 : i32
        %add3A_717 = arith.constant 14 : i32
        %add3A_718 = arith.addi %mul3A_716, %add3A_717 : i32
        %slice3A_719 = vector.extract_strided_slice %mul3A_93 {offsets = [14], sizes = [1], strides = [1]} : vector<16xi32> to vector<1xi32>
        %squeeze3A_720 = vector.extract %slice3A_719[0] : i32 from vector<1xi32>
        %slice3A_721 = vector.extract_strided_slice %mul3A_101 {offsets = [14], sizes = [1], strides = [1]} : vector<16xi32> to vector<1xi32>
        %squeeze3A_722 = vector.extract %slice3A_721[0] : i32 from vector<1xi32>
        %get3A_723 = arith.index_cast %squeeze3A_720 : i32 to index
        %get3A_724 = tpu.vector_load %arg19[%get3A_723] {strides = array<i32>} : memref<16384xf32, #tpu.memory_space<vmem>>, vector<16xf32>,
        %get3A_725 = vector.shape_cast %get3A_724 : vector<16xf32> to vector<16xf32>
        %swap3A_726 = arith.index_cast %add3A_718 : i32 to index
        %swap3A_727 = arith.constant 128 : index
        %swap3A_728 = tpu.vector_load %arg21[%swap3A_726, %swap3A_727] {strides = array<i32>} : memref<128x192xf32, #tpu.memory_space<vmem>>, vector<1x16xf32>,
        %swap3A_729 = vector.shape_cast %swap3A_728 : vector<1x16xf32> to vector<16xf32>
        %swap3A_730 = vector.shape_cast %get3A_725 : vector<16xf32> to vector<1x16xf32>
        tpu.vector_store %arg21[%swap3A_726, %swap3A_727], %swap3A_730 {strides = array<i32>} : memref<128x192xf32, #tpu.memory_space<vmem>>, vector<1x16xf32>,
        %add3A_731 = arith.constant 16 : i32
        %add3A_732 = arith.addi %squeeze3A_720, %add3A_731 : i32
        %get3A_733 = arith.index_cast %add3A_732 : i32 to index
        %get3A_734 = tpu.vector_load %arg19[%get3A_733] {strides = array<i32>} : memref<16384xf32, #tpu.memory_space<vmem>>, vector<16xf32>,
        %get3A_735 = vector.shape_cast %get3A_734 : vector<16xf32> to vector<16xf32>
        %swap3A_736 = arith.index_cast %add3A_718 : i32 to index
        %swap3A_737 = arith.constant 144 : index
        %swap3A_738 = tpu.vector_load %arg21[%swap3A_736, %swap3A_737] {strides = array<i32>} : memref<128x192xf32, #tpu.memory_space<vmem>>, vector<1x16xf32>,
        %swap3A_739 = vector.shape_cast %swap3A_738 : vector<1x16xf32> to vector<16xf32>
        %swap3A_740 = vector.shape_cast %get3A_735 : vector<16xf32> to vector<1x16xf32>
        tpu.vector_store %arg21[%swap3A_736, %swap3A_737], %swap3A_740 {strides = array<i32>} : memref<128x192xf32, #tpu.memory_space<vmem>>, vector<1x16xf32>,
        %get3A_741 = arith.index_cast %squeeze3A_722 : i32 to index
        %get3A_742 = tpu.vector_load %arg20[%get3A_741] {strides = array<i32>} : memref<16384xf32, #tpu.memory_space<vmem>>, vector<16xf32>,
        %get3A_743 = vector.shape_cast %get3A_742 : vector<16xf32> to vector<16xf32>
        %swap3A_744 = arith.index_cast %add3A_718 : i32 to index
        %swap3A_745 = arith.constant 160 : index
        %swap3A_746 = tpu.vector_load %arg21[%swap3A_744, %swap3A_745] {strides = array<i32>} : memref<128x192xf32, #tpu.memory_space<vmem>>, vector<1x16xf32>,
        %swap3A_747 = vector.shape_cast %swap3A_746 : vector<1x16xf32> to vector<16xf32>
        %swap3A_748 = vector.shape_cast %get3A_743 : vector<16xf32> to vector<1x16xf32>
        tpu.vector_store %arg21[%swap3A_744, %swap3A_745], %swap3A_748 {strides = array<i32>} : memref<128x192xf32, #tpu.memory_space<vmem>>, vector<1x16xf32>,
        %add3A_749 = arith.constant 16 : i32
        %add3A_750 = arith.addi %squeeze3A_722, %add3A_749 : i32
        %get3A_751 = arith.index_cast %add3A_750 : i32 to index
        %get3A_752 = tpu.vector_load %arg20[%get3A_751] {strides = array<i32>} : memref<16384xf32, #tpu.memory_space<vmem>>, vector<16xf32>,
        %get3A_753 = vector.shape_cast %get3A_752 : vector<16xf32> to vector<16xf32>
        %swap3A_754 = arith.index_cast %add3A_718 : i32 to index
        %swap3A_755 = arith.constant 176 : index
        %swap3A_756 = tpu.vector_load %arg21[%swap3A_754, %swap3A_755] {strides = array<i32>} : memref<128x192xf32, #tpu.memory_space<vmem>>, vector<1x16xf32>,
        %swap3A_757 = vector.shape_cast %swap3A_756 : vector<1x16xf32> to vector<16xf32>
        %swap3A_758 = vector.shape_cast %get3A_753 : vector<16xf32> to vector<1x16xf32>
        tpu.vector_store %arg21[%swap3A_754, %swap3A_755], %swap3A_758 {strides = array<i32>} : memref<128x192xf32, #tpu.memory_space<vmem>>, vector<1x16xf32>,
        %mul3A_759 = arith.constant 16 : i32
        %mul3A_760 = arith.muli %scan3A_86, %mul3A_759 : i32
        %add3A_761 = arith.constant 15 : i32
        %add3A_762 = arith.addi %mul3A_760, %add3A_761 : i32
        %slice3A_763 = vector.extract_strided_slice %mul3A_93 {offsets = [15], sizes = [1], strides = [1]} : vector<16xi32> to vector<1xi32>
        %squeeze3A_764 = vector.extract %slice3A_763[0] : i32 from vector<1xi32>
        %slice3A_765 = vector.extract_strided_slice %mul3A_101 {offsets = [15], sizes = [1], strides = [1]} : vector<16xi32> to vector<1xi32>
        %squeeze3A_766 = vector.extract %slice3A_765[0] : i32 from vector<1xi32>
        %get3A_767 = arith.index_cast %squeeze3A_764 : i32 to index
        %get3A_768 = tpu.vector_load %arg19[%get3A_767] {strides = array<i32>} : memref<16384xf32, #tpu.memory_space<vmem>>, vector<16xf32>,
        %get3A_769 = vector.shape_cast %get3A_768 : vector<16xf32> to vector<16xf32>
        %swap3A_770 = arith.index_cast %add3A_762 : i32 to index
        %swap3A_771 = arith.constant 128 : index
        %swap3A_772 = tpu.vector_load %arg21[%swap3A_770, %swap3A_771] {strides = array<i32>} : memref<128x192xf32, #tpu.memory_space<vmem>>, vector<1x16xf32>,
        %swap3A_773 = vector.shape_cast %swap3A_772 : vector<1x16xf32> to vector<16xf32>
        %swap3A_774 = vector.shape_cast %get3A_769 : vector<16xf32> to vector<1x16xf32>
        tpu.vector_store %arg21[%swap3A_770, %swap3A_771], %swap3A_774 {strides = array<i32>} : memref<128x192xf32, #tpu.memory_space<vmem>>, vector<1x16xf32>,
        %add3A_775 = arith.constant 16 : i32
        %add3A_776 = arith.addi %squeeze3A_764, %add3A_775 : i32
        %get3A_777 = arith.index_cast %add3A_776 : i32 to index
        %get3A_778 = tpu.vector_load %arg19[%get3A_777] {strides = array<i32>} : memref<16384xf32, #tpu.memory_space<vmem>>, vector<16xf32>,
        %get3A_779 = vector.shape_cast %get3A_778 : vector<16xf32> to vector<16xf32>
        %swap3A_780 = arith.index_cast %add3A_762 : i32 to index
        %swap3A_781 = arith.constant 144 : index
        %swap3A_782 = tpu.vector_load %arg21[%swap3A_780, %swap3A_781] {strides = array<i32>} : memref<128x192xf32, #tpu.memory_space<vmem>>, vector<1x16xf32>,
        %swap3A_783 = vector.shape_cast %swap3A_782 : vector<1x16xf32> to vector<16xf32>
        %swap3A_784 = vector.shape_cast %get3A_779 : vector<16xf32> to vector<1x16xf32>
        tpu.vector_store %arg21[%swap3A_780, %swap3A_781], %swap3A_784 {strides = array<i32>} : memref<128x192xf32, #tpu.memory_space<vmem>>, vector<1x16xf32>,
        %get3A_785 = arith.index_cast %squeeze3A_766 : i32 to index
        %get3A_786 = tpu.vector_load %arg20[%get3A_785] {strides = array<i32>} : memref<16384xf32, #tpu.memory_space<vmem>>, vector<16xf32>,
        %get3A_787 = vector.shape_cast %get3A_786 : vector<16xf32> to vector<16xf32>
        %swap3A_788 = arith.index_cast %add3A_762 : i32 to index
        %swap3A_789 = arith.constant 160 : index
        %swap3A_790 = tpu.vector_load %arg21[%swap3A_788, %swap3A_789] {strides = array<i32>} : memref<128x192xf32, #tpu.memory_space<vmem>>, vector<1x16xf32>,
        %swap3A_791 = vector.shape_cast %swap3A_790 : vector<1x16xf32> to vector<16xf32>
        %swap3A_792 = vector.shape_cast %get3A_787 : vector<16xf32> to vector<1x16xf32>
        tpu.vector_store %arg21[%swap3A_788, %swap3A_789], %swap3A_792 {strides = array<i32>} : memref<128x192xf32, #tpu.memory_space<vmem>>, vector<1x16xf32>,
        %add3A_793 = arith.constant 16 : i32
        %add3A_794 = arith.addi %squeeze3A_766, %add3A_793 : i32
        %get3A_795 = arith.index_cast %add3A_794 : i32 to index
        %get3A_796 = tpu.vector_load %arg20[%get3A_795] {strides = array<i32>} : memref<16384xf32, #tpu.memory_space<vmem>>, vector<16xf32>,
        %get3A_797 = vector.shape_cast %get3A_796 : vector<16xf32> to vector<16xf32>
        %swap3A_798 = arith.index_cast %add3A_762 : i32 to index
        %swap3A_799 = arith.constant 176 : index
        %swap3A_800 = tpu.vector_load %arg21[%swap3A_798, %swap3A_799] {strides = array<i32>} : memref<128x192xf32, #tpu.memory_space<vmem>>, vector<1x16xf32>,
        %swap3A_801 = vector.shape_cast %swap3A_800 : vector<1x16xf32> to vector<16xf32>
        %swap3A_802 = vector.shape_cast %get3A_797 : vector<16xf32> to vector<1x16xf32>
        tpu.vector_store %arg21[%swap3A_798, %swap3A_799], %swap3A_802 {strides = array<i32>} : memref<128x192xf32, #tpu.memory_space<vmem>>, vector<1x16xf32>,
      }
      %scan3A_51 = arith.constant 8 : i32
      %scan3A_52 = arith.constant 0 : i32
      %scan3A_53 = arith.constant 0 : i32
      %scan3A_54 = arith.constant 8 : i32
      %scan3A_55 = arith.addi %scan3A_53, %scan3A_54 : i32
      %scan3A_56 = arith.constant 1 : i32
      scf.for %scan3A_86 = %scan3A_53 to %scan3A_55 step %scan3A_56  : i32 {
        %mul3A_87 = arith.constant 16 : i32
        %mul3A_88 = arith.muli %scan3A_86, %mul3A_87 : i32
        %get3A = arith.index_cast %mul3A_88 : i32 to index
        %get3A_89 = tpu.vector_load %arg17[%get3A] {strides = array<i32>} : memref<128xi32, #tpu.memory_space<vmem>>, vector<16xi32>,
        %get3A_90 = vector.shape_cast %get3A_89 : vector<16xi32> to vector<16xi32>
        %mul3A_91 = arith.constant 32 : i32
        %mul3A_92 = vector.broadcast %mul3A_91 : i32 to vector<16xi32>
        %mul3A_93 = arith.muli %get3A_90, %mul3A_92 : vector<16xi32>
        %mul3A_94 = arith.constant 16 : i32
        %mul3A_95 = arith.muli %scan3A_86, %mul3A_94 : i32
        %get3A_96 = arith.index_cast %mul3A_95 : i32 to index
        %get3A_97 = tpu.vector_load %arg18[%get3A_96] {strides = array<i32>} : memref<128xi32, #tpu.memory_space<vmem>>, vector<16xi32>,
        %get3A_98 = vector.shape_cast %get3A_97 : vector<16xi32> to vector<16xi32>
        %mul3A_99 = arith.constant 32 : i32
        %mul3A_100 = vector.broadcast %mul3A_99 : i32 to vector<16xi32>
        %mul3A_101 = arith.muli %get3A_98, %mul3A_100 : vector<16xi32>
        %mul3A_102 = arith.constant 16 : i32
        %mul3A_103 = arith.muli %scan3A_86, %mul3A_102 : i32
        %add3A_104 = arith.constant 0 : i32
        %add3A_105 = arith.addi %mul3A_103, %add3A_104 : i32
        %slice3A = vector.extract_strided_slice %mul3A_93 {offsets = [0], sizes = [1], strides = [1]} : vector<16xi32> to vector<1xi32>
        %squeeze3A = vector.extract %slice3A[0] : i32 from vector<1xi32>
        %slice3A_106 = vector.extract_strided_slice %mul3A_101 {offsets = [0], sizes = [1], strides = [1]} : vector<16xi32> to vector<1xi32>
        %squeeze3A_107 = vector.extract %slice3A_106[0] : i32 from vector<1xi32>
        %get3A_108 = arith.index_cast %squeeze3A : i32 to index
        %get3A_109 = tpu.vector_load %arg19[%get3A_108] {strides = array<i32>} : memref<16384xf32, #tpu.memory_space<vmem>>, vector<16xf32>,
        %get3A_110 = vector.shape_cast %get3A_109 : vector<16xf32> to vector<16xf32>
        %swap3A = arith.index_cast %add3A_105 : i32 to index
        %swap3A_111 = arith.constant 128 : index
        %swap3A_112 = tpu.vector_load %arg22[%swap3A, %swap3A_111] {strides = array<i32>} : memref<128x192xf32, #tpu.memory_space<vmem>>, vector<1x16xf32>,
        %swap3A_113 = vector.shape_cast %swap3A_112 : vector<1x16xf32> to vector<16xf32>
        %swap3A_114 = vector.shape_cast %get3A_110 : vector<16xf32> to vector<1x16xf32>
        tpu.vector_store %arg22[%swap3A, %swap3A_111], %swap3A_114 {strides = array<i32>} : memref<128x192xf32, #tpu.memory_space<vmem>>, vector<1x16xf32>,
        %add3A_115 = arith.constant 16 : i32
        %add3A_116 = arith.addi %squeeze3A, %add3A_115 : i32
        %get3A_117 = arith.index_cast %add3A_116 : i32 to index
        %get3A_118 = tpu.vector_load %arg19[%get3A_117] {strides = array<i32>} : memref<16384xf32, #tpu.memory_space<vmem>>, vector<16xf32>,
        %get3A_119 = vector.shape_cast %get3A_118 : vector<16xf32> to vector<16xf32>
        %swap3A_120 = arith.index_cast %add3A_105 : i32 to index
        %swap3A_121 = arith.constant 144 : index
        %swap3A_122 = tpu.vector_load %arg22[%swap3A_120, %swap3A_121] {strides = array<i32>} : memref<128x192xf32, #tpu.memory_space<vmem>>, vector<1x16xf32>,
        %swap3A_123 = vector.shape_cast %swap3A_122 : vector<1x16xf32> to vector<16xf32>
        %swap3A_124 = vector.shape_cast %get3A_119 : vector<16xf32> to vector<1x16xf32>
        tpu.vector_store %arg22[%swap3A_120, %swap3A_121], %swap3A_124 {strides = array<i32>} : memref<128x192xf32, #tpu.memory_space<vmem>>, vector<1x16xf32>,
        %get3A_125 = arith.index_cast %squeeze3A_107 : i32 to index
        %get3A_126 = tpu.vector_load %arg20[%get3A_125] {strides = array<i32>} : memref<16384xf32, #tpu.memory_space<vmem>>, vector<16xf32>,
        %get3A_127 = vector.shape_cast %get3A_126 : vector<16xf32> to vector<16xf32>
        %swap3A_128 = arith.index_cast %add3A_105 : i32 to index
        %swap3A_129 = arith.constant 160 : index
        %swap3A_130 = tpu.vector_load %arg22[%swap3A_128, %swap3A_129] {strides = array<i32>} : memref<128x192xf32, #tpu.memory_space<vmem>>, vector<1x16xf32>,
        %swap3A_131 = vector.shape_cast %swap3A_130 : vector<1x16xf32> to vector<16xf32>
        %swap3A_132 = vector.shape_cast %get3A_127 : vector<16xf32> to vector<1x16xf32>
        tpu.vector_store %arg22[%swap3A_128, %swap3A_129], %swap3A_132 {strides = array<i32>} : memref<128x192xf32, #tpu.memory_space<vmem>>, vector<1x16xf32>,
        %add3A_133 = arith.constant 16 : i32
        %add3A_134 = arith.addi %squeeze3A_107, %add3A_133 : i32
        %get3A_135 = arith.index_cast %add3A_134 : i32 to index
        %get3A_136 = tpu.vector_load %arg20[%get3A_135] {strides = array<i32>} : memref<16384xf32, #tpu.memory_space<vmem>>, vector<16xf32>,
        %get3A_137 = vector.shape_cast %get3A_136 : vector<16xf32> to vector<16xf32>
        %swap3A_138 = arith.index_cast %add3A_105 : i32 to index
        %swap3A_139 = arith.constant 176 : index
        %swap3A_140 = tpu.vector_load %arg22[%swap3A_138, %swap3A_139] {strides = array<i32>} : memref<128x192xf32, #tpu.memory_space<vmem>>, vector<1x16xf32>,
        %swap3A_141 = vector.shape_cast %swap3A_140 : vector<1x16xf32> to vector<16xf32>
        %swap3A_142 = vector.shape_cast %get3A_137 : vector<16xf32> to vector<1x16xf32>
        tpu.vector_store %arg22[%swap3A_138, %swap3A_139], %swap3A_142 {strides = array<i32>} : memref<128x192xf32, #tpu.memory_space<vmem>>, vector<1x16xf32>,
        %mul3A_143 = arith.constant 16 : i32
        %mul3A_144 = arith.muli %scan3A_86, %mul3A_143 : i32
        %add3A_145 = arith.constant 1 : i32
        %add3A_146 = arith.addi %mul3A_144, %add3A_145 : i32
        %slice3A_147 = vector.extract_strided_slice %mul3A_93 {offsets = [1], sizes = [1], strides = [1]} : vector<16xi32> to vector<1xi32>
        %squeeze3A_148 = vector.extract %slice3A_147[0] : i32 from vector<1xi32>
        %slice3A_149 = vector.extract_strided_slice %mul3A_101 {offsets = [1], sizes = [1], strides = [1]} : vector<16xi32> to vector<1xi32>
        %squeeze3A_150 = vector.extract %slice3A_149[0] : i32 from vector<1xi32>
        %get3A_151 = arith.index_cast %squeeze3A_148 : i32 to index
        %get3A_152 = tpu.vector_load %arg19[%get3A_151] {strides = array<i32>} : memref<16384xf32, #tpu.memory_space<vmem>>, vector<16xf32>,
        %get3A_153 = vector.shape_cast %get3A_152 : vector<16xf32> to vector<16xf32>
        %swap3A_154 = arith.index_cast %add3A_146 : i32 to index
        %swap3A_155 = arith.constant 128 : index
        %swap3A_156 = tpu.vector_load %arg22[%swap3A_154, %swap3A_155] {strides = array<i32>} : memref<128x192xf32, #tpu.memory_space<vmem>>, vector<1x16xf32>,
        %swap3A_157 = vector.shape_cast %swap3A_156 : vector<1x16xf32> to vector<16xf32>
        %swap3A_158 = vector.shape_cast %get3A_153 : vector<16xf32> to vector<1x16xf32>
        tpu.vector_store %arg22[%swap3A_154, %swap3A_155], %swap3A_158 {strides = array<i32>} : memref<128x192xf32, #tpu.memory_space<vmem>>, vector<1x16xf32>,
        %add3A_159 = arith.constant 16 : i32
        %add3A_160 = arith.addi %squeeze3A_148, %add3A_159 : i32
        %get3A_161 = arith.index_cast %add3A_160 : i32 to index
        %get3A_162 = tpu.vector_load %arg19[%get3A_161] {strides = array<i32>} : memref<16384xf32, #tpu.memory_space<vmem>>, vector<16xf32>,
        %get3A_163 = vector.shape_cast %get3A_162 : vector<16xf32> to vector<16xf32>
        %swap3A_164 = arith.index_cast %add3A_146 : i32 to index
        %swap3A_165 = arith.constant 144 : index
        %swap3A_166 = tpu.vector_load %arg22[%swap3A_164, %swap3A_165] {strides = array<i32>} : memref<128x192xf32, #tpu.memory_space<vmem>>, vector<1x16xf32>,
        %swap3A_167 = vector.shape_cast %swap3A_166 : vector<1x16xf32> to vector<16xf32>
        %swap3A_168 = vector.shape_cast %get3A_163 : vector<16xf32> to vector<1x16xf32>
        tpu.vector_store %arg22[%swap3A_164, %swap3A_165], %swap3A_168 {strides = array<i32>} : memref<128x192xf32, #tpu.memory_space<vmem>>, vector<1x16xf32>,
        %get3A_169 = arith.index_cast %squeeze3A_150 : i32 to index
        %get3A_170 = tpu.vector_load %arg20[%get3A_169] {strides = array<i32>} : memref<16384xf32, #tpu.memory_space<vmem>>, vector<16xf32>,
        %get3A_171 = vector.shape_cast %get3A_170 : vector<16xf32> to vector<16xf32>
        %swap3A_172 = arith.index_cast %add3A_146 : i32 to index
        %swap3A_173 = arith.constant 160 : index
        %swap3A_174 = tpu.vector_load %arg22[%swap3A_172, %swap3A_173] {strides = array<i32>} : memref<128x192xf32, #tpu.memory_space<vmem>>, vector<1x16xf32>,
        %swap3A_175 = vector.shape_cast %swap3A_174 : vector<1x16xf32> to vector<16xf32>
        %swap3A_176 = vector.shape_cast %get3A_171 : vector<16xf32> to vector<1x16xf32>
        tpu.vector_store %arg22[%swap3A_172, %swap3A_173], %swap3A_176 {strides = array<i32>} : memref<128x192xf32, #tpu.memory_space<vmem>>, vector<1x16xf32>,
        %add3A_177 = arith.constant 16 : i32
        %add3A_178 = arith.addi %squeeze3A_150, %add3A_177 : i32
        %get3A_179 = arith.index_cast %add3A_178 : i32 to index
        %get3A_180 = tpu.vector_load %arg20[%get3A_179] {strides = array<i32>} : memref<16384xf32, #tpu.memory_space<vmem>>, vector<16xf32>,
        %get3A_181 = vector.shape_cast %get3A_180 : vector<16xf32> to vector<16xf32>
        %swap3A_182 = arith.index_cast %add3A_146 : i32 to index
        %swap3A_183 = arith.constant 176 : index
        %swap3A_184 = tpu.vector_load %arg22[%swap3A_182, %swap3A_183] {strides = array<i32>} : memref<128x192xf32, #tpu.memory_space<vmem>>, vector<1x16xf32>,
        %swap3A_185 = vector.shape_cast %swap3A_184 : vector<1x16xf32> to vector<16xf32>
        %swap3A_186 = vector.shape_cast %get3A_181 : vector<16xf32> to vector<1x16xf32>
        tpu.vector_store %arg22[%swap3A_182, %swap3A_183], %swap3A_186 {strides = array<i32>} : memref<128x192xf32, #tpu.memory_space<vmem>>, vector<1x16xf32>,
        %mul3A_187 = arith.constant 16 : i32
        %mul3A_188 = arith.muli %scan3A_86, %mul3A_187 : i32
        %add3A_189 = arith.constant 2 : i32
        %add3A_190 = arith.addi %mul3A_188, %add3A_189 : i32
        %slice3A_191 = vector.extract_strided_slice %mul3A_93 {offsets = [2], sizes = [1], strides = [1]} : vector<16xi32> to vector<1xi32>
        %squeeze3A_192 = vector.extract %slice3A_191[0] : i32 from vector<1xi32>
        %slice3A_193 = vector.extract_strided_slice %mul3A_101 {offsets = [2], sizes = [1], strides = [1]} : vector<16xi32> to vector<1xi32>
        %squeeze3A_194 = vector.extract %slice3A_193[0] : i32 from vector<1xi32>
        %get3A_195 = arith.index_cast %squeeze3A_192 : i32 to index
        %get3A_196 = tpu.vector_load %arg19[%get3A_195] {strides = array<i32>} : memref<16384xf32, #tpu.memory_space<vmem>>, vector<16xf32>,
        %get3A_197 = vector.shape_cast %get3A_196 : vector<16xf32> to vector<16xf32>
        %swap3A_198 = arith.index_cast %add3A_190 : i32 to index
        %swap3A_199 = arith.constant 128 : index
        %swap3A_200 = tpu.vector_load %arg22[%swap3A_198, %swap3A_199] {strides = array<i32>} : memref<128x192xf32, #tpu.memory_space<vmem>>, vector<1x16xf32>,
        %swap3A_201 = vector.shape_cast %swap3A_200 : vector<1x16xf32> to vector<16xf32>
        %swap3A_202 = vector.shape_cast %get3A_197 : vector<16xf32> to vector<1x16xf32>
        tpu.vector_store %arg22[%swap3A_198, %swap3A_199], %swap3A_202 {strides = array<i32>} : memref<128x192xf32, #tpu.memory_space<vmem>>, vector<1x16xf32>,
        %add3A_203 = arith.constant 16 : i32
        %add3A_204 = arith.addi %squeeze3A_192, %add3A_203 : i32
        %get3A_205 = arith.index_cast %add3A_204 : i32 to index
        %get3A_206 = tpu.vector_load %arg19[%get3A_205] {strides = array<i32>} : memref<16384xf32, #tpu.memory_space<vmem>>, vector<16xf32>,
        %get3A_207 = vector.shape_cast %get3A_206 : vector<16xf32> to vector<16xf32>
        %swap3A_208 = arith.index_cast %add3A_190 : i32 to index
        %swap3A_209 = arith.constant 144 : index
        %swap3A_210 = tpu.vector_load %arg22[%swap3A_208, %swap3A_209] {strides = array<i32>} : memref<128x192xf32, #tpu.memory_space<vmem>>, vector<1x16xf32>,
        %swap3A_211 = vector.shape_cast %swap3A_210 : vector<1x16xf32> to vector<16xf32>
        %swap3A_212 = vector.shape_cast %get3A_207 : vector<16xf32> to vector<1x16xf32>
        tpu.vector_store %arg22[%swap3A_208, %swap3A_209], %swap3A_212 {strides = array<i32>} : memref<128x192xf32, #tpu.memory_space<vmem>>, vector<1x16xf32>,
        %get3A_213 = arith.index_cast %squeeze3A_194 : i32 to index
        %get3A_214 = tpu.vector_load %arg20[%get3A_213] {strides = array<i32>} : memref<16384xf32, #tpu.memory_space<vmem>>, vector<16xf32>,
        %get3A_215 = vector.shape_cast %get3A_214 : vector<16xf32> to vector<16xf32>
        %swap3A_216 = arith.index_cast %add3A_190 : i32 to index
        %swap3A_217 = arith.constant 160 : index
        %swap3A_218 = tpu.vector_load %arg22[%swap3A_216, %swap3A_217] {strides = array<i32>} : memref<128x192xf32, #tpu.memory_space<vmem>>, vector<1x16xf32>,
        %swap3A_219 = vector.shape_cast %swap3A_218 : vector<1x16xf32> to vector<16xf32>
        %swap3A_220 = vector.shape_cast %get3A_215 : vector<16xf32> to vector<1x16xf32>
        tpu.vector_store %arg22[%swap3A_216, %swap3A_217], %swap3A_220 {strides = array<i32>} : memref<128x192xf32, #tpu.memory_space<vmem>>, vector<1x16xf32>,
        %add3A_221 = arith.constant 16 : i32
        %add3A_222 = arith.addi %squeeze3A_194, %add3A_221 : i32
        %get3A_223 = arith.index_cast %add3A_222 : i32 to index
        %get3A_224 = tpu.vector_load %arg20[%get3A_223] {strides = array<i32>} : memref<16384xf32, #tpu.memory_space<vmem>>, vector<16xf32>,
        %get3A_225 = vector.shape_cast %get3A_224 : vector<16xf32> to vector<16xf32>
        %swap3A_226 = arith.index_cast %add3A_190 : i32 to index
        %swap3A_227 = arith.constant 176 : index
        %swap3A_228 = tpu.vector_load %arg22[%swap3A_226, %swap3A_227] {strides = array<i32>} : memref<128x192xf32, #tpu.memory_space<vmem>>, vector<1x16xf32>,
        %swap3A_229 = vector.shape_cast %swap3A_228 : vector<1x16xf32> to vector<16xf32>
        %swap3A_230 = vector.shape_cast %get3A_225 : vector<16xf32> to vector<1x16xf32>
        tpu.vector_store %arg22[%swap3A_226, %swap3A_227], %swap3A_230 {strides = array<i32>} : memref<128x192xf32, #tpu.memory_space<vmem>>, vector<1x16xf32>,
        %mul3A_231 = arith.constant 16 : i32
        %mul3A_232 = arith.muli %scan3A_86, %mul3A_231 : i32
        %add3A_233 = arith.constant 3 : i32
        %add3A_234 = arith.addi %mul3A_232, %add3A_233 : i32
        %slice3A_235 = vector.extract_strided_slice %mul3A_93 {offsets = [3], sizes = [1], strides = [1]} : vector<16xi32> to vector<1xi32>
        %squeeze3A_236 = vector.extract %slice3A_235[0] : i32 from vector<1xi32>
        %slice3A_237 = vector.extract_strided_slice %mul3A_101 {offsets = [3], sizes = [1], strides = [1]} : vector<16xi32> to vector<1xi32>
        %squeeze3A_238 = vector.extract %slice3A_237[0] : i32 from vector<1xi32>
        %get3A_239 = arith.index_cast %squeeze3A_236 : i32 to index
        %get3A_240 = tpu.vector_load %arg19[%get3A_239] {strides = array<i32>} : memref<16384xf32, #tpu.memory_space<vmem>>, vector<16xf32>,
        %get3A_241 = vector.shape_cast %get3A_240 : vector<16xf32> to vector<16xf32>
        %swap3A_242 = arith.index_cast %add3A_234 : i32 to index
        %swap3A_243 = arith.constant 128 : index
        %swap3A_244 = tpu.vector_load %arg22[%swap3A_242, %swap3A_243] {strides = array<i32>} : memref<128x192xf32, #tpu.memory_space<vmem>>, vector<1x16xf32>,
        %swap3A_245 = vector.shape_cast %swap3A_244 : vector<1x16xf32> to vector<16xf32>
        %swap3A_246 = vector.shape_cast %get3A_241 : vector<16xf32> to vector<1x16xf32>
        tpu.vector_store %arg22[%swap3A_242, %swap3A_243], %swap3A_246 {strides = array<i32>} : memref<128x192xf32, #tpu.memory_space<vmem>>, vector<1x16xf32>,
        %add3A_247 = arith.constant 16 : i32
        %add3A_248 = arith.addi %squeeze3A_236, %add3A_247 : i32
        %get3A_249 = arith.index_cast %add3A_248 : i32 to index
        %get3A_250 = tpu.vector_load %arg19[%get3A_249] {strides = array<i32>} : memref<16384xf32, #tpu.memory_space<vmem>>, vector<16xf32>,
        %get3A_251 = vector.shape_cast %get3A_250 : vector<16xf32> to vector<16xf32>
        %swap3A_252 = arith.index_cast %add3A_234 : i32 to index
        %swap3A_253 = arith.constant 144 : index
        %swap3A_254 = tpu.vector_load %arg22[%swap3A_252, %swap3A_253] {strides = array<i32>} : memref<128x192xf32, #tpu.memory_space<vmem>>, vector<1x16xf32>,
        %swap3A_255 = vector.shape_cast %swap3A_254 : vector<1x16xf32> to vector<16xf32>
        %swap3A_256 = vector.shape_cast %get3A_251 : vector<16xf32> to vector<1x16xf32>
        tpu.vector_store %arg22[%swap3A_252, %swap3A_253], %swap3A_256 {strides = array<i32>} : memref<128x192xf32, #tpu.memory_space<vmem>>, vector<1x16xf32>,
        %get3A_257 = arith.index_cast %squeeze3A_238 : i32 to index
        %get3A_258 = tpu.vector_load %arg20[%get3A_257] {strides = array<i32>} : memref<16384xf32, #tpu.memory_space<vmem>>, vector<16xf32>,
        %get3A_259 = vector.shape_cast %get3A_258 : vector<16xf32> to vector<16xf32>
        %swap3A_260 = arith.index_cast %add3A_234 : i32 to index
        %swap3A_261 = arith.constant 160 : index
        %swap3A_262 = tpu.vector_load %arg22[%swap3A_260, %swap3A_261] {strides = array<i32>} : memref<128x192xf32, #tpu.memory_space<vmem>>, vector<1x16xf32>,
        %swap3A_263 = vector.shape_cast %swap3A_262 : vector<1x16xf32> to vector<16xf32>
        %swap3A_264 = vector.shape_cast %get3A_259 : vector<16xf32> to vector<1x16xf32>
        tpu.vector_store %arg22[%swap3A_260, %swap3A_261], %swap3A_264 {strides = array<i32>} : memref<128x192xf32, #tpu.memory_space<vmem>>, vector<1x16xf32>,
        %add3A_265 = arith.constant 16 : i32
        %add3A_266 = arith.addi %squeeze3A_238, %add3A_265 : i32
        %get3A_267 = arith.index_cast %add3A_266 : i32 to index
        %get3A_268 = tpu.vector_load %arg20[%get3A_267] {strides = array<i32>} : memref<16384xf32, #tpu.memory_space<vmem>>, vector<16xf32>,
        %get3A_269 = vector.shape_cast %get3A_268 : vector<16xf32> to vector<16xf32>
        %swap3A_270 = arith.index_cast %add3A_234 : i32 to index
        %swap3A_271 = arith.constant 176 : index
        %swap3A_272 = tpu.vector_load %arg22[%swap3A_270, %swap3A_271] {strides = array<i32>} : memref<128x192xf32, #tpu.memory_space<vmem>>, vector<1x16xf32>,
        %swap3A_273 = vector.shape_cast %swap3A_272 : vector<1x16xf32> to vector<16xf32>
        %swap3A_274 = vector.shape_cast %get3A_269 : vector<16xf32> to vector<1x16xf32>
        tpu.vector_store %arg22[%swap3A_270, %swap3A_271], %swap3A_274 {strides = array<i32>} : memref<128x192xf32, #tpu.memory_space<vmem>>, vector<1x16xf32>,
        %mul3A_275 = arith.constant 16 : i32
        %mul3A_276 = arith.muli %scan3A_86, %mul3A_275 : i32
        %add3A_277 = arith.constant 4 : i32
        %add3A_278 = arith.addi %mul3A_276, %add3A_277 : i32
        %slice3A_279 = vector.extract_strided_slice %mul3A_93 {offsets = [4], sizes = [1], strides = [1]} : vector<16xi32> to vector<1xi32>
        %squeeze3A_280 = vector.extract %slice3A_279[0] : i32 from vector<1xi32>
        %slice3A_281 = vector.extract_strided_slice %mul3A_101 {offsets = [4], sizes = [1], strides = [1]} : vector<16xi32> to vector<1xi32>
        %squeeze3A_282 = vector.extract %slice3A_281[0] : i32 from vector<1xi32>
        %get3A_283 = arith.index_cast %squeeze3A_280 : i32 to index
        %get3A_284 = tpu.vector_load %arg19[%get3A_283] {strides = array<i32>} : memref<16384xf32, #tpu.memory_space<vmem>>, vector<16xf32>,
        %get3A_285 = vector.shape_cast %get3A_284 : vector<16xf32> to vector<16xf32>
        %swap3A_286 = arith.index_cast %add3A_278 : i32 to index
        %swap3A_287 = arith.constant 128 : index
        %swap3A_288 = tpu.vector_load %arg22[%swap3A_286, %swap3A_287] {strides = array<i32>} : memref<128x192xf32, #tpu.memory_space<vmem>>, vector<1x16xf32>,
        %swap3A_289 = vector.shape_cast %swap3A_288 : vector<1x16xf32> to vector<16xf32>
        %swap3A_290 = vector.shape_cast %get3A_285 : vector<16xf32> to vector<1x16xf32>
        tpu.vector_store %arg22[%swap3A_286, %swap3A_287], %swap3A_290 {strides = array<i32>} : memref<128x192xf32, #tpu.memory_space<vmem>>, vector<1x16xf32>,
        %add3A_291 = arith.constant 16 : i32
        %add3A_292 = arith.addi %squeeze3A_280, %add3A_291 : i32
        %get3A_293 = arith.index_cast %add3A_292 : i32 to index
        %get3A_294 = tpu.vector_load %arg19[%get3A_293] {strides = array<i32>} : memref<16384xf32, #tpu.memory_space<vmem>>, vector<16xf32>,
        %get3A_295 = vector.shape_cast %get3A_294 : vector<16xf32> to vector<16xf32>
        %swap3A_296 = arith.index_cast %add3A_278 : i32 to index
        %swap3A_297 = arith.constant 144 : index
        %swap3A_298 = tpu.vector_load %arg22[%swap3A_296, %swap3A_297] {strides = array<i32>} : memref<128x192xf32, #tpu.memory_space<vmem>>, vector<1x16xf32>,
        %swap3A_299 = vector.shape_cast %swap3A_298 : vector<1x16xf32> to vector<16xf32>
        %swap3A_300 = vector.shape_cast %get3A_295 : vector<16xf32> to vector<1x16xf32>
        tpu.vector_store %arg22[%swap3A_296, %swap3A_297], %swap3A_300 {strides = array<i32>} : memref<128x192xf32, #tpu.memory_space<vmem>>, vector<1x16xf32>,
        %get3A_301 = arith.index_cast %squeeze3A_282 : i32 to index
        %get3A_302 = tpu.vector_load %arg20[%get3A_301] {strides = array<i32>} : memref<16384xf32, #tpu.memory_space<vmem>>, vector<16xf32>,
        %get3A_303 = vector.shape_cast %get3A_302 : vector<16xf32> to vector<16xf32>
        %swap3A_304 = arith.index_cast %add3A_278 : i32 to index
        %swap3A_305 = arith.constant 160 : index
        %swap3A_306 = tpu.vector_load %arg22[%swap3A_304, %swap3A_305] {strides = array<i32>} : memref<128x192xf32, #tpu.memory_space<vmem>>, vector<1x16xf32>,
        %swap3A_307 = vector.shape_cast %swap3A_306 : vector<1x16xf32> to vector<16xf32>
        %swap3A_308 = vector.shape_cast %get3A_303 : vector<16xf32> to vector<1x16xf32>
        tpu.vector_store %arg22[%swap3A_304, %swap3A_305], %swap3A_308 {strides = array<i32>} : memref<128x192xf32, #tpu.memory_space<vmem>>, vector<1x16xf32>,
        %add3A_309 = arith.constant 16 : i32
        %add3A_310 = arith.addi %squeeze3A_282, %add3A_309 : i32
        %get3A_311 = arith.index_cast %add3A_310 : i32 to index
        %get3A_312 = tpu.vector_load %arg20[%get3A_311] {strides = array<i32>} : memref<16384xf32, #tpu.memory_space<vmem>>, vector<16xf32>,
        %get3A_313 = vector.shape_cast %get3A_312 : vector<16xf32> to vector<16xf32>
        %swap3A_314 = arith.index_cast %add3A_278 : i32 to index
        %swap3A_315 = arith.constant 176 : index
        %swap3A_316 = tpu.vector_load %arg22[%swap3A_314, %swap3A_315] {strides = array<i32>} : memref<128x192xf32, #tpu.memory_space<vmem>>, vector<1x16xf32>,
        %swap3A_317 = vector.shape_cast %swap3A_316 : vector<1x16xf32> to vector<16xf32>
        %swap3A_318 = vector.shape_cast %get3A_313 : vector<16xf32> to vector<1x16xf32>
        tpu.vector_store %arg22[%swap3A_314, %swap3A_315], %swap3A_318 {strides = array<i32>} : memref<128x192xf32, #tpu.memory_space<vmem>>, vector<1x16xf32>,
        %mul3A_319 = arith.constant 16 : i32
        %mul3A_320 = arith.muli %scan3A_86, %mul3A_319 : i32
        %add3A_321 = arith.constant 5 : i32
        %add3A_322 = arith.addi %mul3A_320, %add3A_321 : i32
        %slice3A_323 = vector.extract_strided_slice %mul3A_93 {offsets = [5], sizes = [1], strides = [1]} : vector<16xi32> to vector<1xi32>
        %squeeze3A_324 = vector.extract %slice3A_323[0] : i32 from vector<1xi32>
        %slice3A_325 = vector.extract_strided_slice %mul3A_101 {offsets = [5], sizes = [1], strides = [1]} : vector<16xi32> to vector<1xi32>
        %squeeze3A_326 = vector.extract %slice3A_325[0] : i32 from vector<1xi32>
        %get3A_327 = arith.index_cast %squeeze3A_324 : i32 to index
        %get3A_328 = tpu.vector_load %arg19[%get3A_327] {strides = array<i32>} : memref<16384xf32, #tpu.memory_space<vmem>>, vector<16xf32>,
        %get3A_329 = vector.shape_cast %get3A_328 : vector<16xf32> to vector<16xf32>
        %swap3A_330 = arith.index_cast %add3A_322 : i32 to index
        %swap3A_331 = arith.constant 128 : index
        %swap3A_332 = tpu.vector_load %arg22[%swap3A_330, %swap3A_331] {strides = array<i32>} : memref<128x192xf32, #tpu.memory_space<vmem>>, vector<1x16xf32>,
        %swap3A_333 = vector.shape_cast %swap3A_332 : vector<1x16xf32> to vector<16xf32>
        %swap3A_334 = vector.shape_cast %get3A_329 : vector<16xf32> to vector<1x16xf32>
        tpu.vector_store %arg22[%swap3A_330, %swap3A_331], %swap3A_334 {strides = array<i32>} : memref<128x192xf32, #tpu.memory_space<vmem>>, vector<1x16xf32>,
        %add3A_335 = arith.constant 16 : i32
        %add3A_336 = arith.addi %squeeze3A_324, %add3A_335 : i32
        %get3A_337 = arith.index_cast %add3A_336 : i32 to index
        %get3A_338 = tpu.vector_load %arg19[%get3A_337] {strides = array<i32>} : memref<16384xf32, #tpu.memory_space<vmem>>, vector<16xf32>,
        %get3A_339 = vector.shape_cast %get3A_338 : vector<16xf32> to vector<16xf32>
        %swap3A_340 = arith.index_cast %add3A_322 : i32 to index
        %swap3A_341 = arith.constant 144 : index
        %swap3A_342 = tpu.vector_load %arg22[%swap3A_340, %swap3A_341] {strides = array<i32>} : memref<128x192xf32, #tpu.memory_space<vmem>>, vector<1x16xf32>,
        %swap3A_343 = vector.shape_cast %swap3A_342 : vector<1x16xf32> to vector<16xf32>
        %swap3A_344 = vector.shape_cast %get3A_339 : vector<16xf32> to vector<1x16xf32>
        tpu.vector_store %arg22[%swap3A_340, %swap3A_341], %swap3A_344 {strides = array<i32>} : memref<128x192xf32, #tpu.memory_space<vmem>>, vector<1x16xf32>,
        %get3A_345 = arith.index_cast %squeeze3A_326 : i32 to index
        %get3A_346 = tpu.vector_load %arg20[%get3A_345] {strides = array<i32>} : memref<16384xf32, #tpu.memory_space<vmem>>, vector<16xf32>,
        %get3A_347 = vector.shape_cast %get3A_346 : vector<16xf32> to vector<16xf32>
        %swap3A_348 = arith.index_cast %add3A_322 : i32 to index
        %swap3A_349 = arith.constant 160 : index
        %swap3A_350 = tpu.vector_load %arg22[%swap3A_348, %swap3A_349] {strides = array<i32>} : memref<128x192xf32, #tpu.memory_space<vmem>>, vector<1x16xf32>,
        %swap3A_351 = vector.shape_cast %swap3A_350 : vector<1x16xf32> to vector<16xf32>
        %swap3A_352 = vector.shape_cast %get3A_347 : vector<16xf32> to vector<1x16xf32>
        tpu.vector_store %arg22[%swap3A_348, %swap3A_349], %swap3A_352 {strides = array<i32>} : memref<128x192xf32, #tpu.memory_space<vmem>>, vector<1x16xf32>,
        %add3A_353 = arith.constant 16 : i32
        %add3A_354 = arith.addi %squeeze3A_326, %add3A_353 : i32
        %get3A_355 = arith.index_cast %add3A_354 : i32 to index
        %get3A_356 = tpu.vector_load %arg20[%get3A_355] {strides = array<i32>} : memref<16384xf32, #tpu.memory_space<vmem>>, vector<16xf32>,
        %get3A_357 = vector.shape_cast %get3A_356 : vector<16xf32> to vector<16xf32>
        %swap3A_358 = arith.index_cast %add3A_322 : i32 to index
        %swap3A_359 = arith.constant 176 : index
        %swap3A_360 = tpu.vector_load %arg22[%swap3A_358, %swap3A_359] {strides = array<i32>} : memref<128x192xf32, #tpu.memory_space<vmem>>, vector<1x16xf32>,
        %swap3A_361 = vector.shape_cast %swap3A_360 : vector<1x16xf32> to vector<16xf32>
        %swap3A_362 = vector.shape_cast %get3A_357 : vector<16xf32> to vector<1x16xf32>
        tpu.vector_store %arg22[%swap3A_358, %swap3A_359], %swap3A_362 {strides = array<i32>} : memref<128x192xf32, #tpu.memory_space<vmem>>, vector<1x16xf32>,
        %mul3A_363 = arith.constant 16 : i32
        %mul3A_364 = arith.muli %scan3A_86, %mul3A_363 : i32
        %add3A_365 = arith.constant 6 : i32
        %add3A_366 = arith.addi %mul3A_364, %add3A_365 : i32
        %slice3A_367 = vector.extract_strided_slice %mul3A_93 {offsets = [6], sizes = [1], strides = [1]} : vector<16xi32> to vector<1xi32>
        %squeeze3A_368 = vector.extract %slice3A_367[0] : i32 from vector<1xi32>
        %slice3A_369 = vector.extract_strided_slice %mul3A_101 {offsets = [6], sizes = [1], strides = [1]} : vector<16xi32> to vector<1xi32>
        %squeeze3A_370 = vector.extract %slice3A_369[0] : i32 from vector<1xi32>
        %get3A_371 = arith.index_cast %squeeze3A_368 : i32 to index
        %get3A_372 = tpu.vector_load %arg19[%get3A_371] {strides = array<i32>} : memref<16384xf32, #tpu.memory_space<vmem>>, vector<16xf32>,
        %get3A_373 = vector.shape_cast %get3A_372 : vector<16xf32> to vector<16xf32>
        %swap3A_374 = arith.index_cast %add3A_366 : i32 to index
        %swap3A_375 = arith.constant 128 : index
        %swap3A_376 = tpu.vector_load %arg22[%swap3A_374, %swap3A_375] {strides = array<i32>} : memref<128x192xf32, #tpu.memory_space<vmem>>, vector<1x16xf32>,
        %swap3A_377 = vector.shape_cast %swap3A_376 : vector<1x16xf32> to vector<16xf32>
        %swap3A_378 = vector.shape_cast %get3A_373 : vector<16xf32> to vector<1x16xf32>
        tpu.vector_store %arg22[%swap3A_374, %swap3A_375], %swap3A_378 {strides = array<i32>} : memref<128x192xf32, #tpu.memory_space<vmem>>, vector<1x16xf32>,
        %add3A_379 = arith.constant 16 : i32
        %add3A_380 = arith.addi %squeeze3A_368, %add3A_379 : i32
        %get3A_381 = arith.index_cast %add3A_380 : i32 to index
        %get3A_382 = tpu.vector_load %arg19[%get3A_381] {strides = array<i32>} : memref<16384xf32, #tpu.memory_space<vmem>>, vector<16xf32>,
        %get3A_383 = vector.shape_cast %get3A_382 : vector<16xf32> to vector<16xf32>
        %swap3A_384 = arith.index_cast %add3A_366 : i32 to index
        %swap3A_385 = arith.constant 144 : index
        %swap3A_386 = tpu.vector_load %arg22[%swap3A_384, %swap3A_385] {strides = array<i32>} : memref<128x192xf32, #tpu.memory_space<vmem>>, vector<1x16xf32>,
        %swap3A_387 = vector.shape_cast %swap3A_386 : vector<1x16xf32> to vector<16xf32>
        %swap3A_388 = vector.shape_cast %get3A_383 : vector<16xf32> to vector<1x16xf32>
        tpu.vector_store %arg22[%swap3A_384, %swap3A_385], %swap3A_388 {strides = array<i32>} : memref<128x192xf32, #tpu.memory_space<vmem>>, vector<1x16xf32>,
        %get3A_389 = arith.index_cast %squeeze3A_370 : i32 to index
        %get3A_390 = tpu.vector_load %arg20[%get3A_389] {strides = array<i32>} : memref<16384xf32, #tpu.memory_space<vmem>>, vector<16xf32>,
        %get3A_391 = vector.shape_cast %get3A_390 : vector<16xf32> to vector<16xf32>
        %swap3A_392 = arith.index_cast %add3A_366 : i32 to index
        %swap3A_393 = arith.constant 160 : index
        %swap3A_394 = tpu.vector_load %arg22[%swap3A_392, %swap3A_393] {strides = array<i32>} : memref<128x192xf32, #tpu.memory_space<vmem>>, vector<1x16xf32>,
        %swap3A_395 = vector.shape_cast %swap3A_394 : vector<1x16xf32> to vector<16xf32>
        %swap3A_396 = vector.shape_cast %get3A_391 : vector<16xf32> to vector<1x16xf32>
        tpu.vector_store %arg22[%swap3A_392, %swap3A_393], %swap3A_396 {strides = array<i32>} : memref<128x192xf32, #tpu.memory_space<vmem>>, vector<1x16xf32>,
        %add3A_397 = arith.constant 16 : i32
        %add3A_398 = arith.addi %squeeze3A_370, %add3A_397 : i32
        %get3A_399 = arith.index_cast %add3A_398 : i32 to index
        %get3A_400 = tpu.vector_load %arg20[%get3A_399] {strides = array<i32>} : memref<16384xf32, #tpu.memory_space<vmem>>, vector<16xf32>,
        %get3A_401 = vector.shape_cast %get3A_400 : vector<16xf32> to vector<16xf32>
        %swap3A_402 = arith.index_cast %add3A_366 : i32 to index
        %swap3A_403 = arith.constant 176 : index
        %swap3A_404 = tpu.vector_load %arg22[%swap3A_402, %swap3A_403] {strides = array<i32>} : memref<128x192xf32, #tpu.memory_space<vmem>>, vector<1x16xf32>,
        %swap3A_405 = vector.shape_cast %swap3A_404 : vector<1x16xf32> to vector<16xf32>
        %swap3A_406 = vector.shape_cast %get3A_401 : vector<16xf32> to vector<1x16xf32>
        tpu.vector_store %arg22[%swap3A_402, %swap3A_403], %swap3A_406 {strides = array<i32>} : memref<128x192xf32, #tpu.memory_space<vmem>>, vector<1x16xf32>,
        %mul3A_407 = arith.constant 16 : i32
        %mul3A_408 = arith.muli %scan3A_86, %mul3A_407 : i32
        %add3A_409 = arith.constant 7 : i32
        %add3A_410 = arith.addi %mul3A_408, %add3A_409 : i32
        %slice3A_411 = vector.extract_strided_slice %mul3A_93 {offsets = [7], sizes = [1], strides = [1]} : vector<16xi32> to vector<1xi32>
        %squeeze3A_412 = vector.extract %slice3A_411[0] : i32 from vector<1xi32>
        %slice3A_413 = vector.extract_strided_slice %mul3A_101 {offsets = [7], sizes = [1], strides = [1]} : vector<16xi32> to vector<1xi32>
        %squeeze3A_414 = vector.extract %slice3A_413[0] : i32 from vector<1xi32>
        %get3A_415 = arith.index_cast %squeeze3A_412 : i32 to index
        %get3A_416 = tpu.vector_load %arg19[%get3A_415] {strides = array<i32>} : memref<16384xf32, #tpu.memory_space<vmem>>, vector<16xf32>,
        %get3A_417 = vector.shape_cast %get3A_416 : vector<16xf32> to vector<16xf32>
        %swap3A_418 = arith.index_cast %add3A_410 : i32 to index
        %swap3A_419 = arith.constant 128 : index
        %swap3A_420 = tpu.vector_load %arg22[%swap3A_418, %swap3A_419] {strides = array<i32>} : memref<128x192xf32, #tpu.memory_space<vmem>>, vector<1x16xf32>,
        %swap3A_421 = vector.shape_cast %swap3A_420 : vector<1x16xf32> to vector<16xf32>
        %swap3A_422 = vector.shape_cast %get3A_417 : vector<16xf32> to vector<1x16xf32>
        tpu.vector_store %arg22[%swap3A_418, %swap3A_419], %swap3A_422 {strides = array<i32>} : memref<128x192xf32, #tpu.memory_space<vmem>>, vector<1x16xf32>,
        %add3A_423 = arith.constant 16 : i32
        %add3A_424 = arith.addi %squeeze3A_412, %add3A_423 : i32
        %get3A_425 = arith.index_cast %add3A_424 : i32 to index
        %get3A_426 = tpu.vector_load %arg19[%get3A_425] {strides = array<i32>} : memref<16384xf32, #tpu.memory_space<vmem>>, vector<16xf32>,
        %get3A_427 = vector.shape_cast %get3A_426 : vector<16xf32> to vector<16xf32>
        %swap3A_428 = arith.index_cast %add3A_410 : i32 to index
        %swap3A_429 = arith.constant 144 : index
        %swap3A_430 = tpu.vector_load %arg22[%swap3A_428, %swap3A_429] {strides = array<i32>} : memref<128x192xf32, #tpu.memory_space<vmem>>, vector<1x16xf32>,
        %swap3A_431 = vector.shape_cast %swap3A_430 : vector<1x16xf32> to vector<16xf32>
        %swap3A_432 = vector.shape_cast %get3A_427 : vector<16xf32> to vector<1x16xf32>
        tpu.vector_store %arg22[%swap3A_428, %swap3A_429], %swap3A_432 {strides = array<i32>} : memref<128x192xf32, #tpu.memory_space<vmem>>, vector<1x16xf32>,
        %get3A_433 = arith.index_cast %squeeze3A_414 : i32 to index
        %get3A_434 = tpu.vector_load %arg20[%get3A_433] {strides = array<i32>} : memref<16384xf32, #tpu.memory_space<vmem>>, vector<16xf32>,
        %get3A_435 = vector.shape_cast %get3A_434 : vector<16xf32> to vector<16xf32>
        %swap3A_436 = arith.index_cast %add3A_410 : i32 to index
        %swap3A_437 = arith.constant 160 : index
        %swap3A_438 = tpu.vector_load %arg22[%swap3A_436, %swap3A_437] {strides = array<i32>} : memref<128x192xf32, #tpu.memory_space<vmem>>, vector<1x16xf32>,
        %swap3A_439 = vector.shape_cast %swap3A_438 : vector<1x16xf32> to vector<16xf32>
        %swap3A_440 = vector.shape_cast %get3A_435 : vector<16xf32> to vector<1x16xf32>
        tpu.vector_store %arg22[%swap3A_436, %swap3A_437], %swap3A_440 {strides = array<i32>} : memref<128x192xf32, #tpu.memory_space<vmem>>, vector<1x16xf32>,
        %add3A_441 = arith.constant 16 : i32
        %add3A_442 = arith.addi %squeeze3A_414, %add3A_441 : i32
        %get3A_443 = arith.index_cast %add3A_442 : i32 to index
        %get3A_444 = tpu.vector_load %arg20[%get3A_443] {strides = array<i32>} : memref<16384xf32, #tpu.memory_space<vmem>>, vector<16xf32>,
        %get3A_445 = vector.shape_cast %get3A_444 : vector<16xf32> to vector<16xf32>
        %swap3A_446 = arith.index_cast %add3A_410 : i32 to index
        %swap3A_447 = arith.constant 176 : index
        %swap3A_448 = tpu.vector_load %arg22[%swap3A_446, %swap3A_447] {strides = array<i32>} : memref<128x192xf32, #tpu.memory_space<vmem>>, vector<1x16xf32>,
        %swap3A_449 = vector.shape_cast %swap3A_448 : vector<1x16xf32> to vector<16xf32>
        %swap3A_450 = vector.shape_cast %get3A_445 : vector<16xf32> to vector<1x16xf32>
        tpu.vector_store %arg22[%swap3A_446, %swap3A_447], %swap3A_450 {strides = array<i32>} : memref<128x192xf32, #tpu.memory_space<vmem>>, vector<1x16xf32>,
        %mul3A_451 = arith.constant 16 : i32
        %mul3A_452 = arith.muli %scan3A_86, %mul3A_451 : i32
        %add3A_453 = arith.constant 8 : i32
        %add3A_454 = arith.addi %mul3A_452, %add3A_453 : i32
        %slice3A_455 = vector.extract_strided_slice %mul3A_93 {offsets = [8], sizes = [1], strides = [1]} : vector<16xi32> to vector<1xi32>
        %squeeze3A_456 = vector.extract %slice3A_455[0] : i32 from vector<1xi32>
        %slice3A_457 = vector.extract_strided_slice %mul3A_101 {offsets = [8], sizes = [1], strides = [1]} : vector<16xi32> to vector<1xi32>
        %squeeze3A_458 = vector.extract %slice3A_457[0] : i32 from vector<1xi32>
        %get3A_459 = arith.index_cast %squeeze3A_456 : i32 to index
        %get3A_460 = tpu.vector_load %arg19[%get3A_459] {strides = array<i32>} : memref<16384xf32, #tpu.memory_space<vmem>>, vector<16xf32>,
        %get3A_461 = vector.shape_cast %get3A_460 : vector<16xf32> to vector<16xf32>
        %swap3A_462 = arith.index_cast %add3A_454 : i32 to index
        %swap3A_463 = arith.constant 128 : index
        %swap3A_464 = tpu.vector_load %arg22[%swap3A_462, %swap3A_463] {strides = array<i32>} : memref<128x192xf32, #tpu.memory_space<vmem>>, vector<1x16xf32>,
        %swap3A_465 = vector.shape_cast %swap3A_464 : vector<1x16xf32> to vector<16xf32>
        %swap3A_466 = vector.shape_cast %get3A_461 : vector<16xf32> to vector<1x16xf32>
        tpu.vector_store %arg22[%swap3A_462, %swap3A_463], %swap3A_466 {strides = array<i32>} : memref<128x192xf32, #tpu.memory_space<vmem>>, vector<1x16xf32>,
        %add3A_467 = arith.constant 16 : i32
        %add3A_468 = arith.addi %squeeze3A_456, %add3A_467 : i32
        %get3A_469 = arith.index_cast %add3A_468 : i32 to index
        %get3A_470 = tpu.vector_load %arg19[%get3A_469] {strides = array<i32>} : memref<16384xf32, #tpu.memory_space<vmem>>, vector<16xf32>,
        %get3A_471 = vector.shape_cast %get3A_470 : vector<16xf32> to vector<16xf32>
        %swap3A_472 = arith.index_cast %add3A_454 : i32 to index
        %swap3A_473 = arith.constant 144 : index
        %swap3A_474 = tpu.vector_load %arg22[%swap3A_472, %swap3A_473] {strides = array<i32>} : memref<128x192xf32, #tpu.memory_space<vmem>>, vector<1x16xf32>,
        %swap3A_475 = vector.shape_cast %swap3A_474 : vector<1x16xf32> to vector<16xf32>
        %swap3A_476 = vector.shape_cast %get3A_471 : vector<16xf32> to vector<1x16xf32>
        tpu.vector_store %arg22[%swap3A_472, %swap3A_473], %swap3A_476 {strides = array<i32>} : memref<128x192xf32, #tpu.memory_space<vmem>>, vector<1x16xf32>,
        %get3A_477 = arith.index_cast %squeeze3A_458 : i32 to index
        %get3A_478 = tpu.vector_load %arg20[%get3A_477] {strides = array<i32>} : memref<16384xf32, #tpu.memory_space<vmem>>, vector<16xf32>,
        %get3A_479 = vector.shape_cast %get3A_478 : vector<16xf32> to vector<16xf32>
        %swap3A_480 = arith.index_cast %add3A_454 : i32 to index
        %swap3A_481 = arith.constant 160 : index
        %swap3A_482 = tpu.vector_load %arg22[%swap3A_480, %swap3A_481] {strides = array<i32>} : memref<128x192xf32, #tpu.memory_space<vmem>>, vector<1x16xf32>,
        %swap3A_483 = vector.shape_cast %swap3A_482 : vector<1x16xf32> to vector<16xf32>
        %swap3A_484 = vector.shape_cast %get3A_479 : vector<16xf32> to vector<1x16xf32>
        tpu.vector_store %arg22[%swap3A_480, %swap3A_481], %swap3A_484 {strides = array<i32>} : memref<128x192xf32, #tpu.memory_space<vmem>>, vector<1x16xf32>,
        %add3A_485 = arith.constant 16 : i32
        %add3A_486 = arith.addi %squeeze3A_458, %add3A_485 : i32
        %get3A_487 = arith.index_cast %add3A_486 : i32 to index
        %get3A_488 = tpu.vector_load %arg20[%get3A_487] {strides = array<i32>} : memref<16384xf32, #tpu.memory_space<vmem>>, vector<16xf32>,
        %get3A_489 = vector.shape_cast %get3A_488 : vector<16xf32> to vector<16xf32>
        %swap3A_490 = arith.index_cast %add3A_454 : i32 to index
        %swap3A_491 = arith.constant 176 : index
        %swap3A_492 = tpu.vector_load %arg22[%swap3A_490, %swap3A_491] {strides = array<i32>} : memref<128x192xf32, #tpu.memory_space<vmem>>, vector<1x16xf32>,
        %swap3A_493 = vector.shape_cast %swap3A_492 : vector<1x16xf32> to vector<16xf32>
        %swap3A_494 = vector.shape_cast %get3A_489 : vector<16xf32> to vector<1x16xf32>
        tpu.vector_store %arg22[%swap3A_490, %swap3A_491], %swap3A_494 {strides = array<i32>} : memref<128x192xf32, #tpu.memory_space<vmem>>, vector<1x16xf32>,
        %mul3A_495 = arith.constant 16 : i32
        %mul3A_496 = arith.muli %scan3A_86, %mul3A_495 : i32
        %add3A_497 = arith.constant 9 : i32
        %add3A_498 = arith.addi %mul3A_496, %add3A_497 : i32
        %slice3A_499 = vector.extract_strided_slice %mul3A_93 {offsets = [9], sizes = [1], strides = [1]} : vector<16xi32> to vector<1xi32>
        %squeeze3A_500 = vector.extract %slice3A_499[0] : i32 from vector<1xi32>
        %slice3A_501 = vector.extract_strided_slice %mul3A_101 {offsets = [9], sizes = [1], strides = [1]} : vector<16xi32> to vector<1xi32>
        %squeeze3A_502 = vector.extract %slice3A_501[0] : i32 from vector<1xi32>
        %get3A_503 = arith.index_cast %squeeze3A_500 : i32 to index
        %get3A_504 = tpu.vector_load %arg19[%get3A_503] {strides = array<i32>} : memref<16384xf32, #tpu.memory_space<vmem>>, vector<16xf32>,
        %get3A_505 = vector.shape_cast %get3A_504 : vector<16xf32> to vector<16xf32>
        %swap3A_506 = arith.index_cast %add3A_498 : i32 to index
        %swap3A_507 = arith.constant 128 : index
        %swap3A_508 = tpu.vector_load %arg22[%swap3A_506, %swap3A_507] {strides = array<i32>} : memref<128x192xf32, #tpu.memory_space<vmem>>, vector<1x16xf32>,
        %swap3A_509 = vector.shape_cast %swap3A_508 : vector<1x16xf32> to vector<16xf32>
        %swap3A_510 = vector.shape_cast %get3A_505 : vector<16xf32> to vector<1x16xf32>
        tpu.vector_store %arg22[%swap3A_506, %swap3A_507], %swap3A_510 {strides = array<i32>} : memref<128x192xf32, #tpu.memory_space<vmem>>, vector<1x16xf32>,
        %add3A_511 = arith.constant 16 : i32
        %add3A_512 = arith.addi %squeeze3A_500, %add3A_511 : i32
        %get3A_513 = arith.index_cast %add3A_512 : i32 to index
        %get3A_514 = tpu.vector_load %arg19[%get3A_513] {strides = array<i32>} : memref<16384xf32, #tpu.memory_space<vmem>>, vector<16xf32>,
        %get3A_515 = vector.shape_cast %get3A_514 : vector<16xf32> to vector<16xf32>
        %swap3A_516 = arith.index_cast %add3A_498 : i32 to index
        %swap3A_517 = arith.constant 144 : index
        %swap3A_518 = tpu.vector_load %arg22[%swap3A_516, %swap3A_517] {strides = array<i32>} : memref<128x192xf32, #tpu.memory_space<vmem>>, vector<1x16xf32>,
        %swap3A_519 = vector.shape_cast %swap3A_518 : vector<1x16xf32> to vector<16xf32>
        %swap3A_520 = vector.shape_cast %get3A_515 : vector<16xf32> to vector<1x16xf32>
        tpu.vector_store %arg22[%swap3A_516, %swap3A_517], %swap3A_520 {strides = array<i32>} : memref<128x192xf32, #tpu.memory_space<vmem>>, vector<1x16xf32>,
        %get3A_521 = arith.index_cast %squeeze3A_502 : i32 to index
        %get3A_522 = tpu.vector_load %arg20[%get3A_521] {strides = array<i32>} : memref<16384xf32, #tpu.memory_space<vmem>>, vector<16xf32>,
        %get3A_523 = vector.shape_cast %get3A_522 : vector<16xf32> to vector<16xf32>
        %swap3A_524 = arith.index_cast %add3A_498 : i32 to index
        %swap3A_525 = arith.constant 160 : index
        %swap3A_526 = tpu.vector_load %arg22[%swap3A_524, %swap3A_525] {strides = array<i32>} : memref<128x192xf32, #tpu.memory_space<vmem>>, vector<1x16xf32>,
        %swap3A_527 = vector.shape_cast %swap3A_526 : vector<1x16xf32> to vector<16xf32>
        %swap3A_528 = vector.shape_cast %get3A_523 : vector<16xf32> to vector<1x16xf32>
        tpu.vector_store %arg22[%swap3A_524, %swap3A_525], %swap3A_528 {strides = array<i32>} : memref<128x192xf32, #tpu.memory_space<vmem>>, vector<1x16xf32>,
        %add3A_529 = arith.constant 16 : i32
        %add3A_530 = arith.addi %squeeze3A_502, %add3A_529 : i32
        %get3A_531 = arith.index_cast %add3A_530 : i32 to index
        %get3A_532 = tpu.vector_load %arg20[%get3A_531] {strides = array<i32>} : memref<16384xf32, #tpu.memory_space<vmem>>, vector<16xf32>,
        %get3A_533 = vector.shape_cast %get3A_532 : vector<16xf32> to vector<16xf32>
        %swap3A_534 = arith.index_cast %add3A_498 : i32 to index
        %swap3A_535 = arith.constant 176 : index
        %swap3A_536 = tpu.vector_load %arg22[%swap3A_534, %swap3A_535] {strides = array<i32>} : memref<128x192xf32, #tpu.memory_space<vmem>>, vector<1x16xf32>,
        %swap3A_537 = vector.shape_cast %swap3A_536 : vector<1x16xf32> to vector<16xf32>
        %swap3A_538 = vector.shape_cast %get3A_533 : vector<16xf32> to vector<1x16xf32>
        tpu.vector_store %arg22[%swap3A_534, %swap3A_535], %swap3A_538 {strides = array<i32>} : memref<128x192xf32, #tpu.memory_space<vmem>>, vector<1x16xf32>,
        %mul3A_539 = arith.constant 16 : i32
        %mul3A_540 = arith.muli %scan3A_86, %mul3A_539 : i32
        %add3A_541 = arith.constant 10 : i32
        %add3A_542 = arith.addi %mul3A_540, %add3A_541 : i32
        %slice3A_543 = vector.extract_strided_slice %mul3A_93 {offsets = [10], sizes = [1], strides = [1]} : vector<16xi32> to vector<1xi32>
        %squeeze3A_544 = vector.extract %slice3A_543[0] : i32 from vector<1xi32>
        %slice3A_545 = vector.extract_strided_slice %mul3A_101 {offsets = [10], sizes = [1], strides = [1]} : vector<16xi32> to vector<1xi32>
        %squeeze3A_546 = vector.extract %slice3A_545[0] : i32 from vector<1xi32>
        %get3A_547 = arith.index_cast %squeeze3A_544 : i32 to index
        %get3A_548 = tpu.vector_load %arg19[%get3A_547] {strides = array<i32>} : memref<16384xf32, #tpu.memory_space<vmem>>, vector<16xf32>,
        %get3A_549 = vector.shape_cast %get3A_548 : vector<16xf32> to vector<16xf32>
        %swap3A_550 = arith.index_cast %add3A_542 : i32 to index
        %swap3A_551 = arith.constant 128 : index
        %swap3A_552 = tpu.vector_load %arg22[%swap3A_550, %swap3A_551] {strides = array<i32>} : memref<128x192xf32, #tpu.memory_space<vmem>>, vector<1x16xf32>,
        %swap3A_553 = vector.shape_cast %swap3A_552 : vector<1x16xf32> to vector<16xf32>
        %swap3A_554 = vector.shape_cast %get3A_549 : vector<16xf32> to vector<1x16xf32>
        tpu.vector_store %arg22[%swap3A_550, %swap3A_551], %swap3A_554 {strides = array<i32>} : memref<128x192xf32, #tpu.memory_space<vmem>>, vector<1x16xf32>,
        %add3A_555 = arith.constant 16 : i32
        %add3A_556 = arith.addi %squeeze3A_544, %add3A_555 : i32
        %get3A_557 = arith.index_cast %add3A_556 : i32 to index
        %get3A_558 = tpu.vector_load %arg19[%get3A_557] {strides = array<i32>} : memref<16384xf32, #tpu.memory_space<vmem>>, vector<16xf32>,
        %get3A_559 = vector.shape_cast %get3A_558 : vector<16xf32> to vector<16xf32>
        %swap3A_560 = arith.index_cast %add3A_542 : i32 to index
        %swap3A_561 = arith.constant 144 : index
        %swap3A_562 = tpu.vector_load %arg22[%swap3A_560, %swap3A_561] {strides = array<i32>} : memref<128x192xf32, #tpu.memory_space<vmem>>, vector<1x16xf32>,
        %swap3A_563 = vector.shape_cast %swap3A_562 : vector<1x16xf32> to vector<16xf32>
        %swap3A_564 = vector.shape_cast %get3A_559 : vector<16xf32> to vector<1x16xf32>
        tpu.vector_store %arg22[%swap3A_560, %swap3A_561], %swap3A_564 {strides = array<i32>} : memref<128x192xf32, #tpu.memory_space<vmem>>, vector<1x16xf32>,
        %get3A_565 = arith.index_cast %squeeze3A_546 : i32 to index
        %get3A_566 = tpu.vector_load %arg20[%get3A_565] {strides = array<i32>} : memref<16384xf32, #tpu.memory_space<vmem>>, vector<16xf32>,
        %get3A_567 = vector.shape_cast %get3A_566 : vector<16xf32> to vector<16xf32>
        %swap3A_568 = arith.index_cast %add3A_542 : i32 to index
        %swap3A_569 = arith.constant 160 : index
        %swap3A_570 = tpu.vector_load %arg22[%swap3A_568, %swap3A_569] {strides = array<i32>} : memref<128x192xf32, #tpu.memory_space<vmem>>, vector<1x16xf32>,
        %swap3A_571 = vector.shape_cast %swap3A_570 : vector<1x16xf32> to vector<16xf32>
        %swap3A_572 = vector.shape_cast %get3A_567 : vector<16xf32> to vector<1x16xf32>
        tpu.vector_store %arg22[%swap3A_568, %swap3A_569], %swap3A_572 {strides = array<i32>} : memref<128x192xf32, #tpu.memory_space<vmem>>, vector<1x16xf32>,
        %add3A_573 = arith.constant 16 : i32
        %add3A_574 = arith.addi %squeeze3A_546, %add3A_573 : i32
        %get3A_575 = arith.index_cast %add3A_574 : i32 to index
        %get3A_576 = tpu.vector_load %arg20[%get3A_575] {strides = array<i32>} : memref<16384xf32, #tpu.memory_space<vmem>>, vector<16xf32>,
        %get3A_577 = vector.shape_cast %get3A_576 : vector<16xf32> to vector<16xf32>
        %swap3A_578 = arith.index_cast %add3A_542 : i32 to index
        %swap3A_579 = arith.constant 176 : index
        %swap3A_580 = tpu.vector_load %arg22[%swap3A_578, %swap3A_579] {strides = array<i32>} : memref<128x192xf32, #tpu.memory_space<vmem>>, vector<1x16xf32>,
        %swap3A_581 = vector.shape_cast %swap3A_580 : vector<1x16xf32> to vector<16xf32>
        %swap3A_582 = vector.shape_cast %get3A_577 : vector<16xf32> to vector<1x16xf32>
        tpu.vector_store %arg22[%swap3A_578, %swap3A_579], %swap3A_582 {strides = array<i32>} : memref<128x192xf32, #tpu.memory_space<vmem>>, vector<1x16xf32>,
        %mul3A_583 = arith.constant 16 : i32
        %mul3A_584 = arith.muli %scan3A_86, %mul3A_583 : i32
        %add3A_585 = arith.constant 11 : i32
        %add3A_586 = arith.addi %mul3A_584, %add3A_585 : i32
        %slice3A_587 = vector.extract_strided_slice %mul3A_93 {offsets = [11], sizes = [1], strides = [1]} : vector<16xi32> to vector<1xi32>
        %squeeze3A_588 = vector.extract %slice3A_587[0] : i32 from vector<1xi32>
        %slice3A_589 = vector.extract_strided_slice %mul3A_101 {offsets = [11], sizes = [1], strides = [1]} : vector<16xi32> to vector<1xi32>
        %squeeze3A_590 = vector.extract %slice3A_589[0] : i32 from vector<1xi32>
        %get3A_591 = arith.index_cast %squeeze3A_588 : i32 to index
        %get3A_592 = tpu.vector_load %arg19[%get3A_591] {strides = array<i32>} : memref<16384xf32, #tpu.memory_space<vmem>>, vector<16xf32>,
        %get3A_593 = vector.shape_cast %get3A_592 : vector<16xf32> to vector<16xf32>
        %swap3A_594 = arith.index_cast %add3A_586 : i32 to index
        %swap3A_595 = arith.constant 128 : index
        %swap3A_596 = tpu.vector_load %arg22[%swap3A_594, %swap3A_595] {strides = array<i32>} : memref<128x192xf32, #tpu.memory_space<vmem>>, vector<1x16xf32>,
        %swap3A_597 = vector.shape_cast %swap3A_596 : vector<1x16xf32> to vector<16xf32>
        %swap3A_598 = vector.shape_cast %get3A_593 : vector<16xf32> to vector<1x16xf32>
        tpu.vector_store %arg22[%swap3A_594, %swap3A_595], %swap3A_598 {strides = array<i32>} : memref<128x192xf32, #tpu.memory_space<vmem>>, vector<1x16xf32>,
        %add3A_599 = arith.constant 16 : i32
        %add3A_600 = arith.addi %squeeze3A_588, %add3A_599 : i32
        %get3A_601 = arith.index_cast %add3A_600 : i32 to index
        %get3A_602 = tpu.vector_load %arg19[%get3A_601] {strides = array<i32>} : memref<16384xf32, #tpu.memory_space<vmem>>, vector<16xf32>,
        %get3A_603 = vector.shape_cast %get3A_602 : vector<16xf32> to vector<16xf32>
        %swap3A_604 = arith.index_cast %add3A_586 : i32 to index
        %swap3A_605 = arith.constant 144 : index
        %swap3A_606 = tpu.vector_load %arg22[%swap3A_604, %swap3A_605] {strides = array<i32>} : memref<128x192xf32, #tpu.memory_space<vmem>>, vector<1x16xf32>,
        %swap3A_607 = vector.shape_cast %swap3A_606 : vector<1x16xf32> to vector<16xf32>
        %swap3A_608 = vector.shape_cast %get3A_603 : vector<16xf32> to vector<1x16xf32>
        tpu.vector_store %arg22[%swap3A_604, %swap3A_605], %swap3A_608 {strides = array<i32>} : memref<128x192xf32, #tpu.memory_space<vmem>>, vector<1x16xf32>,
        %get3A_609 = arith.index_cast %squeeze3A_590 : i32 to index
        %get3A_610 = tpu.vector_load %arg20[%get3A_609] {strides = array<i32>} : memref<16384xf32, #tpu.memory_space<vmem>>, vector<16xf32>,
        %get3A_611 = vector.shape_cast %get3A_610 : vector<16xf32> to vector<16xf32>
        %swap3A_612 = arith.index_cast %add3A_586 : i32 to index
        %swap3A_613 = arith.constant 160 : index
        %swap3A_614 = tpu.vector_load %arg22[%swap3A_612, %swap3A_613] {strides = array<i32>} : memref<128x192xf32, #tpu.memory_space<vmem>>, vector<1x16xf32>,
        %swap3A_615 = vector.shape_cast %swap3A_614 : vector<1x16xf32> to vector<16xf32>
        %swap3A_616 = vector.shape_cast %get3A_611 : vector<16xf32> to vector<1x16xf32>
        tpu.vector_store %arg22[%swap3A_612, %swap3A_613], %swap3A_616 {strides = array<i32>} : memref<128x192xf32, #tpu.memory_space<vmem>>, vector<1x16xf32>,
        %add3A_617 = arith.constant 16 : i32
        %add3A_618 = arith.addi %squeeze3A_590, %add3A_617 : i32
        %get3A_619 = arith.index_cast %add3A_618 : i32 to index
        %get3A_620 = tpu.vector_load %arg20[%get3A_619] {strides = array<i32>} : memref<16384xf32, #tpu.memory_space<vmem>>, vector<16xf32>,
        %get3A_621 = vector.shape_cast %get3A_620 : vector<16xf32> to vector<16xf32>
        %swap3A_622 = arith.index_cast %add3A_586 : i32 to index
        %swap3A_623 = arith.constant 176 : index
        %swap3A_624 = tpu.vector_load %arg22[%swap3A_622, %swap3A_623] {strides = array<i32>} : memref<128x192xf32, #tpu.memory_space<vmem>>, vector<1x16xf32>,
        %swap3A_625 = vector.shape_cast %swap3A_624 : vector<1x16xf32> to vector<16xf32>
        %swap3A_626 = vector.shape_cast %get3A_621 : vector<16xf32> to vector<1x16xf32>
        tpu.vector_store %arg22[%swap3A_622, %swap3A_623], %swap3A_626 {strides = array<i32>} : memref<128x192xf32, #tpu.memory_space<vmem>>, vector<1x16xf32>,
        %mul3A_627 = arith.constant 16 : i32
        %mul3A_628 = arith.muli %scan3A_86, %mul3A_627 : i32
        %add3A_629 = arith.constant 12 : i32
        %add3A_630 = arith.addi %mul3A_628, %add3A_629 : i32
        %slice3A_631 = vector.extract_strided_slice %mul3A_93 {offsets = [12], sizes = [1], strides = [1]} : vector<16xi32> to vector<1xi32>
        %squeeze3A_632 = vector.extract %slice3A_631[0] : i32 from vector<1xi32>
        %slice3A_633 = vector.extract_strided_slice %mul3A_101 {offsets = [12], sizes = [1], strides = [1]} : vector<16xi32> to vector<1xi32>
        %squeeze3A_634 = vector.extract %slice3A_633[0] : i32 from vector<1xi32>
        %get3A_635 = arith.index_cast %squeeze3A_632 : i32 to index
        %get3A_636 = tpu.vector_load %arg19[%get3A_635] {strides = array<i32>} : memref<16384xf32, #tpu.memory_space<vmem>>, vector<16xf32>,
        %get3A_637 = vector.shape_cast %get3A_636 : vector<16xf32> to vector<16xf32>
        %swap3A_638 = arith.index_cast %add3A_630 : i32 to index
        %swap3A_639 = arith.constant 128 : index
        %swap3A_640 = tpu.vector_load %arg22[%swap3A_638, %swap3A_639] {strides = array<i32>} : memref<128x192xf32, #tpu.memory_space<vmem>>, vector<1x16xf32>,
        %swap3A_641 = vector.shape_cast %swap3A_640 : vector<1x16xf32> to vector<16xf32>
        %swap3A_642 = vector.shape_cast %get3A_637 : vector<16xf32> to vector<1x16xf32>
        tpu.vector_store %arg22[%swap3A_638, %swap3A_639], %swap3A_642 {strides = array<i32>} : memref<128x192xf32, #tpu.memory_space<vmem>>, vector<1x16xf32>,
        %add3A_643 = arith.constant 16 : i32
        %add3A_644 = arith.addi %squeeze3A_632, %add3A_643 : i32
        %get3A_645 = arith.index_cast %add3A_644 : i32 to index
        %get3A_646 = tpu.vector_load %arg19[%get3A_645] {strides = array<i32>} : memref<16384xf32, #tpu.memory_space<vmem>>, vector<16xf32>,
        %get3A_647 = vector.shape_cast %get3A_646 : vector<16xf32> to vector<16xf32>
        %swap3A_648 = arith.index_cast %add3A_630 : i32 to index
        %swap3A_649 = arith.constant 144 : index
        %swap3A_650 = tpu.vector_load %arg22[%swap3A_648, %swap3A_649] {strides = array<i32>} : memref<128x192xf32, #tpu.memory_space<vmem>>, vector<1x16xf32>,
        %swap3A_651 = vector.shape_cast %swap3A_650 : vector<1x16xf32> to vector<16xf32>
        %swap3A_652 = vector.shape_cast %get3A_647 : vector<16xf32> to vector<1x16xf32>
        tpu.vector_store %arg22[%swap3A_648, %swap3A_649], %swap3A_652 {strides = array<i32>} : memref<128x192xf32, #tpu.memory_space<vmem>>, vector<1x16xf32>,
        %get3A_653 = arith.index_cast %squeeze3A_634 : i32 to index
        %get3A_654 = tpu.vector_load %arg20[%get3A_653] {strides = array<i32>} : memref<16384xf32, #tpu.memory_space<vmem>>, vector<16xf32>,
        %get3A_655 = vector.shape_cast %get3A_654 : vector<16xf32> to vector<16xf32>
        %swap3A_656 = arith.index_cast %add3A_630 : i32 to index
        %swap3A_657 = arith.constant 160 : index
        %swap3A_658 = tpu.vector_load %arg22[%swap3A_656, %swap3A_657] {strides = array<i32>} : memref<128x192xf32, #tpu.memory_space<vmem>>, vector<1x16xf32>,
        %swap3A_659 = vector.shape_cast %swap3A_658 : vector<1x16xf32> to vector<16xf32>
        %swap3A_660 = vector.shape_cast %get3A_655 : vector<16xf32> to vector<1x16xf32>
        tpu.vector_store %arg22[%swap3A_656, %swap3A_657], %swap3A_660 {strides = array<i32>} : memref<128x192xf32, #tpu.memory_space<vmem>>, vector<1x16xf32>,
        %add3A_661 = arith.constant 16 : i32
        %add3A_662 = arith.addi %squeeze3A_634, %add3A_661 : i32
        %get3A_663 = arith.index_cast %add3A_662 : i32 to index
        %get3A_664 = tpu.vector_load %arg20[%get3A_663] {strides = array<i32>} : memref<16384xf32, #tpu.memory_space<vmem>>, vector<16xf32>,
        %get3A_665 = vector.shape_cast %get3A_664 : vector<16xf32> to vector<16xf32>
        %swap3A_666 = arith.index_cast %add3A_630 : i32 to index
        %swap3A_667 = arith.constant 176 : index
        %swap3A_668 = tpu.vector_load %arg22[%swap3A_666, %swap3A_667] {strides = array<i32>} : memref<128x192xf32, #tpu.memory_space<vmem>>, vector<1x16xf32>,
        %swap3A_669 = vector.shape_cast %swap3A_668 : vector<1x16xf32> to vector<16xf32>
        %swap3A_670 = vector.shape_cast %get3A_665 : vector<16xf32> to vector<1x16xf32>
        tpu.vector_store %arg22[%swap3A_666, %swap3A_667], %swap3A_670 {strides = array<i32>} : memref<128x192xf32, #tpu.memory_space<vmem>>, vector<1x16xf32>,
        %mul3A_671 = arith.constant 16 : i32
        %mul3A_672 = arith.muli %scan3A_86, %mul3A_671 : i32
        %add3A_673 = arith.constant 13 : i32
        %add3A_674 = arith.addi %mul3A_672, %add3A_673 : i32
        %slice3A_675 = vector.extract_strided_slice %mul3A_93 {offsets = [13], sizes = [1], strides = [1]} : vector<16xi32> to vector<1xi32>
        %squeeze3A_676 = vector.extract %slice3A_675[0] : i32 from vector<1xi32>
        %slice3A_677 = vector.extract_strided_slice %mul3A_101 {offsets = [13], sizes = [1], strides = [1]} : vector<16xi32> to vector<1xi32>
        %squeeze3A_678 = vector.extract %slice3A_677[0] : i32 from vector<1xi32>
        %get3A_679 = arith.index_cast %squeeze3A_676 : i32 to index
        %get3A_680 = tpu.vector_load %arg19[%get3A_679] {strides = array<i32>} : memref<16384xf32, #tpu.memory_space<vmem>>, vector<16xf32>,
        %get3A_681 = vector.shape_cast %get3A_680 : vector<16xf32> to vector<16xf32>
        %swap3A_682 = arith.index_cast %add3A_674 : i32 to index
        %swap3A_683 = arith.constant 128 : index
        %swap3A_684 = tpu.vector_load %arg22[%swap3A_682, %swap3A_683] {strides = array<i32>} : memref<128x192xf32, #tpu.memory_space<vmem>>, vector<1x16xf32>,
        %swap3A_685 = vector.shape_cast %swap3A_684 : vector<1x16xf32> to vector<16xf32>
        %swap3A_686 = vector.shape_cast %get3A_681 : vector<16xf32> to vector<1x16xf32>
        tpu.vector_store %arg22[%swap3A_682, %swap3A_683], %swap3A_686 {strides = array<i32>} : memref<128x192xf32, #tpu.memory_space<vmem>>, vector<1x16xf32>,
        %add3A_687 = arith.constant 16 : i32
        %add3A_688 = arith.addi %squeeze3A_676, %add3A_687 : i32
        %get3A_689 = arith.index_cast %add3A_688 : i32 to index
        %get3A_690 = tpu.vector_load %arg19[%get3A_689] {strides = array<i32>} : memref<16384xf32, #tpu.memory_space<vmem>>, vector<16xf32>,
        %get3A_691 = vector.shape_cast %get3A_690 : vector<16xf32> to vector<16xf32>
        %swap3A_692 = arith.index_cast %add3A_674 : i32 to index
        %swap3A_693 = arith.constant 144 : index
        %swap3A_694 = tpu.vector_load %arg22[%swap3A_692, %swap3A_693] {strides = array<i32>} : memref<128x192xf32, #tpu.memory_space<vmem>>, vector<1x16xf32>,
        %swap3A_695 = vector.shape_cast %swap3A_694 : vector<1x16xf32> to vector<16xf32>
        %swap3A_696 = vector.shape_cast %get3A_691 : vector<16xf32> to vector<1x16xf32>
        tpu.vector_store %arg22[%swap3A_692, %swap3A_693], %swap3A_696 {strides = array<i32>} : memref<128x192xf32, #tpu.memory_space<vmem>>, vector<1x16xf32>,
        %get3A_697 = arith.index_cast %squeeze3A_678 : i32 to index
        %get3A_698 = tpu.vector_load %arg20[%get3A_697] {strides = array<i32>} : memref<16384xf32, #tpu.memory_space<vmem>>, vector<16xf32>,
        %get3A_699 = vector.shape_cast %get3A_698 : vector<16xf32> to vector<16xf32>
        %swap3A_700 = arith.index_cast %add3A_674 : i32 to index
        %swap3A_701 = arith.constant 160 : index
        %swap3A_702 = tpu.vector_load %arg22[%swap3A_700, %swap3A_701] {strides = array<i32>} : memref<128x192xf32, #tpu.memory_space<vmem>>, vector<1x16xf32>,
        %swap3A_703 = vector.shape_cast %swap3A_702 : vector<1x16xf32> to vector<16xf32>
        %swap3A_704 = vector.shape_cast %get3A_699 : vector<16xf32> to vector<1x16xf32>
        tpu.vector_store %arg22[%swap3A_700, %swap3A_701], %swap3A_704 {strides = array<i32>} : memref<128x192xf32, #tpu.memory_space<vmem>>, vector<1x16xf32>,
        %add3A_705 = arith.constant 16 : i32
        %add3A_706 = arith.addi %squeeze3A_678, %add3A_705 : i32
        %get3A_707 = arith.index_cast %add3A_706 : i32 to index
        %get3A_708 = tpu.vector_load %arg20[%get3A_707] {strides = array<i32>} : memref<16384xf32, #tpu.memory_space<vmem>>, vector<16xf32>,
        %get3A_709 = vector.shape_cast %get3A_708 : vector<16xf32> to vector<16xf32>
        %swap3A_710 = arith.index_cast %add3A_674 : i32 to index
        %swap3A_711 = arith.constant 176 : index
        %swap3A_712 = tpu.vector_load %arg22[%swap3A_710, %swap3A_711] {strides = array<i32>} : memref<128x192xf32, #tpu.memory_space<vmem>>, vector<1x16xf32>,
        %swap3A_713 = vector.shape_cast %swap3A_712 : vector<1x16xf32> to vector<16xf32>
        %swap3A_714 = vector.shape_cast %get3A_709 : vector<16xf32> to vector<1x16xf32>
        tpu.vector_store %arg22[%swap3A_710, %swap3A_711], %swap3A_714 {strides = array<i32>} : memref<128x192xf32, #tpu.memory_space<vmem>>, vector<1x16xf32>,
        %mul3A_715 = arith.constant 16 : i32
        %mul3A_716 = arith.muli %scan3A_86, %mul3A_715 : i32
        %add3A_717 = arith.constant 14 : i32
        %add3A_718 = arith.addi %mul3A_716, %add3A_717 : i32
        %slice3A_719 = vector.extract_strided_slice %mul3A_93 {offsets = [14], sizes = [1], strides = [1]} : vector<16xi32> to vector<1xi32>
        %squeeze3A_720 = vector.extract %slice3A_719[0] : i32 from vector<1xi32>
        %slice3A_721 = vector.extract_strided_slice %mul3A_101 {offsets = [14], sizes = [1], strides = [1]} : vector<16xi32> to vector<1xi32>
        %squeeze3A_722 = vector.extract %slice3A_721[0] : i32 from vector<1xi32>
        %get3A_723 = arith.index_cast %squeeze3A_720 : i32 to index
        %get3A_724 = tpu.vector_load %arg19[%get3A_723] {strides = array<i32>} : memref<16384xf32, #tpu.memory_space<vmem>>, vector<16xf32>,
        %get3A_725 = vector.shape_cast %get3A_724 : vector<16xf32> to vector<16xf32>
        %swap3A_726 = arith.index_cast %add3A_718 : i32 to index
        %swap3A_727 = arith.constant 128 : index
        %swap3A_728 = tpu.vector_load %arg22[%swap3A_726, %swap3A_727] {strides = array<i32>} : memref<128x192xf32, #tpu.memory_space<vmem>>, vector<1x16xf32>,
        %swap3A_729 = vector.shape_cast %swap3A_728 : vector<1x16xf32> to vector<16xf32>
        %swap3A_730 = vector.shape_cast %get3A_725 : vector<16xf32> to vector<1x16xf32>
        tpu.vector_store %arg22[%swap3A_726, %swap3A_727], %swap3A_730 {strides = array<i32>} : memref<128x192xf32, #tpu.memory_space<vmem>>, vector<1x16xf32>,
        %add3A_731 = arith.constant 16 : i32
        %add3A_732 = arith.addi %squeeze3A_720, %add3A_731 : i32
        %get3A_733 = arith.index_cast %add3A_732 : i32 to index
        %get3A_734 = tpu.vector_load %arg19[%get3A_733] {strides = array<i32>} : memref<16384xf32, #tpu.memory_space<vmem>>, vector<16xf32>,
        %get3A_735 = vector.shape_cast %get3A_734 : vector<16xf32> to vector<16xf32>
        %swap3A_736 = arith.index_cast %add3A_718 : i32 to index
        %swap3A_737 = arith.constant 144 : index
        %swap3A_738 = tpu.vector_load %arg22[%swap3A_736, %swap3A_737] {strides = array<i32>} : memref<128x192xf32, #tpu.memory_space<vmem>>, vector<1x16xf32>,
        %swap3A_739 = vector.shape_cast %swap3A_738 : vector<1x16xf32> to vector<16xf32>
        %swap3A_740 = vector.shape_cast %get3A_735 : vector<16xf32> to vector<1x16xf32>
        tpu.vector_store %arg22[%swap3A_736, %swap3A_737], %swap3A_740 {strides = array<i32>} : memref<128x192xf32, #tpu.memory_space<vmem>>, vector<1x16xf32>,
        %get3A_741 = arith.index_cast %squeeze3A_722 : i32 to index
        %get3A_742 = tpu.vector_load %arg20[%get3A_741] {strides = array<i32>} : memref<16384xf32, #tpu.memory_space<vmem>>, vector<16xf32>,
        %get3A_743 = vector.shape_cast %get3A_742 : vector<16xf32> to vector<16xf32>
        %swap3A_744 = arith.index_cast %add3A_718 : i32 to index
        %swap3A_745 = arith.constant 160 : index
        %swap3A_746 = tpu.vector_load %arg22[%swap3A_744, %swap3A_745] {strides = array<i32>} : memref<128x192xf32, #tpu.memory_space<vmem>>, vector<1x16xf32>,
        %swap3A_747 = vector.shape_cast %swap3A_746 : vector<1x16xf32> to vector<16xf32>
        %swap3A_748 = vector.shape_cast %get3A_743 : vector<16xf32> to vector<1x16xf32>
        tpu.vector_store %arg22[%swap3A_744, %swap3A_745], %swap3A_748 {strides = array<i32>} : memref<128x192xf32, #tpu.memory_space<vmem>>, vector<1x16xf32>,
        %add3A_749 = arith.constant 16 : i32
        %add3A_750 = arith.addi %squeeze3A_722, %add3A_749 : i32
        %get3A_751 = arith.index_cast %add3A_750 : i32 to index
        %get3A_752 = tpu.vector_load %arg20[%get3A_751] {strides = array<i32>} : memref<16384xf32, #tpu.memory_space<vmem>>, vector<16xf32>,
        %get3A_753 = vector.shape_cast %get3A_752 : vector<16xf32> to vector<16xf32>
        %swap3A_754 = arith.index_cast %add3A_718 : i32 to index
        %swap3A_755 = arith.constant 176 : index
        %swap3A_756 = tpu.vector_load %arg22[%swap3A_754, %swap3A_755] {strides = array<i32>} : memref<128x192xf32, #tpu.memory_space<vmem>>, vector<1x16xf32>,
        %swap3A_757 = vector.shape_cast %swap3A_756 : vector<1x16xf32> to vector<16xf32>
        %swap3A_758 = vector.shape_cast %get3A_753 : vector<16xf32> to vector<1x16xf32>
        tpu.vector_store %arg22[%swap3A_754, %swap3A_755], %swap3A_758 {strides = array<i32>} : memref<128x192xf32, #tpu.memory_space<vmem>>, vector<1x16xf32>,
        %mul3A_759 = arith.constant 16 : i32
        %mul3A_760 = arith.muli %scan3A_86, %mul3A_759 : i32
        %add3A_761 = arith.constant 15 : i32
        %add3A_762 = arith.addi %mul3A_760, %add3A_761 : i32
        %slice3A_763 = vector.extract_strided_slice %mul3A_93 {offsets = [15], sizes = [1], strides = [1]} : vector<16xi32> to vector<1xi32>
        %squeeze3A_764 = vector.extract %slice3A_763[0] : i32 from vector<1xi32>
        %slice3A_765 = vector.extract_strided_slice %mul3A_101 {offsets = [15], sizes = [1], strides = [1]} : vector<16xi32> to vector<1xi32>
        %squeeze3A_766 = vector.extract %slice3A_765[0] : i32 from vector<1xi32>
        %get3A_767 = arith.index_cast %squeeze3A_764 : i32 to index
        %get3A_768 = tpu.vector_load %arg19[%get3A_767] {strides = array<i32>} : memref<16384xf32, #tpu.memory_space<vmem>>, vector<16xf32>,
        %get3A_769 = vector.shape_cast %get3A_768 : vector<16xf32> to vector<16xf32>
        %swap3A_770 = arith.index_cast %add3A_762 : i32 to index
        %swap3A_771 = arith.constant 128 : index
        %swap3A_772 = tpu.vector_load %arg22[%swap3A_770, %swap3A_771] {strides = array<i32>} : memref<128x192xf32, #tpu.memory_space<vmem>>, vector<1x16xf32>,
        %swap3A_773 = vector.shape_cast %swap3A_772 : vector<1x16xf32> to vector<16xf32>
        %swap3A_774 = vector.shape_cast %get3A_769 : vector<16xf32> to vector<1x16xf32>
        tpu.vector_store %arg22[%swap3A_770, %swap3A_771], %swap3A_774 {strides = array<i32>} : memref<128x192xf32, #tpu.memory_space<vmem>>, vector<1x16xf32>,
        %add3A_775 = arith.constant 16 : i32
        %add3A_776 = arith.addi %squeeze3A_764, %add3A_775 : i32
        %get3A_777 = arith.index_cast %add3A_776 : i32 to index
        %get3A_778 = tpu.vector_load %arg19[%get3A_777] {strides = array<i32>} : memref<16384xf32, #tpu.memory_space<vmem>>, vector<16xf32>,
        %get3A_779 = vector.shape_cast %get3A_778 : vector<16xf32> to vector<16xf32>
        %swap3A_780 = arith.index_cast %add3A_762 : i32 to index
        %swap3A_781 = arith.constant 144 : index
        %swap3A_782 = tpu.vector_load %arg22[%swap3A_780, %swap3A_781] {strides = array<i32>} : memref<128x192xf32, #tpu.memory_space<vmem>>, vector<1x16xf32>,
        %swap3A_783 = vector.shape_cast %swap3A_782 : vector<1x16xf32> to vector<16xf32>
        %swap3A_784 = vector.shape_cast %get3A_779 : vector<16xf32> to vector<1x16xf32>
        tpu.vector_store %arg22[%swap3A_780, %swap3A_781], %swap3A_784 {strides = array<i32>} : memref<128x192xf32, #tpu.memory_space<vmem>>, vector<1x16xf32>,
        %get3A_785 = arith.index_cast %squeeze3A_766 : i32 to index
        %get3A_786 = tpu.vector_load %arg20[%get3A_785] {strides = array<i32>} : memref<16384xf32, #tpu.memory_space<vmem>>, vector<16xf32>,
        %get3A_787 = vector.shape_cast %get3A_786 : vector<16xf32> to vector<16xf32>
        %swap3A_788 = arith.index_cast %add3A_762 : i32 to index
        %swap3A_789 = arith.constant 160 : index
        %swap3A_790 = tpu.vector_load %arg22[%swap3A_788, %swap3A_789] {strides = array<i32>} : memref<128x192xf32, #tpu.memory_space<vmem>>, vector<1x16xf32>,
        %swap3A_791 = vector.shape_cast %swap3A_790 : vector<1x16xf32> to vector<16xf32>
        %swap3A_792 = vector.shape_cast %get3A_787 : vector<16xf32> to vector<1x16xf32>
        tpu.vector_store %arg22[%swap3A_788, %swap3A_789], %swap3A_792 {strides = array<i32>} : memref<128x192xf32, #tpu.memory_space<vmem>>, vector<1x16xf32>,
        %add3A_793 = arith.constant 16 : i32
        %add3A_794 = arith.addi %squeeze3A_766, %add3A_793 : i32
        %get3A_795 = arith.index_cast %add3A_794 : i32 to index
        %get3A_796 = tpu.vector_load %arg20[%get3A_795] {strides = array<i32>} : memref<16384xf32, #tpu.memory_space<vmem>>, vector<16xf32>,
        %get3A_797 = vector.shape_cast %get3A_796 : vector<16xf32> to vector<16xf32>
        %swap3A_798 = arith.index_cast %add3A_762 : i32 to index
        %swap3A_799 = arith.constant 176 : index
        %swap3A_800 = tpu.vector_load %arg22[%swap3A_798, %swap3A_799] {strides = array<i32>} : memref<128x192xf32, #tpu.memory_space<vmem>>, vector<1x16xf32>,
        %swap3A_801 = vector.shape_cast %swap3A_800 : vector<1x16xf32> to vector<16xf32>
        %swap3A_802 = vector.shape_cast %get3A_797 : vector<16xf32> to vector<1x16xf32>
        tpu.vector_store %arg22[%swap3A_798, %swap3A_799], %swap3A_802 {strides = array<i32>} : memref<128x192xf32, #tpu.memory_space<vmem>>, vector<1x16xf32>,
      }
      %scan3A_57 = arith.constant 8 : i32
      %dma_wait3A_58 = arith.constant 0 : i32
      %dma_wait3A_59 = arith.constant 0 : i32
      %dma_wait3A_60 = tpu.memref_slice %arg21[%dma_wait3A_58, %dma_wait3A_59] : memref<128x192xf32, #tpu.memory_space<vmem>> -> memref<128x128xf32, #tpu.memory_space<vmem>>
      %dma_wait3A_61 = arith.constant 0 : i32
      %dma_wait3A_62 = arith.constant 0 : i32
      %dma_wait3A_63 = tpu.memref_slice %arg8[%dma_wait3A_61, %dma_wait3A_62] : memref<100000x128xf32, #tpu.memory_space<hbm>> -> memref<100000x128xf32, #tpu.memory_space<hbm>>
      tpu.wait_indirect_dma semaphore(%arg23 : memref<!tpu.dma_semaphore, #tpu.memory_space<semaphore_mem>>) src(%dma_wait3A_63 : memref<100000x128xf32, #tpu.memory_space<hbm>>) dst(%dma_wait3A_60 : memref<128x128xf32, #tpu.memory_space<vmem>>)
      %dma_wait3A_64 = arith.constant 0 : i32
      %dma_wait3A_65 = arith.constant 0 : i32
      %dma_wait3A_66 = tpu.memref_slice %arg22[%dma_wait3A_64, %dma_wait3A_65] : memref<128x192xf32, #tpu.memory_space<vmem>> -> memref<128x128xf32, #tpu.memory_space<vmem>>
      %dma_wait3A_67 = arith.constant 0 : i32
      %dma_wait3A_68 = arith.constant 0 : i32
      %dma_wait3A_69 = tpu.memref_slice %arg8[%dma_wait3A_67, %dma_wait3A_68] : memref<100000x128xf32, #tpu.memory_space<hbm>> -> memref<100000x128xf32, #tpu.memory_space<hbm>>
      tpu.wait_indirect_dma semaphore(%arg23 : memref<!tpu.dma_semaphore, #tpu.memory_space<semaphore_mem>>) src(%dma_wait3A_69 : memref<100000x128xf32, #tpu.memory_space<hbm>>) dst(%dma_wait3A_66 : memref<128x128xf32, #tpu.memory_space<vmem>>)
      %dma_start3A_70 = arith.constant 0 : i32
      %dma_start3A_71 = tpu.memref_slice %arg11[%add3A_11, %dma_start3A_70] : memref<204800x192xf32, #tpu.memory_space<hbm>> -> memref<128x192xf32, #tpu.memory_space<hbm>>
      %dma_start3A_72 = arith.constant 0 : i32
      %dma_start3A_73 = tpu.memref_slice %arg11[%add3A_11, %dma_start3A_72] : memref<204800x192xf32, #tpu.memory_space<hbm>> -> memref<128x192xf32, #tpu.memory_space<hbm>>
      tpu.enqueue_dma source(%arg21 : memref<128x192xf32, #tpu.memory_space<vmem>>) target(%dma_start3A_73 : memref<128x192xf32, #tpu.memory_space<hbm>>) target_semaphore(%arg24 : memref<!tpu.dma_semaphore, #tpu.memory_space<semaphore_mem>>)
      %dma_start3A_74 = arith.constant 0 : i32
      %dma_start3A_75 = tpu.memref_slice %arg12[%add3A_11, %dma_start3A_74] : memref<204800x192xf32, #tpu.memory_space<hbm>> -> memref<128x192xf32, #tpu.memory_space<hbm>>
      %dma_start3A_76 = arith.constant 0 : i32
      %dma_start3A_77 = tpu.memref_slice %arg12[%add3A_11, %dma_start3A_76] : memref<204800x192xf32, #tpu.memory_space<hbm>> -> memref<128x192xf32, #tpu.memory_space<hbm>>
      tpu.enqueue_dma source(%arg22 : memref<128x192xf32, #tpu.memory_space<vmem>>) target(%dma_start3A_77 : memref<128x192xf32, #tpu.memory_space<hbm>>) target_semaphore(%arg24 : memref<!tpu.dma_semaphore, #tpu.memory_space<semaphore_mem>>)
      %dma_wait3A_78 = arith.constant 0 : i32
      %dma_wait3A_79 = tpu.memref_slice %arg11[%add3A_11, %dma_wait3A_78] : memref<204800x192xf32, #tpu.memory_space<hbm>> -> memref<128x192xf32, #tpu.memory_space<hbm>>
      %dma_wait3A_80 = arith.constant 0 : i32
      %dma_wait3A_81 = tpu.memref_slice %arg11[%add3A_11, %dma_wait3A_80] : memref<204800x192xf32, #tpu.memory_space<hbm>> -> memref<128x192xf32, #tpu.memory_space<hbm>>
      tpu.wait_dma2 semaphore(%arg24 : memref<!tpu.dma_semaphore, #tpu.memory_space<semaphore_mem>>) src(%arg21 : memref<128x192xf32, #tpu.memory_space<vmem>>) dst(%dma_wait3A_81 : memref<128x192xf32, #tpu.memory_space<hbm>>)
      %dma_wait3A_82 = arith.constant 0 : i32
      %dma_wait3A_83 = tpu.memref_slice %arg12[%add3A_11, %dma_wait3A_82] : memref<204800x192xf32, #tpu.memory_space<hbm>> -> memref<128x192xf32, #tpu.memory_space<hbm>>
      %dma_wait3A_84 = arith.constant 0 : i32
      %dma_wait3A_85 = tpu.memref_slice %arg12[%add3A_11, %dma_wait3A_84] : memref<204800x192xf32, #tpu.memory_space<hbm>> -> memref<128x192xf32, #tpu.memory_space<hbm>>
      tpu.wait_dma2 semaphore(%arg24 : memref<!tpu.dma_semaphore, #tpu.memory_space<semaphore_mem>>) src(%arg22 : memref<128x192xf32, #tpu.memory_space<vmem>>) dst(%dma_wait3A_85 : memref<128x192xf32, #tpu.memory_space<hbm>>)
    }
    %scan3A_7 = arith.constant 50 : i32
    return
  }
}

</mosaic_0001>

<sc_bundles>
// kernel: kernel.3.cloned.1.call-start
scs
__scs_entry_jumppad:
0x0: {  	(pc) =	sbr.rel $0x88, $3  }
0x1: {  	(tag) =	ssettag $0x0;
	lr =	simm.s32 $0x1  }
0x2: {  	[smem:$0x3F9B] =	sst lr;
	_ =	strace $0xD0000000  }
0x3: {  	_ = 	snop  }
0x4: {  	_ = 	snop  }
0x5: {  	_ = 	snop  }
0x6: {  	_ = 	snop  }
0x7: {  	_ = 	snop  }
__scs_overlays_trampoline_lowered:
0x8: {  	[smem:$0x3FAA] =	sst s0  }
0x9: {  	[smem:$0x3FAB] =	sst s1  }
0xa: {  	[smem:$0x3FAC] =	sst s2  }
0xb: {  	[smem:$0x3FAD] =	sst s3  }
0xc: {  	[smem:$0x3FAE] =	sst s4  }
0xd: {  	[smem:$0x3FAF] =	sst s5  }
0xe: {  	[smem:$0x3FB0] =	sst s6  }
0xf: {  	[smem:$0x3FB1] =	sst s7  }
0x10: {  	[smem:$0x3FB2] =	sst s8  }
0x11: {  	[smem:$0x3FB3] =	sst s9;
	s0 =	simm.s32 @!p0 $0x0  }
0x12: {  	s1 =	sld [smem:$0x3F99];
	s0 =	simm.s32 @p0 $0x1  }
0x13: {  	[smem:$0x3FB4] =	sst s0;
	s0 =	simm.s32 @!p1 $0x0  }
0x14: {  	s2 =	sld [smem:$0x3F98];
	s0 =	simm.s32 @p1 $0x1  }
0x15: {  	[smem:$0x3FB5] =	sst s0;
	s0 =	simm.s32 @!p2 $0x0  }
0x16: {  	s3 =	sld [smem:$0x3FDB];
	s0 =	simm.s32 @p2 $0x1  }
0x17: {  	s4 =	simm.s32 $0x1BF5;
	[smem:$0x3FB7] =	sst s0  }
0x18: {  	s0 =	sld [smem:$0x3F9A];
	_ =	swait.ge [sflag:s4], $0x0  }
0x19: {  	s7 =	sld [smem:$0x3F9B]  }
0x1a: {  	s8 =	sadd.s32 $0xFFFFE003, lr  }
0x1b: {  	s9 =	sadd.s32 $0xFFFFFEF7, lr;
	s5 =	simm.s32 $0xFFFFFFFF;
	p2 =	slt.u32 s8, $0xFFFFF086  }
0x1c: {  	p1 =	slt.u32 s9, $0xF7A;
	s5 =	simm.s32 @!p2 $0x0  }
0x1d: {  	s5 =	simm.s32 @p1 $0x1;
	p0 =	seq.s32 s7, s2  }
0x1e: {  	s7 =	smul.u32 @!p0 $0xF7A, s2;
	p2 =	seq.s32 @!p0 s5, $0x0  }
0x1f: {  	s9 =	smul.u32 $0xF7A, s1;
	s8 =	simm.s32 @!p0 $0x1BF5;
	p2 =	por !p2, p0  }
0x20: {  	[sflag:s8] =	ssyncset.s32 @!p0 $0xFFFFF086;
	s6 =	sadd.s32 @!p0 s3, s7;
	s7 =	simm.s32 @!p0 $0x108  }
0x21: {  	s3 =	sadd.s32 s3, s9;
	s6 =	sadd.s32 @!p0 $0x88, s6;
	s7 =	simm.s32 @p2 $0x1082  }
0x22: {  	[simem:s7], [sflag:s8] =	dma.local @!p0 [hbm:s6], $0xF7A  }
0x23: {  	s9 =	sor.u32 $0xD0000000, s2;
	s6 =	simm.s32 $0x108;
	_ =	swait.ge @!p0 [sflag:s8], $0x0  }
0x24: {  	s3 =	sadd.s32 $0x88, s3;
	s6 =	simm.s32 @!p1 $0x1082;
	[sflag:s4] =	ssyncset.s32 $0xFFFFF086  }
0x25: {  	[simem:s6], [sflag:s4] =	dma.local [hbm:s3], $0xF7A  }
0x26: {  	[smem:$0x3F9B] =	sst s1;
	(tag) =	ssettag s2;
	_ =	strace s9  }
0x27: {  	s1 =	sld [smem:$0x3FAB]  }
0x28: {  	s2 =	sld [smem:$0x3FAC]  }
0x29: {  	s4 =	sld [smem:$0x3FAE]  }
0x2a: {  	p0 =	seq.s32 s5, $0x0;
	s5 =	sld [smem:$0x3FAF]  }
0x2b: {  	s6 =	sld [smem:$0x3FB0]  }
0x2c: {  	s7 =	sld [smem:$0x3FB1]  }
0x2d: {  	s3 =	simm.s32 $0x108;
	s8 =	sld [smem:$0x3FB2]  }
0x2e: {  	s3 =	simm.s32 @!p0 $0x1082;
	s9 =	sld [smem:$0x3FB3]  }
0x2f: {  	lr =	sadd.s32 s0, s3;
	s0 =	sld [smem:$0x3FAA]  }
0x30: {  	s3 =	sld [smem:$0x3FAD]  }
0x31: {  	[smem:$0x3FB6] =	sst s10  }
0x32: {  	s10 =	sld [smem:$0x3FB4];
	_ =	sdelay $0x3  }
0x33: {  	p0 =	seq.s32 s10, $0x1;
	s10 =	sld [smem:$0x3FB6];
	_ =	sdelay $0x3  }
0x34: {  	[smem:$0x3FB6] =	sst s10  }
0x35: {  	s10 =	sld [smem:$0x3FB5];
	_ =	sdelay $0x3  }
0x36: {  	p1 =	seq.s32 s10, $0x1;
	s10 =	sld [smem:$0x3FB6];
	_ =	sdelay $0x3  }
0x37: {  	[smem:$0x3FB6] =	sst s10  }
0x38: {  	s10 =	sld [smem:$0x3FB7]  }
0x39: {  	_ = 	snop;
	(pc) =	sbr.ind lr, $3  }
0x3a: {  	_ = 	snop  }
0x3b: {  	_ = 	snop  }
0x3c: {  	p2 =	seq.s32 s10, $0x1;
	s10 =	sld [smem:$0x3FB6]  }
0x3d: {  	_ =	shalt  }
0x3e: {  	_ =	shalt  }
0x3f: {  	_ =	shalt  }
0x40: {  	_ =	shalt  }
0x41: {  	_ =	shalt  }
0x42: {  	_ =	shalt  }
0x43: {  	_ =	shalt  }
0x44: {  	_ =	shalt  }
0x45: {  	_ =	shalt  }
0x46: {  	_ =	shalt  }
0x47: {  	_ =	shalt  }
0x48: {  	_ =	shalt  }
0x49: {  	_ =	shalt  }
0x4a: {  	_ =	shalt  }
0x4b: {  	_ =	shalt  }
0x4c: {  	_ =	shalt  }
0x4d: {  	_ =	shalt  }
0x4e: {  	_ =	shalt  }
0x4f: {  	_ =	shalt  }
0x50: {  	_ =	shalt  }
0x51: {  	_ =	shalt  }
0x52: {  	_ =	shalt  }
0x53: {  	_ =	shalt  }
0x54: {  	_ =	shalt  }
0x55: {  	_ =	shalt  }
0x56: {  	_ =	shalt  }
0x57: {  	_ =	shalt  }
0x58: {  	_ =	shalt  }
0x59: {  	_ =	shalt  }
0x5a: {  	_ =	shalt  }
0x5b: {  	_ =	shalt  }
0x5c: {  	_ =	shalt  }
0x5d: {  	_ =	shalt  }
0x5e: {  	_ =	shalt  }
0x5f: {  	_ =	shalt  }
0x60: {  	_ =	shalt  }
0x61: {  	_ =	shalt  }
0x62: {  	_ =	shalt  }
0x63: {  	_ =	shalt  }
0x64: {  	_ =	shalt  }
0x65: {  	_ =	shalt  }
0x66: {  	_ =	shalt  }
0x67: {  	_ =	shalt  }
0x68: {  	_ =	shalt  }
0x69: {  	_ =	shalt  }
0x6a: {  	_ =	shalt  }
0x6b: {  	_ =	shalt  }
0x6c: {  	_ =	shalt  }
0x6d: {  	_ =	shalt  }
0x6e: {  	_ =	shalt  }
0x6f: {  	_ =	shalt  }
0x70: {  	_ =	shalt  }
0x71: {  	_ =	shalt  }
0x72: {  	_ =	shalt  }
0x73: {  	_ =	shalt  }
0x74: {  	_ =	shalt  }
0x75: {  	_ =	shalt  }
0x76: {  	_ =	shalt  }
0x77: {  	_ =	shalt  }
0x78: {  	_ =	shalt  }
0x79: {  	_ =	shalt  }
0x7a: {  	_ =	shalt  }
0x7b: {  	_ =	shalt  }
0x7c: {  	_ =	shalt  }
0x7d: {  	_ =	shalt  }
0x7e: {  	_ =	shalt  }
0x7f: {  	_ =	shalt  }
0x80: {  	_ =	shalt  }
0x81: {  	_ =	shalt  }
0x82: {  	_ =	shalt  }
0x83: {  	_ =	shalt  }
0x84: {  	_ =	shalt  }
0x85: {  	_ =	shalt  }
0x86: {  	_ =	shalt  }
0x87: {  	_ =	shalt  }
.Lfunc_end0:
.L_simem_size_0:
called_computation.2_lowered:
.L_overlay_start_0:
0x88: {  	s2 =	sld [smem:$0x3FD9]  }
0x89: {  	s3 =	sld [smem:$0x3FFE];
	_ =	sdelay $0x1  }
0x8a: {  	s1 =	srdreg.scid  }
0x8b: {  	s0 =	sand.u32 $0x1, s1  }
0x8c: {  	s14 =	sshll.u32 s0, $0xA;
	s2 =	sadd.s32 s3, s2  }
0x8d: {  	s2 =	sadd.s32 s2, s14  }
0x8e: {  	[smem:$0x3FC2] =	sst s2  }
0x8f: {  	_ = 	snop  }
0x90: {  	s2 =	sld [smem:$0x3FD0];
	_ =	sdelay $0x2  }
0x91: {  	s4 =	simm.s32 $0xB;
	s5 =	simm.s32 $0x10;
	s15 =	sld [smem:$0x3FC6]  }
0x92: {  	[smem:s5], [sflag:s4] =	dma.local [hbm:s2], $0x1  }
0x93: {  	_ =	swait.eq [sflag:s4], $0x1  }
0x94: {  	[sflag:s4] =	ssyncset.done $0x0  }
0x95: {  	s16 =	sld [smem:$0x10];
	[sflag:s4] =	ssyncadd.s32 $0xFFFFFFFF  }
0x96: {  	s17 =	sld [smem:$0x11];
	(tm) =	ssettm $0x1  }
0x97: {  	s18 =	sld [smem:$0x3FFB];
	_ =	sdelay $0x3  }
0x98: {  	_ =	strace s18  }
0x99: {  	s5 =	sld [smem:$0x3FFC];
	_ =	sdelay $0x3  }
0x9a: {  	_ =	strace s5  }
0x9b: {  	s5 =	sld [smem:$0x3FFD];
	_ =	sdelay $0x3  }
0x9c: {  	_ =	strace s5  }
0x9d: {  	_ =	strace $0x8FFFFFFF  }
0x9e: {  	s19 =	sld [smem:$0x3FDB];
	_ =	sdelay $0x1  }
0x9f: {  	s6 =	simm.s32 $_scs_section_size  }
0xa0: {  	s7 =	simm.s32 $_size__tile_overlayer_lowered;
	s8 =	simm.s32 $_tile_overlayer_lowered  }
0xa1: {  	s22 =	simm.s32 $0x1BFF;
	s21 =	sshll.u32 s8, $0x1;
	s5 =	sadd.s32 s6, s19  }
0xa2: {  	s9 =	simm.s32 $0x0;
	s20 =	sshll.u32 s7, $0x1;
	s7 =	sadd.s32 s21, s5  }
0xa3: {  	[timem:s9], [sflag:s22] =	dma.local [hbm:s7], s20  }
0xa4: {  	_ =	swait.ge [sflag:s22], s20  }
0xa5: {  	s6 =	ssub.s32 $0x0, s20;
	[sflag:s22] =	ssyncset.done $0x0  }
0xa6: {  	[sflag:s22] =	ssyncadd.s32 s6;
	_ =	sdelay $0x1  }
0xa7: {  	s23 =	simm.s32 $0x1B8B  }
0xa8: {  	_ =	swait.ge [sflag:s23], $0x1  }
0xa9: {  	[sflag:s23] =	ssyncset.done $0x0  }
0xaa: {  	s25 =	simm.s32 $0x1B8E;
	s24 =	sld [smem:$0x3FFE];
	[sflag:s23] =	ssyncadd.s32 $0xFFFFFFFF  }
0xab: {  	s26 =	simm.s32 $execute0_lowered;
	[smem:$0x3FD2] =	sst s25  }
0xac: {  	s7 =	sshll.u32 s26, $0x1;
	_ =	strace $0x80000046;
	[dreg:$0x1] =	wrdreg $0xFFFFFFFF  }
0xad: {  	s28 =	simm.s32 $_size_execute0_lowered;
	s5 =	sadd.s32 s5, s7;
	[dreg:$0x0] =	wrdreg $0x0  }
0xae: {  	s7 =	sshll.u32 s28, $0x1;
	[dreg:$0x2] =	wrdreg s5  }
0xaf: {  	[dreg:$0x3] =	wrdreg s7  }
0xb0: {  	[dreg:$0x4] =	wrdreg $0xC0  }
0xb1: {  	_ =	task [dreg:s9], $0x5FFFF  }
0xb2: {  	[dreg:$0x1] =	wrdreg $0xFFFFFFFF  }
0xb3: {  	[dreg:$0x0] =	wrdreg $0x60  }
0xb4: {  	[dreg:$0x2] =	wrdreg s17  }
0xb5: {  	[dreg:$0x3] =	wrdreg s16  }
0xb6: {  	[dreg:$0x4] =	wrdreg s24  }
0xb7: {  	[dreg:$0x5] =	wrdreg s15  }
0xb8: {  	[dreg:$0x6] =	wrdreg $0x9  }
0xb9: {  	_ =	task.clear_ibuf [dreg:s9], $0x7FFFF;
	_ =	strace $0x90000046  }
0xba: {  	s29 =	simm.s32 $0x9;
	_ =	strace $0x80000048  }
0xbb: {  	_ =	swait.ge [sflag:s29], $0x1  }
0xbc: {  	[sflag:s29] =	ssyncadd.s32 $0xFFFFFFFF  }
0xbd: {  	_ =	strace $0x90000048  }
0xbe: {  	_ =	sfence  }
0xbf: {  	s30 =	sld [smem:$0x0];
	_ =	sdelay $0x2  }
0xc0: {  	s31 =	sshll.u32 s1, $0xD;
	s1 =	sshrl.u32 s1, $0x2  }
0xc1: {  	s3 =	sand.u32 $0x4000, s31;
	s1 =	sadd.s32 s1, s30  }
0xc2: {  	s0 =	sor.u32 s3, s0;
	s1 =	sshll.u32 s1, $0x11  }
0xc3: {  	s0 =	sor.u32 s1, s0  }
0xc4: {  	s0 =	sadd.s32 $0x8F2B, s0  }
0xc5: {  	[sflag:s0] =	ssyncadd.remote.s32 $0x1  }
0xc6: {  	_ =	sfence.sel $0xFFFF  }
0xc7: {  	[dreg:$0x0] =	wrdreg $0xFFFFFFFF;
	(pc) =	sbr.abs _section_cstart, $3  }
0xc8: {  	[dreg:$0x1] =	wrdreg $0xFFFFFFFF  }
0xc9: {  	_ =	task.clear_ibuf [dreg:s9], $0x2FFFF;
	_ =	strace $0x9FFFFFFF  }
0xca: {  	(tm) =	ssettm $0x7FFFFFFF  }
0xcb: {  	_ =	shalt  }
tec
execute0_lowered:
.L_overlay_start_1:
0x0: {  	(tag) =	ssettag $0x1  }
0x1: {  	s0 =	rddreg [dreg:$0x2]  }
0x2: {  	s3 =	rddreg [dreg:$0x3];
	s4 =	simm.s32 $0x0;
	s1 =	srdreg.scid  }
0x3: {  	s10 =	stileid.u32;
	s19 =	simm.s32 $0x10300;
	s23 =	simm.s32 $0x12300  }
0x4: {  	s28 =	simm.s32 $0x13300;
	s29 =	simm.s32 $0x13B00;
	s30 =	simm.s32 $0x14300  }
0x5: {  	s31 =	simm.s32 $0x14B00;
	s16 =	simm.s32 $0x16300;
	s18 =	simm.s32 $0x16B00  }
0x6: {  	s11 =	simm.s32 $0x17B00;
	s15 =	simm.s32 $0x2;
	[smem:$0x7FF] =	sst s4  }
0x7: {  	s5 =	sadd.s32 $0x14C00, s0;
	s6 =	sadd.s32 $0x2000, s0;
	s7 =	sadd.s32 $0x8400, s0  }
0x8: {  	s9 =	sadd.s32 $0xE800, s0;
	s2 =	sadd.s32 $0x1000, s0;
	s1 =	sand.u32 $0x1, s1  }
0x9: {  	s24 =	sadd.s32 $0x1800, s0;
	s12 =	sadd.s32 $0x65B000, s0;
	s10 =	sshll.u32 s10, $0x1  }
0xa: {  	s13 =	sadd.s32 $0x1B000, s0;
	_ =	strace $0x80000047;
	[dreg:$0x5] =	wrdreg s2  }
0xb: {  	[dreg:$0x6] =	wrdreg s24;
	s25 =	ssub.s32 $0x2, s1;
	s1 =	sor.u32 s1, s10  }
0xc: {  	s24 =	simm.s32 $0x1;
	s10 =	simm.s32 $0x17300;
	s8 =	sshrl.u32 s25, $0x1  }
0xd: {  	v2 =	vlaneseq.u32;
	s2 =	simm.s32 $0x0;
	s14 =	smul.u32 $0x1900, s1;
	s26 =	ssub.s32 s25, s8  }
0xe: {  	vm0 =	vmmov $0xff;
	v1 =	vshrl.u32 v2, $0x3;
	s25 =	simm.s32 $0x8300;
	s8 =	simm.s32 $0x15B00;
	s0 =	smax.u32 s26, $0x1  }
0xf: {  	v0 =	vand.u32 $0x7, v2;
	v2 =	vor.u32 $0x8, v2;
	v1 =	vmul.u32 $0x8, v1;
	s26 =	simm.s32 $0x12B00;
	[dreg:$0x7] =	wrdreg s0;
	s0 =	simm.s32 $0x15300  }
.LBB2_1:
0x10: {  	[dreg:$0x8] =	wrdreg s2  }
0x11: {  	s1 =	rddreg [dreg:$0x5];
	s20 =	simm.s32 $0x300;
	s21 =	simm.s32 $0x3  }
0x12: {  	[tilespmem:s20], [sflag:$0x3] =	stream.linear.gather [hbm4b:s1+s4], $0x4000, $0x38;
	[tilespmem:$0x18300] =	vst v63  }
0x13: {  	_ =	swait.ge [sflag:s21], $0x4000  }
0x14: {  	[sflag:s21] =	ssyncset.done $0x0  }
0x15: {  	s17 =	simm.s32 $0x4300;
	s22 =	rddreg [dreg:$0x6];
	[sflag:s21] =	ssyncadd.s32 $0xFFFFC000  }
0x16: {  	[tilespmem:s17], [sflag:$0x3] =	stream.linear.gather [hbm4b:s22+s4], $0x4000, $0x38;
	[tilespmem:$0x18300] =	vst v63  }
0x17: {  	_ =	swait.ge [sflag:s21], $0x4000  }
0x18: {  	[sflag:s21] =	ssyncset.done $0x0  }
0x19: {  	s17 =	simm.s32 $0x0;
	[sflag:s21] =	ssyncadd.s32 $0xFFFFC000  }
.LBB2_2:
0x1a: {  	s1 =	sshll.u32 s17, $0x7  }
0x1b: {  	s1 =	sadd.s32 s14, s1  }
0x1c: {  	s2 =	rddreg [dreg:$0x0];
	s20 =	sshrl.u32 s1, $0x3  }
0x1d: {  	s22 =	rddreg [dreg:$0x1];
	s21 =	sadd.s32 s2, s20;
	s2 =	simm.s32 $0x0  }
0x1e: {  	[tilespmem:s2], [sflag:$0x1] =	stream.linear.gather [hbm4b:s21+s2], $0x80, $0x38;
	[tilespmem:$0x18300] =	vst v63  }
0x1f: {  	s21 =	sadd.s32 s22, s20;
	s22 =	simm.s32 $0x80  }
0x20: {  	[tilespmem:s22], [sflag:$0x1] =	stream.linear.gather [hbm4b:s21+s2], $0x80, $0x38;
	[tilespmem:$0x18300] =	vst v63  }
0x21: {  	s21 =	sadd.s32 s5, s20;
	s22 =	simm.s32 $0x100  }
0x22: {  	[tilespmem:s22], [sflag:$0x1] =	stream.linear.gather [hbm4b:s21+s2], $0x80, $0x38;
	[tilespmem:$0x18300] =	vst v63  }
0x23: {  	s21 =	sadd.s32 s6, s20;
	s22 =	simm.s32 $0x180  }
0x24: {  	[tilespmem:s22], [sflag:$0x1] =	stream.linear.gather [hbm4b:s21+s2], $0x80, $0x38;
	[tilespmem:$0x18300] =	vst v63  }
0x25: {  	s21 =	sadd.s32 s7, s20;
	s22 =	simm.s32 $0x200  }
0x26: {  	[tilespmem:s22], [sflag:$0x1] =	stream.linear.gather [hbm4b:s21+s2], $0x80, $0x38;
	[tilespmem:$0x18300] =	vst v63  }
0x27: {  	s20 =	sadd.s32 s9, s20;
	s22 =	simm.s32 $0x280  }
0x28: {  	[tilespmem:s22], [sflag:$0x1] =	stream.linear.gather [hbm4b:s20+s2], $0x80, $0x38;
	[tilespmem:$0x18300] =	vst v63  }
0x29: {  	_ =	swait.ge [sflag:s24], $0x80  }
0x2a: {  	[sflag:s24] =	ssyncset.done $0x0  }
0x2b: {  	[sflag:s24] =	ssyncadd.s32 $0xFFFFFF80  }
0x2c: {  	_ =	swait.ge [sflag:s24], $0x80  }
0x2d: {  	[sflag:s24] =	ssyncset.done $0x0  }
0x2e: {  	[sflag:s24] =	ssyncadd.s32 $0xFFFFFF80  }
0x2f: {  	_ =	swait.ge [sflag:s24], $0x80  }
0x30: {  	[sflag:s24] =	ssyncset.done $0x0  }
0x31: {  	[sflag:s24] =	ssyncadd.s32 $0xFFFFFF80  }
0x32: {  	_ =	swait.ge [sflag:s24], $0x80  }
0x33: {  	[sflag:s24] =	ssyncset.done $0x0  }
0x34: {  	[sflag:s24] =	ssyncadd.s32 $0xFFFFFF80  }
0x35: {  	_ =	swait.ge [sflag:s24], $0x80  }
0x36: {  	[sflag:s24] =	ssyncset.done $0x0  }
0x37: {  	[sflag:s24] =	ssyncadd.s32 $0xFFFFFF80  }
0x38: {  	_ =	swait.ge [sflag:s24], $0x80  }
0x39: {  	[sflag:s24] =	ssyncset.done $0x0  }
0x3a: {  	[sflag:s24] =	ssyncadd.s32 $0xFFFFFF80  }
0x3b: {  	v3 =	vld [tilespmem:$0x0];
	_ =	sdelay $0x4  }
0x3c: {  	v4 =	vperm.xlane v3, v0;
	_ =	sdelay $0x1  }
0x3d: {  	v3 =	vperm.xlane v3, v2;
	v4 =	vadd.s32 v1, v4;
	_ =	sdelay $0x1  }
0x3e: {  	v3 =	vadd.s32 v1, v3;
	_ =	sdelay $0x2  }
0x3f: {  	[tilespmem:s25], [sflag:$0x1] =	stream.indirect_vreg.gather [hbm4b:s3+s2], $0x80, v4, vm0, $0xb8;
	[tilespmem:$0x18300] =	vst v63  }
0x40: {  	s21 =	simm.s32 $0x8B00  }
0x41: {  	[tilespmem:s21], [sflag:$0x1] =	stream.indirect_vreg.gather [hbm4b:s3+s2], $0x80, v3, vm0, $0xb8;
	[tilespmem:$0x18300] =	vst v63  }
0x42: {  	v3 =	vld [tilespmem:$0x10];
	_ =	sdelay $0x4  }
0x43: {  	v49 =	vperm.xlane v3, v0;
	_ =	sdelay $0x1  }
0x44: {  	v3 =	vperm.xlane v3, v2;
	v4 =	vadd.s32 v1, v49;
	_ =	sdelay $0x1  }
0x45: {  	v3 =	vadd.s32 v1, v3;
	_ =	sdelay $0x1  }
0x46: {  	s22 =	simm.s32 $0x9300  }
0x47: {  	[tilespmem:s22], [sflag:$0x1] =	stream.indirect_vreg.gather [hbm4b:s3+s2], $0x80, v4, vm0, $0xb8;
	[tilespmem:$0x18300] =	vst v63  }
0x48: {  	s21 =	simm.s32 $0x9B00  }
0x49: {  	[tilespmem:s21], [sflag:$0x1] =	stream.indirect_vreg.gather [hbm4b:s3+s2], $0x80, v3, vm0, $0xb8;
	[tilespmem:$0x18300] =	vst v63  }
0x4a: {  	v3 =	vld [tilespmem:$0x20];
	_ =	sdelay $0x4  }
0x4b: {  	v50 =	vperm.xlane v3, v0;
	_ =	sdelay $0x1  }
0x4c: {  	v3 =	vperm.xlane v3, v2;
	v4 =	vadd.s32 v1, v50;
	_ =	sdelay $0x1  }
0x4d: {  	v3 =	vadd.s32 v1, v3;
	_ =	sdelay $0x1  }
0x4e: {  	s22 =	simm.s32 $0xA300  }
0x4f: {  	[tilespmem:s22], [sflag:$0x1] =	stream.indirect_vreg.gather [hbm4b:s3+s2], $0x80, v4, vm0, $0xb8;
	[tilespmem:$0x18300] =	vst v63  }
0x50: {  	s21 =	simm.s32 $0xAB00  }
0x51: {  	[tilespmem:s21], [sflag:$0x1] =	stream.indirect_vreg.gather [hbm4b:s3+s2], $0x80, v3, vm0, $0xb8;
	[tilespmem:$0x18300] =	vst v63  }
0x52: {  	v3 =	vld [tilespmem:$0x30];
	_ =	sdelay $0x4  }
0x53: {  	v51 =	vperm.xlane v3, v0;
	_ =	sdelay $0x1  }
0x54: {  	v3 =	vperm.xlane v3, v2;
	v4 =	vadd.s32 v1, v51;
	_ =	sdelay $0x1  }
0x55: {  	v3 =	vadd.s32 v1, v3;
	_ =	sdelay $0x1  }
0x56: {  	s22 =	simm.s32 $0xB300  }
0x57: {  	[tilespmem:s22], [sflag:$0x1] =	stream.indirect_vreg.gather [hbm4b:s3+s2], $0x80, v4, vm0, $0xb8;
	[tilespmem:$0x18300] =	vst v63  }
0x58: {  	s21 =	simm.s32 $0xBB00  }
0x59: {  	[tilespmem:s21], [sflag:$0x1] =	stream.indirect_vreg.gather [hbm4b:s3+s2], $0x80, v3, vm0, $0xb8;
	[tilespmem:$0x18300] =	vst v63  }
0x5a: {  	v3 =	vld [tilespmem:$0x40];
	_ =	sdelay $0x4  }
0x5b: {  	v52 =	vperm.xlane v3, v0;
	_ =	sdelay $0x1  }
0x5c: {  	v3 =	vperm.xlane v3, v2;
	v4 =	vadd.s32 v1, v52;
	_ =	sdelay $0x1  }
0x5d: {  	v3 =	vadd.s32 v1, v3;
	_ =	sdelay $0x1  }
0x5e: {  	s22 =	simm.s32 $0xC300  }
0x5f: {  	[tilespmem:s22], [sflag:$0x1] =	stream.indirect_vreg.gather [hbm4b:s3+s2], $0x80, v4, vm0, $0xb8;
	[tilespmem:$0x18300] =	vst v63  }
0x60: {  	s21 =	simm.s32 $0xCB00  }
0x61: {  	[tilespmem:s21], [sflag:$0x1] =	stream.indirect_vreg.gather [hbm4b:s3+s2], $0x80, v3, vm0, $0xb8;
	[tilespmem:$0x18300] =	vst v63  }
0x62: {  	v3 =	vld [tilespmem:$0x50];
	_ =	sdelay $0x4  }
0x63: {  	v53 =	vperm.xlane v3, v0;
	_ =	sdelay $0x1  }
0x64: {  	v3 =	vperm.xlane v3, v2;
	v4 =	vadd.s32 v1, v53;
	_ =	sdelay $0x1  }
0x65: {  	v3 =	vadd.s32 v1, v3;
	_ =	sdelay $0x1  }
0x66: {  	s22 =	simm.s32 $0xD300  }
0x67: {  	[tilespmem:s22], [sflag:$0x1] =	stream.indirect_vreg.gather [hbm4b:s3+s2], $0x80, v4, vm0, $0xb8;
	[tilespmem:$0x18300] =	vst v63  }
0x68: {  	s21 =	simm.s32 $0xDB00  }
0x69: {  	[tilespmem:s21], [sflag:$0x1] =	stream.indirect_vreg.gather [hbm4b:s3+s2], $0x80, v3, vm0, $0xb8;
	[tilespmem:$0x18300] =	vst v63  }
0x6a: {  	v3 =	vld [tilespmem:$0x60];
	_ =	sdelay $0x4  }
0x6b: {  	v54 =	vperm.xlane v3, v0;
	_ =	sdelay $0x1  }
0x6c: {  	v3 =	vperm.xlane v3, v2;
	v4 =	vadd.s32 v1, v54;
	_ =	sdelay $0x1  }
0x6d: {  	v3 =	vadd.s32 v1, v3;
	_ =	sdelay $0x1  }
0x6e: {  	s22 =	simm.s32 $0xE300  }
0x6f: {  	[tilespmem:s22], [sflag:$0x1] =	stream.indirect_vreg.gather [hbm4b:s3+s2], $0x80, v4, vm0, $0xb8;
	[tilespmem:$0x18300] =	vst v63  }
0x70: {  	s21 =	simm.s32 $0xEB00  }
0x71: {  	[tilespmem:s21], [sflag:$0x1] =	stream.indirect_vreg.gather [hbm4b:s3+s2], $0x80, v3, vm0, $0xb8;
	[tilespmem:$0x18300] =	vst v63  }
0x72: {  	v3 =	vld [tilespmem:$0x70];
	_ =	sdelay $0x4  }
0x73: {  	v55 =	vperm.xlane v3, v0;
	_ =	sdelay $0x1  }
0x74: {  	v3 =	vperm.xlane v3, v2;
	v4 =	vadd.s32 v1, v55;
	_ =	sdelay $0x1  }
0x75: {  	v3 =	vadd.s32 v1, v3;
	_ =	sdelay $0x1  }
0x76: {  	s22 =	simm.s32 $0xF300  }
0x77: {  	[tilespmem:s22], [sflag:$0x1] =	stream.indirect_vreg.gather [hbm4b:s3+s2], $0x80, v4, vm0, $0xb8;
	[tilespmem:$0x18300] =	vst v63  }
0x78: {  	s21 =	simm.s32 $0xFB00  }
0x79: {  	[tilespmem:s21], [sflag:$0x1] =	stream.indirect_vreg.gather [hbm4b:s3+s2], $0x80, v3, vm0, $0xb8;
	[tilespmem:$0x18300] =	vst v63  }
0x7a: {  	v3 =	vld [tilespmem:$0x180];
	_ =	sdelay $0x4  }
0x7b: {  	v56 =	vperm.xlane v3, v0;
	_ =	sdelay $0x1  }
0x7c: {  	v3 =	vperm.xlane v3, v2;
	v4 =	vadd.s32 v1, v56;
	_ =	sdelay $0x1  }
0x7d: {  	v3 =	vadd.s32 v1, v3;
	_ =	sdelay $0x2  }
0x7e: {  	[tilespmem:s19], [sflag:$0x1] =	stream.indirect_vreg.gather [hbm4b:s3+s2], $0x80, v4, vm0, $0xb8;
	[tilespmem:$0x18300] =	vst v63  }
0x7f: {  	s22 =	simm.s32 $0x10B00  }
0x80: {  	[tilespmem:s22], [sflag:$0x1] =	stream.indirect_vreg.gather [hbm4b:s3+s2], $0x80, v3, vm0, $0xb8;
	[tilespmem:$0x18300] =	vst v63  }
0x81: {  	v3 =	vld [tilespmem:$0x190];
	_ =	sdelay $0x4  }
0x82: {  	v57 =	vperm.xlane v3, v0;
	_ =	sdelay $0x1  }
0x83: {  	v3 =	vperm.xlane v3, v2;
	v4 =	vadd.s32 v1, v57;
	_ =	sdelay $0x1  }
0x84: {  	v3 =	vadd.s32 v1, v3;
	_ =	sdelay $0x1  }
0x85: {  	s21 =	simm.s32 $0x11300  }
0x86: {  	[tilespmem:s21], [sflag:$0x1] =	stream.indirect_vreg.gather [hbm4b:s3+s2], $0x80, v4, vm0, $0xb8;
	[tilespmem:$0x18300] =	vst v63  }
0x87: {  	s22 =	simm.s32 $0x11B00  }
0x88: {  	[tilespmem:s22], [sflag:$0x1] =	stream.indirect_vreg.gather [hbm4b:s3+s2], $0x80, v3, vm0, $0xb8;
	[tilespmem:$0x18300] =	vst v63  }
0x89: {  	v3 =	vld [tilespmem:$0x1A0];
	_ =	sdelay $0x4  }
0x8a: {  	v58 =	vperm.xlane v3, v0;
	_ =	sdelay $0x1  }
0x8b: {  	v3 =	vperm.xlane v3, v2;
	v4 =	vadd.s32 v1, v58;
	_ =	sdelay $0x1  }
0x8c: {  	v3 =	vadd.s32 v1, v3;
	_ =	sdelay $0x2  }
0x8d: {  	[tilespmem:s23], [sflag:$0x1] =	stream.indirect_vreg.gather [hbm4b:s3+s2], $0x80, v4, vm0, $0xb8;
	[tilespmem:$0x18300] =	vst v63  }
0x8e: {  	_ = 	snop  }
0x8f: {  	[tilespmem:s26], [sflag:$0x1] =	stream.indirect_vreg.gather [hbm4b:s3+s2], $0x80, v3, vm0, $0xb8;
	[tilespmem:$0x18300] =	vst v63  }
0x90: {  	v3 =	vld [tilespmem:$0x1B0];
	_ =	sdelay $0x4  }
0x91: {  	v59 =	vperm.xlane v3, v0;
	_ =	sdelay $0x1  }
0x92: {  	v3 =	vperm.xlane v3, v2;
	v4 =	vadd.s32 v1, v59;
	_ =	sdelay $0x1  }
0x93: {  	v3 =	vadd.s32 v1, v3;
	_ =	sdelay $0x2  }
0x94: {  	[tilespmem:s28], [sflag:$0x1] =	stream.indirect_vreg.gather [hbm4b:s3+s2], $0x80, v4, vm0, $0xb8;
	[tilespmem:$0x18300] =	vst v63  }
0x95: {  	_ = 	snop  }
0x96: {  	[tilespmem:s29], [sflag:$0x1] =	stream.indirect_vreg.gather [hbm4b:s3+s2], $0x80, v3, vm0, $0xb8;
	[tilespmem:$0x18300] =	vst v63  }
0x97: {  	v3 =	vld [tilespmem:$0x1C0];
	_ =	sdelay $0x4  }
0x98: {  	v60 =	vperm.xlane v3, v0;
	_ =	sdelay $0x1  }
0x99: {  	v3 =	vperm.xlane v3, v2;
	v4 =	vadd.s32 v1, v60;
	_ =	sdelay $0x1  }
0x9a: {  	v3 =	vadd.s32 v1, v3;
	_ =	sdelay $0x2  }
0x9b: {  	[tilespmem:s30], [sflag:$0x1] =	stream.indirect_vreg.gather [hbm4b:s3+s2], $0x80, v4, vm0, $0xb8;
	[tilespmem:$0x18300] =	vst v63  }
0x9c: {  	_ = 	snop  }
0x9d: {  	[tilespmem:s31], [sflag:$0x1] =	stream.indirect_vreg.gather [hbm4b:s3+s2], $0x80, v3, vm0, $0xb8;
	[tilespmem:$0x18300] =	vst v63  }
0x9e: {  	v3 =	vld [tilespmem:$0x1D0];
	_ =	sdelay $0x4  }
0x9f: {  	v61 =	vperm.xlane v3, v0;
	_ =	sdelay $0x1  }
0xa0: {  	v3 =	vperm.xlane v3, v2;
	v4 =	vadd.s32 v1, v61;
	_ =	sdelay $0x1  }
0xa1: {  	v3 =	vadd.s32 v1, v3;
	_ =	sdelay $0x2  }
0xa2: {  	[tilespmem:s0], [sflag:$0x1] =	stream.indirect_vreg.gather [hbm4b:s3+s2], $0x80, v4, vm0, $0xb8;
	[tilespmem:$0x18300] =	vst v63  }
0xa3: {  	_ = 	snop  }
0xa4: {  	[tilespmem:s8], [sflag:$0x1] =	stream.indirect_vreg.gather [hbm4b:s3+s2], $0x80, v3, vm0, $0xb8;
	[tilespmem:$0x18300] =	vst v63  }
0xa5: {  	v3 =	vld [tilespmem:$0x1E0];
	_ =	sdelay $0x4  }
0xa6: {  	v62 =	vperm.xlane v3, v0;
	_ =	sdelay $0x1  }
0xa7: {  	v3 =	vperm.xlane v3, v2;
	v4 =	vadd.s32 v1, v62;
	_ =	sdelay $0x1  }
0xa8: {  	v3 =	vadd.s32 v1, v3;
	_ =	sdelay $0x2  }
0xa9: {  	[tilespmem:s16], [sflag:$0x1] =	stream.indirect_vreg.gather [hbm4b:s3+s2], $0x80, v4, vm0, $0xb8;
	[tilespmem:$0x18300] =	vst v63  }
0xaa: {  	_ = 	snop  }
0xab: {  	[tilespmem:s18], [sflag:$0x1] =	stream.indirect_vreg.gather [hbm4b:s3+s2], $0x80, v3, vm0, $0xb8;
	[tilespmem:$0x18300] =	vst v63  }
0xac: {  	v3 =	vld [tilespmem:$0x1F0];
	_ =	sdelay $0x4  }
0xad: {  	v63 =	vperm.xlane v3, v0;
	_ =	sdelay $0x1  }
0xae: {  	v3 =	vperm.xlane v3, v2;
	v4 =	vadd.s32 v1, v63;
	_ =	sdelay $0x1  }
0xaf: {  	v3 =	vadd.s32 v1, v3;
	_ =	sdelay $0x2  }
0xb0: {  	[tilespmem:s10], [sflag:$0x1] =	stream.indirect_vreg.gather [hbm4b:s3+s2], $0x80, v4, vm0, $0xb8;
	[tilespmem:$0x18300] =	vst v63  }
0xb1: {  	s20 =	simm.s32 $0x8F00;
	s21 =	simm.s32 $0x0  }
0xb2: {  	[tilespmem:s11], [sflag:$0x1] =	stream.indirect_vreg.gather [hbm4b:s3+s2], $0x80, v3, vm0, $0xb8;
	[tilespmem:$0x18300] =	vst v63  }
.LBB2_3:
0xb3: {  	s22 =	sshra.s32 s21, $0x2  }
0xb4: {  	v3 =	vld [tilespmem:s22+$0x80];
	_ =	sdelay $0x4  }
0xb5: {  	v4 =	vshll.u32 v3, $0x5  }
0xb6: {  	(v2sf) =	vpush v4, $0x0;
	_ =	sdelay $0x5  }
0xb7: {  	v3 =	vld [tilespmem:s22+$0x100];
	_ =	sdelay $0x4  }
0xb8: {  	v3 =	vshll.u32 v3, $0x5  }
0xb9: {  	(v2sf) =	vpush v3, $0x0;
	_ =	sdelay $0x2  }
0xba: {  	s22 =	spop (v2sf)  }
0xbb: {  	v5 =	vld [tilespmem:s22+$0x300];
	_ =	sdelay $0x4  }
0xbc: {  	[tilespmem:s20+$0xFFFFF800] =	vst v5  }
0xbd: {  	v5 =	vld [tilespmem:s22+$0x310];
	_ =	sdelay $0x1  }
0xbe: {  	(v2sf) =	vpush v4, $0x1;
	_ =	sdelay $0x2  }
0xbf: {  	s22 =	spop (v2sf);
	[tilespmem:s20+$0xFFFFF810] =	vst v5  }
0xc0: {  	v5 =	vld [tilespmem:s22+$0x4300];
	_ =	sdelay $0x4  }
0xc1: {  	[tilespmem:s20+$0xFFFFF820] =	vst v5  }
0xc2: {  	v5 =	vld [tilespmem:s22+$0x4310];
	_ =	sdelay $0x1  }
0xc3: {  	(v2sf) =	vpush v3, $0x1;
	_ =	sdelay $0x2  }
0xc4: {  	s22 =	spop (v2sf);
	[tilespmem:s20+$0xFFFFF830] =	vst v5  }
0xc5: {  	v5 =	vld [tilespmem:s22+$0x300];
	_ =	sdelay $0x4  }
0xc6: {  	[tilespmem:s20+$0xFFFFF880] =	vst v5  }
0xc7: {  	v5 =	vld [tilespmem:s22+$0x310];
	_ =	sdelay $0x1  }
0xc8: {  	(v2sf) =	vpush v4, $0x2;
	_ =	sdelay $0x2  }
0xc9: {  	s22 =	spop (v2sf);
	[tilespmem:s20+$0xFFFFF890] =	vst v5  }
0xca: {  	v5 =	vld [tilespmem:s22+$0x4300];
	_ =	sdelay $0x4  }
0xcb: {  	[tilespmem:s20+$0xFFFFF8A0] =	vst v5  }
0xcc: {  	v5 =	vld [tilespmem:s22+$0x4310];
	_ =	sdelay $0x1  }
0xcd: {  	(v2sf) =	vpush v3, $0x2;
	_ =	sdelay $0x2  }
0xce: {  	s22 =	spop (v2sf);
	[tilespmem:s20+$0xFFFFF8B0] =	vst v5  }
0xcf: {  	v5 =	vld [tilespmem:s22+$0x300];
	_ =	sdelay $0x4  }
0xd0: {  	[tilespmem:s20+$0xFFFFF900] =	vst v5  }
0xd1: {  	v5 =	vld [tilespmem:s22+$0x310];
	_ =	sdelay $0x1  }
0xd2: {  	(v2sf) =	vpush v4, $0x3;
	_ =	sdelay $0x2  }
0xd3: {  	s22 =	spop (v2sf);
	[tilespmem:s20+$0xFFFFF910] =	vst v5  }
0xd4: {  	v5 =	vld [tilespmem:s22+$0x4300];
	_ =	sdelay $0x4  }
0xd5: {  	[tilespmem:s20+$0xFFFFF920] =	vst v5  }
0xd6: {  	v5 =	vld [tilespmem:s22+$0x4310];
	_ =	sdelay $0x1  }
0xd7: {  	(v2sf) =	vpush v3, $0x3;
	_ =	sdelay $0x2  }
0xd8: {  	s22 =	spop (v2sf);
	[tilespmem:s20+$0xFFFFF930] =	vst v5  }
0xd9: {  	v5 =	vld [tilespmem:s22+$0x300];
	_ =	sdelay $0x4  }
0xda: {  	[tilespmem:s20+$0xFFFFF980] =	vst v5  }
0xdb: {  	v5 =	vld [tilespmem:s22+$0x310];
	_ =	sdelay $0x1  }
0xdc: {  	(v2sf) =	vpush v4, $0x4;
	_ =	sdelay $0x2  }
0xdd: {  	s22 =	spop (v2sf);
	[tilespmem:s20+$0xFFFFF990] =	vst v5  }
0xde: {  	v5 =	vld [tilespmem:s22+$0x4300];
	_ =	sdelay $0x4  }
0xdf: {  	[tilespmem:s20+$0xFFFFF9A0] =	vst v5  }
0xe0: {  	v5 =	vld [tilespmem:s22+$0x4310];
	_ =	sdelay $0x1  }
0xe1: {  	(v2sf) =	vpush v3, $0x4;
	_ =	sdelay $0x2  }
0xe2: {  	s22 =	spop (v2sf);
	[tilespmem:s20+$0xFFFFF9B0] =	vst v5  }
0xe3: {  	v5 =	vld [tilespmem:s22+$0x300];
	_ =	sdelay $0x4  }
0xe4: {  	[tilespmem:s20+$0xFFFFFA00] =	vst v5  }
0xe5: {  	v5 =	vld [tilespmem:s22+$0x310];
	_ =	sdelay $0x1  }
0xe6: {  	(v2sf) =	vpush v4, $0x5;
	_ =	sdelay $0x2  }
0xe7: {  	s22 =	spop (v2sf);
	[tilespmem:s20+$0xFFFFFA10] =	vst v5  }
0xe8: {  	v5 =	vld [tilespmem:s22+$0x4300];
	_ =	sdelay $0x4  }
0xe9: {  	[tilespmem:s20+$0xFFFFFA20] =	vst v5  }
0xea: {  	v5 =	vld [tilespmem:s22+$0x4310];
	_ =	sdelay $0x1  }
0xeb: {  	(v2sf) =	vpush v3, $0x5;
	_ =	sdelay $0x2  }
0xec: {  	s22 =	spop (v2sf);
	[tilespmem:s20+$0xFFFFFA30] =	vst v5  }
0xed: {  	v5 =	vld [tilespmem:s22+$0x300];
	_ =	sdelay $0x4  }
0xee: {  	[tilespmem:s20+$0xFFFFFA80] =	vst v5  }
0xef: {  	v5 =	vld [tilespmem:s22+$0x310];
	_ =	sdelay $0x1  }
0xf0: {  	(v2sf) =	vpush v4, $0x6;
	_ =	sdelay $0x2  }
0xf1: {  	s22 =	spop (v2sf);
	[tilespmem:s20+$0xFFFFFA90] =	vst v5  }
0xf2: {  	v5 =	vld [tilespmem:s22+$0x4300];
	_ =	sdelay $0x4  }
0xf3: {  	[tilespmem:s20+$0xFFFFFAA0] =	vst v5  }
0xf4: {  	v5 =	vld [tilespmem:s22+$0x4310];
	_ =	sdelay $0x1  }
0xf5: {  	(v2sf) =	vpush v3, $0x6;
	_ =	sdelay $0x2  }
0xf6: {  	s22 =	spop (v2sf);
	[tilespmem:s20+$0xFFFFFAB0] =	vst v5  }
0xf7: {  	v5 =	vld [tilespmem:s22+$0x300];
	_ =	sdelay $0x4  }
0xf8: {  	[tilespmem:s20+$0xFFFFFB00] =	vst v5  }
0xf9: {  	v5 =	vld [tilespmem:s22+$0x310];
	_ =	sdelay $0x1  }
0xfa: {  	(v2sf) =	vpush v4, $0x7;
	_ =	sdelay $0x2  }
0xfb: {  	s22 =	spop (v2sf);
	[tilespmem:s20+$0xFFFFFB10] =	vst v5  }
0xfc: {  	v5 =	vld [tilespmem:s22+$0x4300];
	_ =	sdelay $0x4  }
0xfd: {  	[tilespmem:s20+$0xFFFFFB20] =	vst v5  }
0xfe: {  	v5 =	vld [tilespmem:s22+$0x4310];
	_ =	sdelay $0x1  }
0xff: {  	(v2sf) =	vpush v3, $0x7;
	_ =	sdelay $0x2  }
0x100: {  	s22 =	spop (v2sf);
	[tilespmem:s20+$0xFFFFFB30] =	vst v5  }
0x101: {  	v5 =	vld [tilespmem:s22+$0x300];
	_ =	sdelay $0x4  }
0x102: {  	[tilespmem:s20+$0xFFFFFB80] =	vst v5  }
0x103: {  	v5 =	vld [tilespmem:s22+$0x310];
	_ =	sdelay $0x1  }
0x104: {  	(v2sf) =	vpush v4, $0x8;
	_ =	sdelay $0x2  }
0x105: {  	s22 =	spop (v2sf);
	[tilespmem:s20+$0xFFFFFB90] =	vst v5  }
0x106: {  	v5 =	vld [tilespmem:s22+$0x4300];
	_ =	sdelay $0x4  }
0x107: {  	[tilespmem:s20+$0xFFFFFBA0] =	vst v5  }
0x108: {  	v5 =	vld [tilespmem:s22+$0x4310];
	_ =	sdelay $0x1  }
0x109: {  	(v2sf) =	vpush v3, $0x8;
	_ =	sdelay $0x2  }
0x10a: {  	s22 =	spop (v2sf);
	[tilespmem:s20+$0xFFFFFBB0] =	vst v5  }
0x10b: {  	v5 =	vld [tilespmem:s22+$0x300];
	_ =	sdelay $0x4  }
0x10c: {  	[tilespmem:s20+$0x0] =	vst v5  }
0x10d: {  	v5 =	vld [tilespmem:s22+$0x310];
	_ =	sdelay $0x1  }
0x10e: {  	(v2sf) =	vpush v4, $0x9;
	_ =	sdelay $0x2  }
0x10f: {  	s22 =	spop (v2sf);
	[tilespmem:s20+$0x10] =	vst v5  }
0x110: {  	v5 =	vld [tilespmem:s22+$0x4300];
	_ =	sdelay $0x4  }
0x111: {  	[tilespmem:s20+$0x20] =	vst v5  }
0x112: {  	v5 =	vld [tilespmem:s22+$0x4310];
	_ =	sdelay $0x1  }
0x113: {  	(v2sf) =	vpush v3, $0x9;
	_ =	sdelay $0x2  }
0x114: {  	s22 =	spop (v2sf);
	[tilespmem:s20+$0x30] =	vst v5  }
0x115: {  	v5 =	vld [tilespmem:s22+$0x300];
	_ =	sdelay $0x4  }
0x116: {  	[tilespmem:s20+$0x80] =	vst v5  }
0x117: {  	v5 =	vld [tilespmem:s22+$0x310];
	_ =	sdelay $0x1  }
0x118: {  	(v2sf) =	vpush v4, $0xA;
	_ =	sdelay $0x2  }
0x119: {  	s22 =	spop (v2sf);
	[tilespmem:s20+$0x90] =	vst v5  }
0x11a: {  	v5 =	vld [tilespmem:s22+$0x4300];
	_ =	sdelay $0x4  }
0x11b: {  	[tilespmem:s20+$0xA0] =	vst v5  }
0x11c: {  	v5 =	vld [tilespmem:s22+$0x4310];
	_ =	sdelay $0x1  }
0x11d: {  	(v2sf) =	vpush v3, $0xA;
	_ =	sdelay $0x2  }
0x11e: {  	s22 =	spop (v2sf);
	[tilespmem:s20+$0xB0] =	vst v5  }
0x11f: {  	v5 =	vld [tilespmem:s22+$0x300];
	_ =	sdelay $0x4  }
0x120: {  	[tilespmem:s20+$0x100] =	vst v5  }
0x121: {  	v5 =	vld [tilespmem:s22+$0x310];
	_ =	sdelay $0x1  }
0x122: {  	(v2sf) =	vpush v4, $0xB;
	_ =	sdelay $0x2  }
0x123: {  	s22 =	spop (v2sf);
	[tilespmem:s20+$0x110] =	vst v5  }
0x124: {  	v5 =	vld [tilespmem:s22+$0x4300];
	_ =	sdelay $0x4  }
0x125: {  	[tilespmem:s20+$0x120] =	vst v5  }
0x126: {  	v5 =	vld [tilespmem:s22+$0x4310];
	_ =	sdelay $0x1  }
0x127: {  	(v2sf) =	vpush v3, $0xB;
	_ =	sdelay $0x2  }
0x128: {  	s22 =	spop (v2sf);
	[tilespmem:s20+$0x130] =	vst v5  }
0x129: {  	v5 =	vld [tilespmem:s22+$0x300];
	_ =	sdelay $0x4  }
0x12a: {  	[tilespmem:s20+$0x180] =	vst v5  }
0x12b: {  	v5 =	vld [tilespmem:s22+$0x310];
	_ =	sdelay $0x1  }
0x12c: {  	(v2sf) =	vpush v4, $0xC;
	_ =	sdelay $0x2  }
0x12d: {  	s22 =	spop (v2sf);
	[tilespmem:s20+$0x190] =	vst v5  }
0x12e: {  	v5 =	vld [tilespmem:s22+$0x4300];
	_ =	sdelay $0x4  }
0x12f: {  	[tilespmem:s20+$0x1A0] =	vst v5  }
0x130: {  	v5 =	vld [tilespmem:s22+$0x4310];
	_ =	sdelay $0x1  }
0x131: {  	(v2sf) =	vpush v3, $0xC;
	_ =	sdelay $0x2  }
0x132: {  	s22 =	spop (v2sf);
	[tilespmem:s20+$0x1B0] =	vst v5  }
0x133: {  	v5 =	vld [tilespmem:s22+$0x300];
	_ =	sdelay $0x4  }
0x134: {  	[tilespmem:s20+$0x200] =	vst v5  }
0x135: {  	v5 =	vld [tilespmem:s22+$0x310];
	_ =	sdelay $0x1  }
0x136: {  	(v2sf) =	vpush v4, $0xD;
	_ =	sdelay $0x2  }
0x137: {  	s22 =	spop (v2sf);
	[tilespmem:s20+$0x210] =	vst v5  }
0x138: {  	v5 =	vld [tilespmem:s22+$0x4300];
	_ =	sdelay $0x4  }
0x139: {  	[tilespmem:s20+$0x220] =	vst v5  }
0x13a: {  	v5 =	vld [tilespmem:s22+$0x4310];
	_ =	sdelay $0x1  }
0x13b: {  	(v2sf) =	vpush v3, $0xD;
	_ =	sdelay $0x2  }
0x13c: {  	s22 =	spop (v2sf);
	[tilespmem:s20+$0x230] =	vst v5  }
0x13d: {  	v5 =	vld [tilespmem:s22+$0x300];
	_ =	sdelay $0x4  }
0x13e: {  	[tilespmem:s20+$0x280] =	vst v5  }
0x13f: {  	v5 =	vld [tilespmem:s22+$0x310];
	_ =	sdelay $0x1  }
0x140: {  	(v2sf) =	vpush v4, $0xE;
	_ =	sdelay $0x2  }
0x141: {  	s22 =	spop (v2sf);
	[tilespmem:s20+$0x290] =	vst v5  }
0x142: {  	v5 =	vld [tilespmem:s22+$0x4300];
	_ =	sdelay $0x4  }
0x143: {  	[tilespmem:s20+$0x2A0] =	vst v5  }
0x144: {  	v5 =	vld [tilespmem:s22+$0x4310];
	_ =	sdelay $0x1  }
0x145: {  	(v2sf) =	vpush v3, $0xE;
	_ =	sdelay $0x2  }
0x146: {  	s22 =	spop (v2sf);
	[tilespmem:s20+$0x2B0] =	vst v5  }
0x147: {  	v5 =	vld [tilespmem:s22+$0x300];
	_ =	sdelay $0x4  }
0x148: {  	[tilespmem:s20+$0x300] =	vst v5  }
0x149: {  	v5 =	vld [tilespmem:s22+$0x310];
	_ =	sdelay $0x1  }
0x14a: {  	(v2sf) =	vpush v4, $0xF;
	_ =	sdelay $0x2  }
0x14b: {  	s22 =	spop (v2sf);
	[tilespmem:s20+$0x310] =	vst v5  }
0x14c: {  	v63 =	vld [tilespmem:s22+$0x4300];
	_ =	sdelay $0x4  }
0x14d: {  	[tilespmem:s20+$0x320] =	vst v63  }
0x14e: {  	v4 =	vld [tilespmem:s22+$0x4310];
	_ =	sdelay $0x1  }
0x14f: {  	(v2sf) =	vpush v3, $0xF;
	_ =	sdelay $0x2  }
0x150: {  	s22 =	spop (v2sf);
	[tilespmem:s20+$0x330] =	vst v4  }
0x151: {  	v3 =	vld [tilespmem:s22+$0x300];
	_ =	sdelay $0x4  }
0x152: {  	[tilespmem:s20+$0x380] =	vst v3  }
0x153: {  	v3 =	vld [tilespmem:s22+$0x310];
	_ =	sdelay $0x4  }
0x154: {  	s22 =	spop (v2sf);
	[tilespmem:s20+$0x390] =	vst v3  }
0x155: {  	v3 =	vld [tilespmem:s22+$0x4300];
	_ =	sdelay $0x4  }
0x156: {  	[tilespmem:s20+$0x3A0] =	vst v3  }
0x157: {  	p0 =	sne.s32 s21, $0x1C0;
	v3 =	vld [tilespmem:s22+$0x4310]  }
.Ltmp0:
0x158: {  	_ = 	snop;
	(pc) =	sbr.rel @p0 .LBB2_3-.Ltmp0, $2  }
0x159: {  	_ =	sdelay $0x2  }
0x15a: {  	s21 =	sadd.s32 $0x40, s21;
	[tilespmem:s20+$0x3B0] =	vst v3;
	s20 =	sadd.s32 $0x1000, s20  }
0x15b: {  	s20 =	simm.s32 $0x10F00  }
.LBB2_5:
0x15c: {  	s21 =	sshra.s32 s2, $0x2  }
0x15d: {  	v3 =	vld [tilespmem:s21+$0x200];
	_ =	sdelay $0x4  }
0x15e: {  	v4 =	vshll.u32 v3, $0x5  }
0x15f: {  	(v2sf) =	vpush v4, $0x0;
	_ =	sdelay $0x5  }
0x160: {  	v3 =	vld [tilespmem:s21+$0x280];
	_ =	sdelay $0x4  }
0x161: {  	v3 =	vshll.u32 v3, $0x5  }
0x162: {  	(v2sf) =	vpush v3, $0x0;
	_ =	sdelay $0x2  }
0x163: {  	s22 =	spop (v2sf)  }
0x164: {  	v5 =	vld [tilespmem:s22+$0x300];
	_ =	sdelay $0x4  }
0x165: {  	[tilespmem:s20+$0xFFFFF800] =	vst v5  }
0x166: {  	v5 =	vld [tilespmem:s22+$0x310];
	_ =	sdelay $0x1  }
0x167: {  	(v2sf) =	vpush v4, $0x1;
	_ =	sdelay $0x2  }
0x168: {  	s22 =	spop (v2sf);
	[tilespmem:s20+$0xFFFFF810] =	vst v5  }
0x169: {  	v5 =	vld [tilespmem:s22+$0x4300];
	_ =	sdelay $0x4  }
0x16a: {  	[tilespmem:s20+$0xFFFFF820] =	vst v5  }
0x16b: {  	v5 =	vld [tilespmem:s22+$0x4310];
	_ =	sdelay $0x1  }
0x16c: {  	(v2sf) =	vpush v3, $0x1;
	_ =	sdelay $0x2  }
0x16d: {  	s22 =	spop (v2sf);
	[tilespmem:s20+$0xFFFFF830] =	vst v5  }
0x16e: {  	v5 =	vld [tilespmem:s22+$0x300];
	_ =	sdelay $0x4  }
0x16f: {  	[tilespmem:s20+$0xFFFFF880] =	vst v5  }
0x170: {  	v5 =	vld [tilespmem:s22+$0x310];
	_ =	sdelay $0x1  }
0x171: {  	(v2sf) =	vpush v4, $0x2;
	_ =	sdelay $0x2  }
0x172: {  	s22 =	spop (v2sf);
	[tilespmem:s20+$0xFFFFF890] =	vst v5  }
0x173: {  	v5 =	vld [tilespmem:s22+$0x4300];
	_ =	sdelay $0x4  }
0x174: {  	[tilespmem:s20+$0xFFFFF8A0] =	vst v5  }
0x175: {  	v5 =	vld [tilespmem:s22+$0x4310];
	_ =	sdelay $0x1  }
0x176: {  	(v2sf) =	vpush v3, $0x2;
	_ =	sdelay $0x2  }
0x177: {  	s22 =	spop (v2sf);
	[tilespmem:s20+$0xFFFFF8B0] =	vst v5  }
0x178: {  	v5 =	vld [tilespmem:s22+$0x300];
	_ =	sdelay $0x4  }
0x179: {  	[tilespmem:s20+$0xFFFFF900] =	vst v5  }
0x17a: {  	v5 =	vld [tilespmem:s22+$0x310];
	_ =	sdelay $0x1  }
0x17b: {  	(v2sf) =	vpush v4, $0x3;
	_ =	sdelay $0x2  }
0x17c: {  	s22 =	spop (v2sf);
	[tilespmem:s20+$0xFFFFF910] =	vst v5  }
0x17d: {  	v5 =	vld [tilespmem:s22+$0x4300];
	_ =	sdelay $0x4  }
0x17e: {  	[tilespmem:s20+$0xFFFFF920] =	vst v5  }
0x17f: {  	v5 =	vld [tilespmem:s22+$0x4310];
	_ =	sdelay $0x1  }
0x180: {  	(v2sf) =	vpush v3, $0x3;
	_ =	sdelay $0x2  }
0x181: {  	s22 =	spop (v2sf);
	[tilespmem:s20+$0xFFFFF930] =	vst v5  }
0x182: {  	v5 =	vld [tilespmem:s22+$0x300];
	_ =	sdelay $0x4  }
0x183: {  	[tilespmem:s20+$0xFFFFF980] =	vst v5  }
0x184: {  	v5 =	vld [tilespmem:s22+$0x310];
	_ =	sdelay $0x1  }
0x185: {  	(v2sf) =	vpush v4, $0x4;
	_ =	sdelay $0x2  }
0x186: {  	s22 =	spop (v2sf);
	[tilespmem:s20+$0xFFFFF990] =	vst v5  }
0x187: {  	v5 =	vld [tilespmem:s22+$0x4300];
	_ =	sdelay $0x4  }
0x188: {  	[tilespmem:s20+$0xFFFFF9A0] =	vst v5  }
0x189: {  	v5 =	vld [tilespmem:s22+$0x4310];
	_ =	sdelay $0x1  }
0x18a: {  	(v2sf) =	vpush v3, $0x4;
	_ =	sdelay $0x2  }
0x18b: {  	s22 =	spop (v2sf);
	[tilespmem:s20+$0xFFFFF9B0] =	vst v5  }
0x18c: {  	v5 =	vld [tilespmem:s22+$0x300];
	_ =	sdelay $0x4  }
0x18d: {  	[tilespmem:s20+$0xFFFFFA00] =	vst v5  }
0x18e: {  	v5 =	vld [tilespmem:s22+$0x310];
	_ =	sdelay $0x1  }
0x18f: {  	(v2sf) =	vpush v4, $0x5;
	_ =	sdelay $0x2  }
0x190: {  	s22 =	spop (v2sf);
	[tilespmem:s20+$0xFFFFFA10] =	vst v5  }
0x191: {  	v5 =	vld [tilespmem:s22+$0x4300];
	_ =	sdelay $0x4  }
0x192: {  	[tilespmem:s20+$0xFFFFFA20] =	vst v5  }
0x193: {  	v5 =	vld [tilespmem:s22+$0x4310];
	_ =	sdelay $0x1  }
0x194: {  	(v2sf) =	vpush v3, $0x5;
	_ =	sdelay $0x2  }
0x195: {  	s22 =	spop (v2sf);
	[tilespmem:s20+$0xFFFFFA30] =	vst v5  }
0x196: {  	v5 =	vld [tilespmem:s22+$0x300];
	_ =	sdelay $0x4  }
0x197: {  	[tilespmem:s20+$0xFFFFFA80] =	vst v5  }
0x198: {  	v5 =	vld [tilespmem:s22+$0x310];
	_ =	sdelay $0x1  }
0x199: {  	(v2sf) =	vpush v4, $0x6;
	_ =	sdelay $0x2  }
0x19a: {  	s22 =	spop (v2sf);
	[tilespmem:s20+$0xFFFFFA90] =	vst v5  }
0x19b: {  	v5 =	vld [tilespmem:s22+$0x4300];
	_ =	sdelay $0x4  }
0x19c: {  	[tilespmem:s20+$0xFFFFFAA0] =	vst v5  }
0x19d: {  	v5 =	vld [tilespmem:s22+$0x4310];
	_ =	sdelay $0x1  }
0x19e: {  	(v2sf) =	vpush v3, $0x6;
	_ =	sdelay $0x2  }
0x19f: {  	s22 =	spop (v2sf);
	[tilespmem:s20+$0xFFFFFAB0] =	vst v5  }
0x1a0: {  	v5 =	vld [tilespmem:s22+$0x300];
	_ =	sdelay $0x4  }
0x1a1: {  	[tilespmem:s20+$0xFFFFFB00] =	vst v5  }
0x1a2: {  	v5 =	vld [tilespmem:s22+$0x310];
	_ =	sdelay $0x1  }
0x1a3: {  	(v2sf) =	vpush v4, $0x7;
	_ =	sdelay $0x2  }
0x1a4: {  	s22 =	spop (v2sf);
	[tilespmem:s20+$0xFFFFFB10] =	vst v5  }
0x1a5: {  	v5 =	vld [tilespmem:s22+$0x4300];
	_ =	sdelay $0x4  }
0x1a6: {  	[tilespmem:s20+$0xFFFFFB20] =	vst v5  }
0x1a7: {  	v5 =	vld [tilespmem:s22+$0x4310];
	_ =	sdelay $0x1  }
0x1a8: {  	(v2sf) =	vpush v3, $0x7;
	_ =	sdelay $0x2  }
0x1a9: {  	s22 =	spop (v2sf);
	[tilespmem:s20+$0xFFFFFB30] =	vst v5  }
0x1aa: {  	v5 =	vld [tilespmem:s22+$0x300];
	_ =	sdelay $0x4  }
0x1ab: {  	[tilespmem:s20+$0xFFFFFB80] =	vst v5  }
0x1ac: {  	v5 =	vld [tilespmem:s22+$0x310];
	_ =	sdelay $0x1  }
0x1ad: {  	(v2sf) =	vpush v4, $0x8;
	_ =	sdelay $0x2  }
0x1ae: {  	s22 =	spop (v2sf);
	[tilespmem:s20+$0xFFFFFB90] =	vst v5  }
0x1af: {  	v5 =	vld [tilespmem:s22+$0x4300];
	_ =	sdelay $0x4  }
0x1b0: {  	[tilespmem:s20+$0xFFFFFBA0] =	vst v5  }
0x1b1: {  	v5 =	vld [tilespmem:s22+$0x4310];
	_ =	sdelay $0x1  }
0x1b2: {  	(v2sf) =	vpush v3, $0x8;
	_ =	sdelay $0x2  }
0x1b3: {  	s22 =	spop (v2sf);
	[tilespmem:s20+$0xFFFFFBB0] =	vst v5  }
0x1b4: {  	v5 =	vld [tilespmem:s22+$0x300];
	_ =	sdelay $0x4  }
0x1b5: {  	[tilespmem:s20+$0x0] =	vst v5  }
0x1b6: {  	v5 =	vld [tilespmem:s22+$0x310];
	_ =	sdelay $0x1  }
0x1b7: {  	(v2sf) =	vpush v4, $0x9;
	_ =	sdelay $0x2  }
0x1b8: {  	s22 =	spop (v2sf);
	[tilespmem:s20+$0x10] =	vst v5  }
0x1b9: {  	v5 =	vld [tilespmem:s22+$0x4300];
	_ =	sdelay $0x4  }
0x1ba: {  	[tilespmem:s20+$0x20] =	vst v5  }
0x1bb: {  	v5 =	vld [tilespmem:s22+$0x4310];
	_ =	sdelay $0x1  }
0x1bc: {  	(v2sf) =	vpush v3, $0x9;
	_ =	sdelay $0x2  }
0x1bd: {  	s22 =	spop (v2sf);
	[tilespmem:s20+$0x30] =	vst v5  }
0x1be: {  	v5 =	vld [tilespmem:s22+$0x300];
	_ =	sdelay $0x4  }
0x1bf: {  	[tilespmem:s20+$0x80] =	vst v5  }
0x1c0: {  	v5 =	vld [tilespmem:s22+$0x310];
	_ =	sdelay $0x1  }
0x1c1: {  	(v2sf) =	vpush v4, $0xA;
	_ =	sdelay $0x2  }
0x1c2: {  	s22 =	spop (v2sf);
	[tilespmem:s20+$0x90] =	vst v5  }
0x1c3: {  	v5 =	vld [tilespmem:s22+$0x4300];
	_ =	sdelay $0x4  }
0x1c4: {  	[tilespmem:s20+$0xA0] =	vst v5  }
0x1c5: {  	v5 =	vld [tilespmem:s22+$0x4310];
	_ =	sdelay $0x1  }
0x1c6: {  	(v2sf) =	vpush v3, $0xA;
	_ =	sdelay $0x2  }
0x1c7: {  	s22 =	spop (v2sf);
	[tilespmem:s20+$0xB0] =	vst v5  }
0x1c8: {  	v5 =	vld [tilespmem:s22+$0x300];
	_ =	sdelay $0x4  }
0x1c9: {  	[tilespmem:s20+$0x100] =	vst v5  }
0x1ca: {  	v5 =	vld [tilespmem:s22+$0x310];
	_ =	sdelay $0x1  }
0x1cb: {  	(v2sf) =	vpush v4, $0xB;
	_ =	sdelay $0x2  }
0x1cc: {  	s22 =	spop (v2sf);
	[tilespmem:s20+$0x110] =	vst v5  }
0x1cd: {  	v5 =	vld [tilespmem:s22+$0x4300];
	_ =	sdelay $0x4  }
0x1ce: {  	[tilespmem:s20+$0x120] =	vst v5  }
0x1cf: {  	v5 =	vld [tilespmem:s22+$0x4310];
	_ =	sdelay $0x1  }
0x1d0: {  	(v2sf) =	vpush v3, $0xB;
	_ =	sdelay $0x2  }
0x1d1: {  	s22 =	spop (v2sf);
	[tilespmem:s20+$0x130] =	vst v5  }
0x1d2: {  	v5 =	vld [tilespmem:s22+$0x300];
	_ =	sdelay $0x4  }
0x1d3: {  	[tilespmem:s20+$0x180] =	vst v5  }
0x1d4: {  	v5 =	vld [tilespmem:s22+$0x310];
	_ =	sdelay $0x1  }
0x1d5: {  	(v2sf) =	vpush v4, $0xC;
	_ =	sdelay $0x2  }
0x1d6: {  	s22 =	spop (v2sf);
	[tilespmem:s20+$0x190] =	vst v5  }
0x1d7: {  	v5 =	vld [tilespmem:s22+$0x4300];
	_ =	sdelay $0x4  }
0x1d8: {  	[tilespmem:s20+$0x1A0] =	vst v5  }
0x1d9: {  	v5 =	vld [tilespmem:s22+$0x4310];
	_ =	sdelay $0x1  }
0x1da: {  	(v2sf) =	vpush v3, $0xC;
	_ =	sdelay $0x2  }
0x1db: {  	s22 =	spop (v2sf);
	[tilespmem:s20+$0x1B0] =	vst v5  }
0x1dc: {  	v5 =	vld [tilespmem:s22+$0x300];
	_ =	sdelay $0x4  }
0x1dd: {  	[tilespmem:s20+$0x200] =	vst v5  }
0x1de: {  	v5 =	vld [tilespmem:s22+$0x310];
	_ =	sdelay $0x1  }
0x1df: {  	(v2sf) =	vpush v4, $0xD;
	_ =	sdelay $0x2  }
0x1e0: {  	s22 =	spop (v2sf);
	[tilespmem:s20+$0x210] =	vst v5  }
0x1e1: {  	v5 =	vld [tilespmem:s22+$0x4300];
	_ =	sdelay $0x4  }
0x1e2: {  	[tilespmem:s20+$0x220] =	vst v5  }
0x1e3: {  	v5 =	vld [tilespmem:s22+$0x4310];
	_ =	sdelay $0x1  }
0x1e4: {  	(v2sf) =	vpush v3, $0xD;
	_ =	sdelay $0x2  }
0x1e5: {  	s22 =	spop (v2sf);
	[tilespmem:s20+$0x230] =	vst v5  }
0x1e6: {  	v5 =	vld [tilespmem:s22+$0x300];
	_ =	sdelay $0x4  }
0x1e7: {  	[tilespmem:s20+$0x280] =	vst v5  }
0x1e8: {  	v5 =	vld [tilespmem:s22+$0x310];
	_ =	sdelay $0x1  }
0x1e9: {  	(v2sf) =	vpush v4, $0xE;
	_ =	sdelay $0x2  }
0x1ea: {  	s22 =	spop (v2sf);
	[tilespmem:s20+$0x290] =	vst v5  }
0x1eb: {  	v5 =	vld [tilespmem:s22+$0x4300];
	_ =	sdelay $0x4  }
0x1ec: {  	[tilespmem:s20+$0x2A0] =	vst v5  }
0x1ed: {  	v5 =	vld [tilespmem:s22+$0x4310];
	_ =	sdelay $0x1  }
0x1ee: {  	(v2sf) =	vpush v3, $0xE;
	_ =	sdelay $0x2  }
0x1ef: {  	s22 =	spop (v2sf);
	[tilespmem:s20+$0x2B0] =	vst v5  }
0x1f0: {  	v5 =	vld [tilespmem:s22+$0x300];
	_ =	sdelay $0x4  }
0x1f1: {  	[tilespmem:s20+$0x300] =	vst v5  }
0x1f2: {  	v5 =	vld [tilespmem:s22+$0x310];
	_ =	sdelay $0x1  }
0x1f3: {  	(v2sf) =	vpush v4, $0xF;
	_ =	sdelay $0x2  }
0x1f4: {  	s22 =	spop (v2sf);
	[tilespmem:s20+$0x310] =	vst v5  }
0x1f5: {  	v63 =	vld [tilespmem:s22+$0x4300];
	_ =	sdelay $0x4  }
0x1f6: {  	[tilespmem:s20+$0x320] =	vst v63  }
0x1f7: {  	v4 =	vld [tilespmem:s22+$0x4310];
	_ =	sdelay $0x1  }
0x1f8: {  	(v2sf) =	vpush v3, $0xF;
	_ =	sdelay $0x2  }
0x1f9: {  	s22 =	spop (v2sf);
	[tilespmem:s20+$0x330] =	vst v4  }
0x1fa: {  	v3 =	vld [tilespmem:s22+$0x300];
	_ =	sdelay $0x4  }
0x1fb: {  	[tilespmem:s20+$0x380] =	vst v3  }
0x1fc: {  	v3 =	vld [tilespmem:s22+$0x310];
	_ =	sdelay $0x4  }
0x1fd: {  	s22 =	spop (v2sf);
	[tilespmem:s20+$0x390] =	vst v3  }
0x1fe: {  	v3 =	vld [tilespmem:s22+$0x4300];
	_ =	sdelay $0x4  }
0x1ff: {  	[tilespmem:s20+$0x3A0] =	vst v3  }
0x200: {  	p0 =	sne.s32 s2, $0x1C0;
	v3 =	vld [tilespmem:s22+$0x4310]  }
.Ltmp1:
0x201: {  	_ = 	snop;
	(pc) =	sbr.rel @p0 .LBB2_5-.Ltmp1, $2  }
0x202: {  	_ =	sdelay $0x2  }
0x203: {  	s2 =	sadd.s32 $0x40, s2;
	[tilespmem:s20+$0x3B0] =	vst v3;
	s20 =	sadd.s32 $0x1000, s20  }
0x204: {  	_ =	swait.ge [sflag:s24], $0x4000  }
0x205: {  	[sflag:s24] =	ssyncset.done $0x0  }
0x206: {  	[sflag:s24] =	ssyncadd.s32 $0xFFFFC000  }
0x207: {  	_ =	swait.ge [sflag:s24], $0x4000  }
0x208: {  	s1 =	sshll.u32 s1, $0x5;
	[sflag:s24] =	ssyncset.done $0x0  }
0x209: {  	s2 =	sadd.s32 s12, s1;
	[sflag:s24] =	ssyncadd.s32 $0xFFFFC000  }
0x20a: {  	[hbm4b:s2+s4] =	stream.linear.scatter [tilespmem:s25], [sflag:$0x2], $0x8000, $0x38;
	[tilespmem:$0x18300] =	vst v63  }
0x20b: {  	s17 =	sadd.s32 $0x1, s17;
	s1 =	sadd.s32 s13, s1  }
0x20c: {  	[hbm4b:s1+s4] =	stream.linear.scatter [tilespmem:s19], [sflag:$0x2], $0x8000, $0x38;
	[tilespmem:$0x18300] =	vst v63  }
0x20d: {  	p0 =	sne.s32 s17, $0x32;
	_ =	swait.ge [sflag:s15], $0x8000  }
.Ltmp2:
0x20e: {  	[sflag:s15] =	ssyncset.done $0x0;
	(pc) =	sbr.rel @p0 .LBB2_2-.Ltmp2, $4  }
0x20f: {  	[sflag:s15] =	ssyncadd.s32 $0xFFFF8000  }
0x210: {  	_ =	swait.ge [sflag:s15], $0x8000  }
0x211: {  	[sflag:s15] =	ssyncset.done $0x0  }
0x212: {  	[sflag:s15] =	ssyncadd.s32 $0xFFFF8000  }
0x213: {  	s2 =	rddreg [dreg:$0x8]  }
0x214: {  	s1 =	rddreg [dreg:$0x7];
	s2 =	sadd.s32 $0x1, s2  }
0x215: {  	p0 =	sne.s32 s2, s1  }
.Ltmp3:
0x216: {  	_ = 	snop;
	(pc) =	sbr.rel @p0 .LBB2_1-.Ltmp3, $1  }
0x217: {  	_ =	sdelay $0x3  }
0x218: {  	_ =	sfence.sel $0x180000  }
0x219: {  	[bflag:$0x0] =	sbarrier.arrive $0xFFFF  }
0x21a: {  	_ =	strace $0x90000047  }
0x21b: {  	s0 =	stileid.u32;
	[bflag:$0x2] =	sbarrier.arrive $0xFFFF  }
0x21c: {  	p0 =	sne.s32 s0, $0x0;
	s0 =	rddreg [dreg:$0x4]  }
0x21d: {  	s0 =	sadd.s32 @!p0 $0x100000, s0  }
0x21e: {  	[sflag:s0] =	ssyncadd.tile.s32 @!p0 $0x1;
	_ =	shalt  }
.Lfunc_end2:
_tile_overlayer_lowered:
.L_overlay_start_2:
0x21f: {  	(tag) =	ssettag $0x2  }
0x220: {  	s0 =	rddreg [dreg:$0x0];
	s2 =	stileid.u32  }
0x221: {  	s1 =	rddreg [dreg:$0x1];
	p0 =	sne.s32 s2, $0x0  }
0x222: {  	s3 =	rddreg [dreg:$0x2];
	[bflag:$0x3] =	sbarrier.arrive $0xFFFF;
	s2 =	simm.s32 @!p0 $0x1C03  }
0x223: {  	[timem:s3], [sflag:s2] =	dma.local @!p0 [hbm:s0], s1  }
0x224: {  	s0 =	simm.s32 @!p0 $0x3  }
0x225: {  	_ =	swait.ge @!p0 [sflag:s0], s1  }
0x226: {  	s1 =	ssub.s32 @!p0 $0x0, s1;
	[sflag:s0] =	ssyncset.done @!p0 $0x0  }
0x227: {  	[sflag:s0] =	ssyncadd.s32 @!p0 s1  }
0x228: {  	[bflag:$0x3] =	sbarrier.arrive $0xFFFF  }
0x229: {  	_ =	shalt  }

// kernel: sparse-core-data-format-call.1.cloned.1.call-start
scs
called_computation.1_lowered:
.L_overlay_start_0:
0x0: {  	s2 =	sld [smem:$0x3FD9]  }
0x1: {  	s3 =	sld [smem:$0x3FFE];
	_ =	sdelay $0x1  }
0x2: {  	s1 =	srdreg.scid  }
0x3: {  	s0 =	sand.u32 $0x1, s1  }
0x4: {  	s16 =	sshll.u32 s0, $0xA;
	s2 =	sadd.s32 s3, s2  }
0x5: {  	s2 =	sadd.s32 s2, s16  }
0x6: {  	[smem:$0x3FC2] =	sst s2  }
0x7: {  	_ = 	snop  }
0x8: {  	s2 =	sld [smem:$0x3FD0];
	_ =	sdelay $0x2  }
0x9: {  	s17 =	simm.s32 $0xB;
	s4 =	simm.s32 $0x10  }
0xa: {  	[smem:s4], [sflag:s17] =	dma.local [hbm:s2], $0x1  }
0xb: {  	_ =	swait.eq [sflag:s17], $0x1  }
0xc: {  	[sflag:s17] =	ssyncset.done $0x0  }
0xd: {  	[sflag:s17] =	ssyncadd.s32 $0xFFFFFFFF  }
0xe: {  	s18 =	sld [smem:$0x10];
	(tm) =	ssettm $0x1  }
0xf: {  	s19 =	sld [smem:$0x3FFB];
	_ =	sdelay $0x3  }
0x10: {  	_ =	strace s19  }
0x11: {  	s2 =	sld [smem:$0x3FFC];
	_ =	sdelay $0x3  }
0x12: {  	_ =	strace s2  }
0x13: {  	s2 =	sld [smem:$0x3FFD];
	_ =	sdelay $0x3  }
0x14: {  	_ =	strace s2  }
0x15: {  	_ =	strace $0x8FFFFFFF  }
0x16: {  	s20 =	sld [smem:$0x3FDB];
	_ =	sdelay $0x1  }
0x17: {  	s21 =	simm.s32 $_scs_section_size  }
0x18: {  	s5 =	simm.s32 $_size__tile_overlayer_lowered;
	s6 =	simm.s32 $_tile_overlayer_lowered  }
0x19: {  	s7 =	simm.s32 $0x1BFF;
	s22 =	sshll.u32 s6, $0x1;
	s4 =	sadd.s32 s21, s20  }
0x1a: {  	s23 =	simm.s32 $0x0;
	s5 =	sshll.u32 s5, $0x1;
	s6 =	sadd.s32 s22, s4  }
0x1b: {  	[timem:s23], [sflag:s7] =	dma.local [hbm:s6], s5  }
0x1c: {  	_ =	swait.ge [sflag:s7], s5  }
0x1d: {  	s5 =	ssub.s32 $0x0, s5;
	[sflag:s7] =	ssyncset.done $0x0  }
0x1e: {  	[sflag:s7] =	ssyncadd.s32 s5;
	_ =	sdelay $0x1  }
0x1f: {  	s24 =	simm.s32 $0x1B8B  }
0x20: {  	_ =	swait.ge [sflag:s24], $0x1  }
0x21: {  	[sflag:s24] =	ssyncset.done $0x0  }
0x22: {  	[sflag:s24] =	ssyncadd.s32 $0xFFFFFFFF  }
0x23: {  	s5 =	sld [smem:$0x0]  }
0x24: {  	s6 =	sand.u32 $0xFFFFFFFE, s1  }
0x25: {  	p0 =	sne.s32 s1, s6  }
0x26: {  	s6 =	sshll.u32 @p0 s6, $0xE  }
0x27: {  	s6 =	sadd.s32 @p0 $0x11B8D, s6;
	s7 =	sshll.u32 @p0 s5, $0x11  }
0x28: {  	s6 =	sor.u32 @p0 s7, s6  }
0x29: {  	[sflag:s6] =	ssyncadd.remote.s32 @p0 $0x1;
	_ =	sdelay $0x1  }
0x2a: {  	s6 =	simm.s32 @p0 $0x1B8D  }
0x2b: {  	_ =	swait.eq @p0 [sflag:s6], $0x1  }
0x2c: {  	[sflag:s6] =	ssyncadd.s32 @p0 $0xFFFFFFFF  }
0x2d: {  	s7 =	sshll.u32 @!p0 s1, $0xE  }
0x2e: {  	s7 =	sor.u32 @!p0 $0x4000, s7;
	s6 =	simm.s32 @!p0 $0x1B8D  }
0x2f: {  	s5 =	sshll.u32 @!p0 s5, $0x11;
	s7 =	sadd.s32 @!p0 $0x11B8D, s7;
	_ =	swait.eq @!p0 [sflag:s6], $0x1  }
0x30: {  	s5 =	sor.u32 @!p0 s5, s7;
	[sflag:s6] =	ssyncadd.s32 @!p0 $0xFFFFFFFF  }
0x31: {  	s26 =	simm.s32 $0x1B8E;
	s25 =	sld [smem:$0x3FFE];
	[sflag:s5] =	ssyncadd.remote.s32 @!p0 $0x1  }
0x32: {  	s27 =	simm.s32 $execute0_lowered;
	[smem:$0x3FD2] =	sst s26  }
0x33: {  	s6 =	sshll.u32 s27, $0x1;
	_ =	strace $0x8000004C;
	[dreg:$0x1] =	wrdreg $0xFFFFFFFF  }
0x34: {  	s28 =	simm.s32 $_size_execute0_lowered;
	s4 =	sadd.s32 s4, s6;
	[dreg:$0x0] =	wrdreg $0x0  }
0x35: {  	s6 =	sshll.u32 s28, $0x1;
	[dreg:$0x2] =	wrdreg s4  }
0x36: {  	[dreg:$0x3] =	wrdreg s6  }
0x37: {  	[dreg:$0x4] =	wrdreg $0xC0  }
0x38: {  	_ =	task [dreg:s23], $0x5FFFF  }
0x39: {  	[dreg:$0x1] =	wrdreg $0xFFFFFFFF  }
0x3a: {  	[dreg:$0x0] =	wrdreg $0x60  }
0x3b: {  	[dreg:$0x2] =	wrdreg s25  }
0x3c: {  	[dreg:$0x3] =	wrdreg s18  }
0x3d: {  	[dreg:$0x4] =	wrdreg $0xA  }
0x3e: {  	_ =	task.clear_ibuf [dreg:s23], $0x5FFFF;
	_ =	strace $0x9000004C  }
0x3f: {  	s29 =	simm.s32 $0xA;
	_ =	strace $0x8000004E  }
0x40: {  	_ =	swait.ge [sflag:s29], $0x1  }
0x41: {  	[sflag:s29] =	ssyncadd.s32 $0xFFFFFFFF  }
0x42: {  	_ =	strace $0x9000004E  }
0x43: {  	_ =	sfence  }
0x44: {  	s30 =	sld [smem:$0x0];
	_ =	sdelay $0x2  }
0x45: {  	s31 =	sshll.u32 s1, $0xD;
	s1 =	sshrl.u32 s1, $0x2  }
0x46: {  	s4 =	sand.u32 $0x4000, s31;
	s1 =	sadd.s32 s1, s30  }
0x47: {  	s0 =	sor.u32 s4, s0;
	s1 =	sshll.u32 s1, $0x11  }
0x48: {  	s0 =	sor.u32 s1, s0  }
0x49: {  	s0 =	sadd.s32 $0x8F2B, s0  }
0x4a: {  	[sflag:s0] =	ssyncadd.remote.s32 $0x1  }
0x4b: {  	_ =	sfence.sel $0xFFFF  }
0x4c: {  	[dreg:$0x0] =	wrdreg $0xFFFFFFFF;
	(pc) =	sbr.abs _section_cstart, $3  }
0x4d: {  	[dreg:$0x1] =	wrdreg $0xFFFFFFFF  }
0x4e: {  	_ =	task.clear_ibuf [dreg:s23], $0x2FFFF;
	_ =	strace $0x9FFFFFFF  }
0x4f: {  	(tm) =	ssettm $0x7FFFFFFF  }
tec
execute0_lowered:
.L_overlay_start_1:
0x0: {  	(tag) =	ssettag $0x1  }
0x1: {  	s4 =	rddreg [dreg:$0x0]  }
0x2: {  	s0 =	stileid.u32;
	s2 =	rddreg [dreg:$0x1]  }
0x3: {  	s1 =	rddreg [dreg:$0x2];
	_ =	strace $0x8000004D;
	s10 =	srdreg.scid  }
0x4: {  	s31 =	simm.s32 $0x2;
	s18 =	simm.s32 $0x0;
	s11 =	simm.s32 $0x2000  }
0x5: {  	s19 =	simm.s32 $0x0;
	s20 =	simm.s32 $0x0;
	s12 =	simm.s32 $0x0  }
0x6: {  	s13 =	simm.s32 $0x0;
	s14 =	simm.s32 $0x0;
	s3 =	sshll.u32 s0, $0x7  }
0x7: {  	s17 =	simm.s32 $0x0;
	s4 =	sadd.s32 $0x65B000, s4;
	s3 =	sand.u32 $0x380, s3  }
0x8: {  	s5 =	sshrl.u32 s0, $0x3;
	s30 =	sshll.u32 s10, $0x7;
	s6 =	ssub.s32 $0x400, s3  }
0x9: {  	s8 =	ssub.s32 $0xC8, s5;
	s7 =	sshrl.u32 s6, $0xA;
	s6 =	sand.u32 $0x380, s6  }
0xa: {  	s9 =	sshrl.u32 s8, $0x1;
	p0 =	sne.s32 s6, $0x0;
	s6 =	simm.s32 $0x1  }
.Ltmp0:
0xb: {  	s8 =	sand.u32 $0x1, s8;
	s6 =	simm.s32 @!p0 $0x0;
	(pc) =	sbr.rel .LBB1_1-.Ltmp0, $4  }
0xc: {  	s15 =	smov.u32 s5;
	s8 =	sadd.s32 s8, s9;
	s7 =	sadd.s32 s6, s7  }
0xd: {  	s16 =	smov.u32 s3;
	s6 =	simm.s32 $0x1;
	s7 =	smul.u32 s8, s7  }
0xe: {  	p0 =	por $0x0, $0x0;
	s8 =	sand.u32 $0x80, s30;
	[sflag:s6] =	ssyncpa.u1 $0x0  }
0xf: {  	[sflag:s31] =	ssyncpa.u1 $0x0;
	s9 =	sshll.u32 s8, $0x3;
	s10 =	sadd.s32 $0x1, s7  }
.LBB1_4:
0x10: {  	s25 =	sshra.s32 s25, $0x2;
	s26 =	sshrl.u32 s14, $0x7;
	p1 =	sgt.s32 s14, $0x380  }
0x11: {  	s27 =	sshra.s32 s14, $0x1F;
	s29 =	smov.u32 s13;
	s31 =	sshra.s32 s13, $0x1F  }
0x12: {  	s24 =	sadd.s32 s25, s24;
	s30 =	sadd.s32 s26, s12;
	s26 =	smov.u32 s14  }
0x13: {  	v5 =	vld [tilespmem:s22+$0xFFFFFFD0];
	[tilespmem:s23+$0x2040 ss:$0x81] =	vst.msk $0xffff, v4;
	s27 =	sand.u32 s27, s14;
	s25 =	sand.u32 $0x3FFFFF, s30;
	s26 =	simm.s32 @!p1 $0x380  }
0x14: {  	v58 =	vld [tilespmem:s22+$0xFFFFFFE0];
	[tilespmem:s23+$0x2850 ss:$0x81] =	vst.msk $0xffff, v3;
	p1 =	sgt.s32 s13, $0xC7;
	s28 =	smulhi.u32 $0x1555556, s25;
	s26 =	ssub.s32 s26, s27  }
0x15: {  	v59 =	vld [tilespmem:s22+$0xFFFFFFF0];
	[tilespmem:s23+$0x3060 ss:$0x81] =	vst.msk $0xffff, v2;
	s29 =	simm.s32 @!p1 $0xC7;
	s27 =	sand.u32 s31, s13;
	p1 =	sgt.s32 s12, $0x40  }
0x16: {  	v60 =	vld [tilespmem:s22+$0x0];
	[tilespmem:s23+$0x0 ss:$0x81] =	vst.msk $0xffff, v1;
	s23 =	ssub.s32 s29, s27;
	s27 =	smov.u32 s12;
	s30 =	sadd.s32 $0xFFFFFC80, s26  }
0x17: {  	v61 =	vld [tilespmem:s22+$0x10];
	[tilespmem:s24+$0x3870 ss:$0x81] =	vst.msk $0xffff, v0;
	s26 =	ssub.s32 $0x400, s26;
	s27 =	simm.s32 @!p1 $0x40;
	p1 =	sgt.s32 s30, $0x7F  }
0x18: {  	v62 =	vld [tilespmem:s22+$0x20];
	s28 =	smul.u32 $0xC0, s28;
	[tilespmem:s24+$0x810 ss:$0x81] =	vst.msk $0xffff, v5;
	s27 =	ssub.s32 $0xC0, s27;
	s26 =	simm.s32 @p1 $0x0  }
0x19: {  	v63 =	vld [tilespmem:s22+$0xFFFFFFC0];
	s29 =	sand.u32 $0x7, s14;
	s31 =	sadd.s32 $0xFFFFFF39, s23;
	[tilespmem:s24+$0x1020 ss:$0x81] =	vst.msk $0xffff, v58;
	s26 =	smul.u32 s27, s26  }
0x1a: {  	s22 =	ssub.s32 $0xC8, s23;
	[tilespmem:s24+$0x1830 ss:$0x81] =	vst.msk $0xffff, v59;
	p1 =	sgt.s32 s31, $0x0;
	s27 =	smul.u32 $0x6000, s13  }
0x1b: {  	[tilespmem:s24+$0x2040 ss:$0x81] =	vst.msk $0xffff, v60;
	s22 =	simm.s32 @p1 $0x0;
	s25 =	ssub.s32 s25, s28;
	s28 =	sshrl.u32 s14, $0x3  }
0x1c: {  	[tilespmem:s24+$0x2850 ss:$0x81] =	vst.msk $0xffff, v61;
	s23 =	sand.u32 $0xF, s28;
	s22 =	smul.u32 s22, s26;
	s26 =	sadd.s32 s2, s27  }
0x1d: {  	[tilespmem:s24+$0x3060 ss:$0x81] =	vst.msk $0xffff, v62;
	s30 =	sshll.u32 s29, $0x12;
	s25 =	sshll.u32 s25, $0x7;
	s23 =	sadd.s32 s23, s26  }
0x1e: {  	[tilespmem:s24+$0x0 ss:$0x81] =	vst.msk $0xffff, v63;
	s31 =	sor.u32 $0x400, s30;
	s22 =	sand.u32 $0x3FFFFFFF, s22;
	s23 =	sadd.s32 s25, s23  }
0x1f: {  	[hbm4b:s23+s31] =	stream.strided.scatter [tilespmem:s21], [sflag:$0x2], s22, s11, s31, $0x20;
	[tilespmem:$0x10100] =	vst v63  }
.LBB1_5:
0x20: {  	p1 =	slt.u32 s17, $0x2;
	s21 =	smov.u32 s19  }
0x21: {  	s22 =	smov.u32 s20;
	p2 =	sgt.s32 @!p1 s19, $0xC7;
	p3 =	sgt.s32 @!p1 s20, $0x380  }
0x22: {  	s23 =	sshra.s32 @!p1 s20, $0x1F;
	p2 =	por !p2, p1;
	p3 =	por !p3, p1  }
0x23: {  	s20 =	sand.u32 @!p1 s23, s20;
	s21 =	simm.s32 @p2 $0xC7;
	s22 =	simm.s32 @p3 $0x380  }
0x24: {  	p2 =	sgt.s32 @!p1 s18, $0x40;
	s20 =	ssub.s32 @!p1 s22, s20;
	s22 =	sshra.s32 @!p1 s19, $0x1F  }
0x25: {  	p2 =	por !p2, p1;
	s19 =	sand.u32 @!p1 s22, s19;
	s22 =	sadd.s32 @!p1 $0xFFFFFC80, s20  }
0x26: {  	s18 =	simm.s32 @p2 $0x40;
	s19 =	ssub.s32 @!p1 s21, s19;
	p2 =	sgt.s32 @!p1 s22, $0x7F  }
0x27: {  	s20 =	ssub.s32 @!p1 $0x400, s20;
	s21 =	sadd.s32 @!p1 $0xFFFFFF39, s19;
	p2 =	por !p2, p1  }
0x28: {  	s18 =	ssub.s32 @!p1 $0xC0, s18;
	s20 =	simm.s32 @!p2 $0x0;
	p2 =	sgt.s32 @!p1 s21, $0x0  }
0x29: {  	s19 =	ssub.s32 @!p1 $0xC8, s19;
	p2 =	por !p2, p1;
	s18 =	smul.u32 @!p1 s18, s20  }
0x2a: {  	s23 =	smov.u32 s16;
	s21 =	sadd.s32 $0x2, s15;
	s19 =	simm.s32 @!p2 $0x0  }
0x2b: {  	p2 =	sgt.s32 s21, $0xC7;
	s18 =	smul.u32 @!p1 s19, s18;
	s19 =	sadd.s32 $0x400, s16  }
0x2c: {  	s25 =	sadd.s32 $0x1, s17;
	s23 =	smov.u32 @p2 s19  }
0x2d: {  	p0 =	por !p0, !p0;
	s21 =	smov.u32 @p2 s5;
	p2 =	sgt.s32 s23, $0x3FF  }
0x2e: {  	s22 =	simm.s32 @!p1 $0x2;
	s23 =	smov.u32 @p2 s3;
	p2 =	sne.s32 s17, s10  }
.Ltmp1:
0x2f: {  	s20 =	smov.u32 s14;
	s14 =	smov.u32 s16;
	(pc) =	sbr.rel @!p2 .LBB1_6-.Ltmp1, $4  }
0x30: {  	s19 =	smov.u32 s13;
	s13 =	smov.u32 s15;
	s18 =	sand.u32 @!p1 $0x3FFFFFFF, s18  }
0x31: {  	s15 =	smov.u32 s21;
	_ =	swait.ge @!p1 [sflag:s22], s18;
	s24 =	ssub.s32 @!p1 $0x0, s18  }
0x32: {  	s18 =	smov.u32 s12;
	s12 =	smov.u32 s8;
	[sflag:s22] =	ssyncset.done @!p1 $0x0  }
0x33: {  	s17 =	smov.u32 s25;
	s16 =	smov.u32 s23;
	[sflag:s22] =	ssyncadd.s32 @!p1 s24  }
.LBB1_1:
0x34: {  	p1 =	sge.u32 s17, s7  }
0x35: {  	s21 =	sshll.u32 @!p1 s15, $0x8  }
0x36: {  	s22 =	sshll.u32 @!p1 s15, $0x7;
	s21 =	sand.u32 @!p1 $0xFFFFF800, s21  }
0x37: {  	s22 =	sand.u32 @!p1 $0x300, s22;
	s21 =	sor.u32 @!p1 s9, s21  }
0x38: {  	s21 =	sor.u32 @!p1 s22, s21  }
0x39: {  	s21 =	sshrl.u32 @!p1 s21, $0x8  }
0x3a: {  	s22 =	smulhi.u32 @!p1 $0x147AE15, s21;
	_ =	sdelay $0x1  }
0x3b: {  	s22 =	smul.u32 @!p1 $0xC8, s22  }
0x3c: {  	s31 =	sadd.s32 $0xFFFFFFFF, s17;
	s23 =	smul.u32 @!p1 $0x1900, s16  }
0x3d: {  	s24 =	sxor.u32 @!p1 $0xFFFFFFFF, s17;
	s21 =	ssub.s32 @!p1 s21, s22;
	s22 =	sshll.u32 @!p1 s15, $0x4  }
0x3e: {  	s24 =	sshll.u32 @!p1 s24, $0xE;
	s23 =	sadd.s32 @!p1 s4, s23;
	s22 =	sand.u32 @!p1 $0x10, s22  }
0x3f: {  	s24 =	sand.u32 @!p1 $0x4000, s24;
	s21 =	sshll.u32 @!p1 s21, $0x5;
	s22 =	sadd.s32 @!p1 s22, s23  }
0x40: {  	s23 =	simm.s32 @!p1 $0xC800;
	s21 =	sadd.s32 @!p1 s21, s22;
	s22 =	simm.s32 @!p1 $0x80  }
0x41: {  	[tilespmem:s24], [sflag:$0x1] =	stream.strided.gather @!p1 [hbm4b:s21+s22], $0x4000, s23, s22, $0x38;
	[tilespmem:$0x10100] =	vst v63  }
0x42: {  	p1 =	sge.u32 s31, s7  }
.Ltmp2:
0x43: {  	_ = 	snop;
	(pc) =	sbr.rel @p1 .LBB1_5-.Ltmp2, $1  }
0x44: {  	_ =	sdelay $0x3  }
0x45: {  	s21 =	simm.s32 $0x1  }
0x46: {  	_ =	swait.ge [sflag:s6], $0x4000;
	s21 =	simm.s32 @!p0 $0x0  }
0x47: {  	[sflag:s6] =	ssyncset.done $0x0;
	s22 =	sshll.u32 s21, $0xE  }
0x48: {  	[sflag:s6] =	ssyncadd.s32 $0xFFFFC000;
	s22 =	sor.u32 $0x40, s22  }
0x49: {  	s21 =	smul.u32 $0x10200, s21;
	v0 =	vld [tilespmem:s22+$0x30]  }
0x4a: {  	v1 =	vld [tilespmem:s22+$0xFFFFFFD0]  }
0x4b: {  	s21 =	sshrl.u32 s21, $0x2;
	v5 =	vld [tilespmem:s22+$0xFFFFFFE0]  }
0x4c: {  	v6 =	vld [tilespmem:s22+$0xFFFFFFF0];
	s24 =	sor.u32 $0x8000, s21  }
0x4d: {  	s31 =	sand.u32 $0x1, s17;
	v4 =	vld [tilespmem:s22+$0x0];
	s23 =	sadd.s32 $0x0, s24  }
0x4e: {  	v3 =	vld [tilespmem:s22+$0x10];
	s21 =	smul.u32 $0x10200, s31;
	[tilespmem:s23+$0x3870 ss:$0x81] =	vst.msk $0xffff, v0  }
0x4f: {  	v2 =	vld [tilespmem:s22+$0x20];
	[tilespmem:s23+$0x810 ss:$0x81] =	vst.msk $0xffff, v1  }
0x50: {  	s21 =	sshrl.u32 s21, $0x2;
	v1 =	vld [tilespmem:s22+$0xFFFFFFC0];
	[tilespmem:s23+$0x1020 ss:$0x81] =	vst.msk $0xffff, v5;
	s22 =	sadd.s32 $0x80, s22  }
0x51: {  	s25 =	simm.s32 $0x4;
	s26 =	simm.s32 $0x8;
	s21 =	sor.u32 $0x8000, s21;
	[tilespmem:s23+$0x1830 ss:$0x81] =	vst.msk $0xffff, v6;
	v0 =	vld [tilespmem:s22+$0x30]  }
.LBB1_3:
0x52: {  	p1 =	sne.s32 s26, $0x1FC;
	v5 =	vld [tilespmem:s22+$0xFFFFFFD0];
	[tilespmem:s23+$0x2040 ss:$0x81] =	vst.msk $0xffff, v4  }
0x53: {  	v6 =	vld [tilespmem:s22+$0xFFFFFFE0];
	[tilespmem:s23+$0x2850 ss:$0x81] =	vst.msk $0xffff, v3  }
0x54: {  	s27 =	sshra.s32 s25, $0x2;
	s25 =	smov.u32 s26;
	v7 =	vld [tilespmem:s22+$0xFFFFFFF0];
	[tilespmem:s23+$0x3060 ss:$0x81] =	vst.msk $0xffff, v2  }
.Ltmp3:
0x55: {  	v4 =	vld [tilespmem:s22+$0x0];
	[tilespmem:s23+$0x0 ss:$0x81] =	vst.msk $0xffff, v1;
	s23 =	sadd.s32 s27, s24;
	(pc) =	sbr.rel @p1 .LBB1_3-.Ltmp3, $4  }
0x56: {  	v3 =	vld [tilespmem:s22+$0x10];
	[tilespmem:s23+$0x3870 ss:$0x81] =	vst.msk $0xffff, v0  }
0x57: {  	[tilespmem:s23+$0x810 ss:$0x81] =	vst.msk $0xffff, v5;
	v2 =	vld [tilespmem:s22+$0x20]  }
0x58: {  	v1 =	vld [tilespmem:s22+$0xFFFFFFC0];
	[tilespmem:s23+$0x1020 ss:$0x81] =	vst.msk $0xffff, v6;
	s22 =	sadd.s32 $0x80, s22  }
0x59: {  	s26 =	sadd.s32 $0x4, s26;
	v0 =	vld [tilespmem:s22+$0x30];
	[tilespmem:s23+$0x1830 ss:$0x81] =	vst.msk $0xffff, v7  }
.Ltmp4:
0x5a: {  	_ = 	snop;
	(pc) =	sbr.rel .LBB1_4-.Ltmp4, $1  }
0x5b: {  	_ =	sdelay $0x3  }
.LBB1_6:
0x5c: {  	_ =	sfence.sel $0x180000  }
0x5d: {  	s2 =	simm.s32 $0x1;
	[bflag:$0x0] =	sbarrier.arrive $0xFFFF  }
0x5e: {  	s31 =	simm.s32 $0x2;
	[sflag:s2] =	ssyncpa.u1 $0x1  }
0x5f: {  	[sflag:s31] =	ssyncpa.u1 $0x1  }
0x60: {  	p0 =	sne.s32 s0, $0x0;
	_ =	strace $0x9000004D  }
0x61: {  	s0 =	sadd.s32 @!p0 $0x100000, s1;
	[bflag:$0x2] =	sbarrier.arrive $0xFFFF  }
0x62: {  	[sflag:s0] =	ssyncadd.tile.s32 @!p0 $0x1;
	_ =	shalt  }
.Lfunc_end1:
_tile_overlayer_lowered:
.L_overlay_start_2:
0x63: {  	(tag) =	ssettag $0x2  }
0x64: {  	s0 =	rddreg [dreg:$0x0];
	s2 =	stileid.u32  }
0x65: {  	s1 =	rddreg [dreg:$0x1];
	p0 =	sne.s32 s2, $0x0  }
0x66: {  	s3 =	rddreg [dreg:$0x2];
	[bflag:$0x3] =	sbarrier.arrive $0xFFFF;
	s2 =	simm.s32 @!p0 $0x1C01  }
0x67: {  	[timem:s3], [sflag:s2] =	dma.local @!p0 [hbm:s0], s1  }
0x68: {  	s0 =	simm.s32 @!p0 $0x1  }
0x69: {  	_ =	swait.ge @!p0 [sflag:s0], s1  }
0x6a: {  	s1 =	ssub.s32 @!p0 $0x0, s1;
	[sflag:s0] =	ssyncset.done @!p0 $0x0  }
0x6b: {  	[sflag:s0] =	ssyncadd.s32 @!p0 s1  }
0x6c: {  	[bflag:$0x3] =	sbarrier.arrive $0xFFFF  }
0x6d: {  	_ =	shalt  }

// kernel: sparse-core-data-format-call.cloned.1.call-start
scs
called_computation_lowered:
.L_overlay_start_0:
0x0: {  	s2 =	sld [smem:$0x3FD9]  }
0x1: {  	s3 =	sld [smem:$0x3FFE];
	_ =	sdelay $0x1  }
0x2: {  	s1 =	srdreg.scid  }
0x3: {  	s0 =	sand.u32 $0x1, s1  }
0x4: {  	s15 =	sshll.u32 s0, $0xA;
	s2 =	sadd.s32 s3, s2  }
0x5: {  	s2 =	sadd.s32 s2, s15  }
0x6: {  	[smem:$0x3FC2] =	sst s2  }
0x7: {  	_ = 	snop  }
0x8: {  	s2 =	sld [smem:$0x3FD0];
	_ =	sdelay $0x2  }
0x9: {  	s16 =	simm.s32 $0xB;
	s4 =	simm.s32 $0x10  }
0xa: {  	[smem:s4], [sflag:s16] =	dma.local [hbm:s2], $0x1  }
0xb: {  	_ =	swait.eq [sflag:s16], $0x1  }
0xc: {  	[sflag:s16] =	ssyncset.done $0x0  }
0xd: {  	[sflag:s16] =	ssyncadd.s32 $0xFFFFFFFF  }
0xe: {  	s17 =	sld [smem:$0x11];
	(tm) =	ssettm $0x1  }
0xf: {  	s18 =	sld [smem:$0x3FFB];
	_ =	sdelay $0x3  }
0x10: {  	_ =	strace s18  }
0x11: {  	s3 =	sld [smem:$0x3FFC];
	_ =	sdelay $0x3  }
0x12: {  	_ =	strace s3  }
0x13: {  	s3 =	sld [smem:$0x3FFD];
	_ =	sdelay $0x3  }
0x14: {  	_ =	strace s3  }
0x15: {  	_ =	strace $0x8FFFFFFF  }
0x16: {  	s19 =	sld [smem:$0x3FDB];
	_ =	sdelay $0x1  }
0x17: {  	s20 =	simm.s32 $_scs_section_size  }
0x18: {  	s5 =	simm.s32 $_size__tile_overlayer_lowered;
	s6 =	simm.s32 $_tile_overlayer_lowered  }
0x19: {  	s23 =	simm.s32 $0x1BFF;
	s22 =	sshll.u32 s6, $0x1;
	s3 =	sadd.s32 s20, s19  }
0x1a: {  	s7 =	simm.s32 $0x0;
	s21 =	sshll.u32 s5, $0x1;
	s5 =	sadd.s32 s22, s3  }
0x1b: {  	[timem:s7], [sflag:s23] =	dma.local [hbm:s5], s21  }
0x1c: {  	_ =	swait.ge [sflag:s23], s21  }
0x1d: {  	s4 =	ssub.s32 $0x0, s21;
	[sflag:s23] =	ssyncset.done $0x0  }
0x1e: {  	[sflag:s23] =	ssyncadd.s32 s4;
	_ =	sdelay $0x1  }
0x1f: {  	s24 =	simm.s32 $0x1B8B  }
0x20: {  	_ =	swait.ge [sflag:s24], $0x1  }
0x21: {  	[sflag:s24] =	ssyncset.done $0x0  }
0x22: {  	s26 =	simm.s32 $0x1B8E;
	s25 =	sld [smem:$0x3FFE];
	[sflag:s24] =	ssyncadd.s32 $0xFFFFFFFF  }
0x23: {  	s27 =	simm.s32 $execute0_lowered;
	[smem:$0x3FD2] =	sst s26  }
0x24: {  	s5 =	sshll.u32 s27, $0x1;
	_ =	strace $0x80000049;
	[dreg:$0x1] =	wrdreg $0xFFFFFFFF  }
0x25: {  	s28 =	simm.s32 $_size_execute0_lowered;
	s3 =	sadd.s32 s3, s5;
	[dreg:$0x0] =	wrdreg $0x0  }
0x26: {  	s5 =	sshll.u32 s28, $0x1;
	[dreg:$0x2] =	wrdreg s3  }
0x27: {  	[dreg:$0x3] =	wrdreg s5  }
0x28: {  	[dreg:$0x4] =	wrdreg $0xC0  }
0x29: {  	_ =	task [dreg:s7], $0x5FFFF  }
0x2a: {  	[dreg:$0x1] =	wrdreg $0xFFFFFFFF  }
0x2b: {  	[dreg:$0x0] =	wrdreg $0x60  }
0x2c: {  	[dreg:$0x2] =	wrdreg s25  }
0x2d: {  	[dreg:$0x3] =	wrdreg s17  }
0x2e: {  	[dreg:$0x4] =	wrdreg $0x9  }
0x2f: {  	_ =	task.clear_ibuf [dreg:s7], $0x5FFFF;
	_ =	strace $0x90000049  }
0x30: {  	s29 =	simm.s32 $0x9;
	_ =	strace $0x8000004B  }
0x31: {  	_ =	swait.ge [sflag:s29], $0x1  }
0x32: {  	[sflag:s29] =	ssyncadd.s32 $0xFFFFFFFF  }
0x33: {  	_ =	strace $0x9000004B  }
0x34: {  	_ =	sfence  }
0x35: {  	s30 =	sld [smem:$0x0];
	_ =	sdelay $0x2  }
0x36: {  	s31 =	sshll.u32 s1, $0xD;
	s1 =	sshrl.u32 s1, $0x2  }
0x37: {  	s3 =	sand.u32 $0x4000, s31;
	s1 =	sadd.s32 s1, s30  }
0x38: {  	s0 =	sor.u32 s3, s0;
	s1 =	sshll.u32 s1, $0x11  }
0x39: {  	s0 =	sor.u32 s1, s0  }
0x3a: {  	s0 =	sadd.s32 $0x8F2B, s0  }
0x3b: {  	[sflag:s0] =	ssyncadd.remote.s32 $0x1  }
0x3c: {  	_ =	sfence.sel $0xFFFF  }
0x3d: {  	[dreg:$0x0] =	wrdreg $0xFFFFFFFF;
	(pc) =	sbr.abs _section_cstart, $3  }
0x3e: {  	[dreg:$0x1] =	wrdreg $0xFFFFFFFF  }
0x3f: {  	_ =	task.clear_ibuf [dreg:s7], $0x2FFFF;
	_ =	strace $0x9FFFFFFF  }
0x40: {  	(tm) =	ssettm $0x7FFFFFFF  }
0x41: {  	_ =	shalt  }
tec
execute0_lowered:
.L_overlay_start_1:
0x0: {  	(tag) =	ssettag $0x1  }
0x1: {  	s4 =	rddreg [dreg:$0x0]  }
0x2: {  	s0 =	stileid.u32;
	s2 =	rddreg [dreg:$0x1]  }
0x3: {  	s1 =	rddreg [dreg:$0x2];
	_ =	strace $0x8000004A;
	s10 =	srdreg.scid  }
0x4: {  	s31 =	simm.s32 $0x2;
	s18 =	simm.s32 $0x0;
	s11 =	simm.s32 $0x2000  }
0x5: {  	s19 =	simm.s32 $0x0;
	s20 =	simm.s32 $0x0;
	s12 =	simm.s32 $0x0  }
0x6: {  	s13 =	simm.s32 $0x0;
	s14 =	simm.s32 $0x0;
	s3 =	sshll.u32 s0, $0x7  }
0x7: {  	s17 =	simm.s32 $0x0;
	s4 =	sadd.s32 $0x1B000, s4;
	s3 =	sand.u32 $0x380, s3  }
0x8: {  	s5 =	sshrl.u32 s0, $0x3;
	s30 =	sshll.u32 s10, $0x7;
	s6 =	ssub.s32 $0x400, s3  }
0x9: {  	s8 =	ssub.s32 $0xC8, s5;
	s7 =	sshrl.u32 s6, $0xA;
	s6 =	sand.u32 $0x380, s6  }
0xa: {  	s9 =	sshrl.u32 s8, $0x1;
	p0 =	sne.s32 s6, $0x0;
	s6 =	simm.s32 $0x1  }
.Ltmp0:
0xb: {  	s8 =	sand.u32 $0x1, s8;
	s6 =	simm.s32 @!p0 $0x0;
	(pc) =	sbr.rel .LBB1_1-.Ltmp0, $4  }
0xc: {  	s15 =	smov.u32 s5;
	s8 =	sadd.s32 s8, s9;
	s7 =	sadd.s32 s6, s7  }
0xd: {  	s16 =	smov.u32 s3;
	s6 =	simm.s32 $0x1;
	s7 =	smul.u32 s8, s7  }
0xe: {  	p0 =	por $0x0, $0x0;
	s8 =	sand.u32 $0x80, s30;
	[sflag:s6] =	ssyncpa.u1 $0x0  }
0xf: {  	[sflag:s31] =	ssyncpa.u1 $0x0;
	s9 =	sshll.u32 s8, $0x3;
	s10 =	sadd.s32 $0x1, s7  }
.LBB1_4:
0x10: {  	s25 =	sshra.s32 s25, $0x2;
	s26 =	sshrl.u32 s14, $0x7;
	p1 =	sgt.s32 s14, $0x380  }
0x11: {  	s27 =	sshra.s32 s14, $0x1F;
	s29 =	smov.u32 s13;
	s31 =	sshra.s32 s13, $0x1F  }
0x12: {  	s24 =	sadd.s32 s25, s24;
	s30 =	sadd.s32 s26, s12;
	s26 =	smov.u32 s14  }
0x13: {  	v5 =	vld [tilespmem:s22+$0xFFFFFFD0];
	[tilespmem:s23+$0x2040 ss:$0x81] =	vst.msk $0xffff, v4;
	s27 =	sand.u32 s27, s14;
	s25 =	sand.u32 $0x3FFFFF, s30;
	s26 =	simm.s32 @!p1 $0x380  }
0x14: {  	v58 =	vld [tilespmem:s22+$0xFFFFFFE0];
	[tilespmem:s23+$0x2850 ss:$0x81] =	vst.msk $0xffff, v3;
	p1 =	sgt.s32 s13, $0xC7;
	s28 =	smulhi.u32 $0x1555556, s25;
	s26 =	ssub.s32 s26, s27  }
0x15: {  	v59 =	vld [tilespmem:s22+$0xFFFFFFF0];
	[tilespmem:s23+$0x3060 ss:$0x81] =	vst.msk $0xffff, v2;
	s29 =	simm.s32 @!p1 $0xC7;
	s27 =	sand.u32 s31, s13;
	p1 =	sgt.s32 s12, $0x40  }
0x16: {  	v60 =	vld [tilespmem:s22+$0x0];
	[tilespmem:s23+$0x0 ss:$0x81] =	vst.msk $0xffff, v1;
	s23 =	ssub.s32 s29, s27;
	s27 =	smov.u32 s12;
	s30 =	sadd.s32 $0xFFFFFC80, s26  }
0x17: {  	v61 =	vld [tilespmem:s22+$0x10];
	[tilespmem:s24+$0x3870 ss:$0x81] =	vst.msk $0xffff, v0;
	s26 =	ssub.s32 $0x400, s26;
	s27 =	simm.s32 @!p1 $0x40;
	p1 =	sgt.s32 s30, $0x7F  }
0x18: {  	v62 =	vld [tilespmem:s22+$0x20];
	s28 =	smul.u32 $0xC0, s28;
	[tilespmem:s24+$0x810 ss:$0x81] =	vst.msk $0xffff, v5;
	s27 =	ssub.s32 $0xC0, s27;
	s26 =	simm.s32 @p1 $0x0  }
0x19: {  	v63 =	vld [tilespmem:s22+$0xFFFFFFC0];
	s29 =	sand.u32 $0x7, s14;
	s31 =	sadd.s32 $0xFFFFFF39, s23;
	[tilespmem:s24+$0x1020 ss:$0x81] =	vst.msk $0xffff, v58;
	s26 =	smul.u32 s27, s26  }
0x1a: {  	s22 =	ssub.s32 $0xC8, s23;
	[tilespmem:s24+$0x1830 ss:$0x81] =	vst.msk $0xffff, v59;
	p1 =	sgt.s32 s31, $0x0;
	s27 =	smul.u32 $0x6000, s13  }
0x1b: {  	[tilespmem:s24+$0x2040 ss:$0x81] =	vst.msk $0xffff, v60;
	s22 =	simm.s32 @p1 $0x0;
	s25 =	ssub.s32 s25, s28;
	s28 =	sshrl.u32 s14, $0x3  }
0x1c: {  	[tilespmem:s24+$0x2850 ss:$0x81] =	vst.msk $0xffff, v61;
	s23 =	sand.u32 $0xF, s28;
	s22 =	smul.u32 s22, s26;
	s26 =	sadd.s32 s2, s27  }
0x1d: {  	[tilespmem:s24+$0x3060 ss:$0x81] =	vst.msk $0xffff, v62;
	s30 =	sshll.u32 s29, $0x12;
	s25 =	sshll.u32 s25, $0x7;
	s23 =	sadd.s32 s23, s26  }
0x1e: {  	[tilespmem:s24+$0x0 ss:$0x81] =	vst.msk $0xffff, v63;
	s31 =	sor.u32 $0x400, s30;
	s22 =	sand.u32 $0x3FFFFFFF, s22;
	s23 =	sadd.s32 s25, s23  }
0x1f: {  	[hbm4b:s23+s31] =	stream.strided.scatter [tilespmem:s21], [sflag:$0x2], s22, s11, s31, $0x20;
	[tilespmem:$0x10100] =	vst v63  }
.LBB1_5:
0x20: {  	p1 =	slt.u32 s17, $0x2;
	s21 =	smov.u32 s19  }
0x21: {  	s22 =	smov.u32 s20;
	p2 =	sgt.s32 @!p1 s19, $0xC7;
	p3 =	sgt.s32 @!p1 s20, $0x380  }
0x22: {  	s23 =	sshra.s32 @!p1 s20, $0x1F;
	p2 =	por !p2, p1;
	p3 =	por !p3, p1  }
0x23: {  	s20 =	sand.u32 @!p1 s23, s20;
	s21 =	simm.s32 @p2 $0xC7;
	s22 =	simm.s32 @p3 $0x380  }
0x24: {  	p2 =	sgt.s32 @!p1 s18, $0x40;
	s20 =	ssub.s32 @!p1 s22, s20;
	s22 =	sshra.s32 @!p1 s19, $0x1F  }
0x25: {  	p2 =	por !p2, p1;
	s19 =	sand.u32 @!p1 s22, s19;
	s22 =	sadd.s32 @!p1 $0xFFFFFC80, s20  }
0x26: {  	s18 =	simm.s32 @p2 $0x40;
	s19 =	ssub.s32 @!p1 s21, s19;
	p2 =	sgt.s32 @!p1 s22, $0x7F  }
0x27: {  	s20 =	ssub.s32 @!p1 $0x400, s20;
	s21 =	sadd.s32 @!p1 $0xFFFFFF39, s19;
	p2 =	por !p2, p1  }
0x28: {  	s18 =	ssub.s32 @!p1 $0xC0, s18;
	s20 =	simm.s32 @!p2 $0x0;
	p2 =	sgt.s32 @!p1 s21, $0x0  }
0x29: {  	s19 =	ssub.s32 @!p1 $0xC8, s19;
	p2 =	por !p2, p1;
	s18 =	smul.u32 @!p1 s18, s20  }
0x2a: {  	s23 =	smov.u32 s16;
	s21 =	sadd.s32 $0x2, s15;
	s19 =	simm.s32 @!p2 $0x0  }
0x2b: {  	p2 =	sgt.s32 s21, $0xC7;
	s18 =	smul.u32 @!p1 s19, s18;
	s19 =	sadd.s32 $0x400, s16  }
0x2c: {  	s25 =	sadd.s32 $0x1, s17;
	s23 =	smov.u32 @p2 s19  }
0x2d: {  	p0 =	por !p0, !p0;
	s21 =	smov.u32 @p2 s5;
	p2 =	sgt.s32 s23, $0x3FF  }
0x2e: {  	s22 =	simm.s32 @!p1 $0x2;
	s23 =	smov.u32 @p2 s3;
	p2 =	sne.s32 s17, s10  }
.Ltmp1:
0x2f: {  	s20 =	smov.u32 s14;
	s14 =	smov.u32 s16;
	(pc) =	sbr.rel @!p2 .LBB1_6-.Ltmp1, $4  }
0x30: {  	s19 =	smov.u32 s13;
	s13 =	smov.u32 s15;
	s18 =	sand.u32 @!p1 $0x3FFFFFFF, s18  }
0x31: {  	s15 =	smov.u32 s21;
	_ =	swait.ge @!p1 [sflag:s22], s18;
	s24 =	ssub.s32 @!p1 $0x0, s18  }
0x32: {  	s18 =	smov.u32 s12;
	s12 =	smov.u32 s8;
	[sflag:s22] =	ssyncset.done @!p1 $0x0  }
0x33: {  	s17 =	smov.u32 s25;
	s16 =	smov.u32 s23;
	[sflag:s22] =	ssyncadd.s32 @!p1 s24  }
.LBB1_1:
0x34: {  	p1 =	sge.u32 s17, s7  }
0x35: {  	s21 =	sshll.u32 @!p1 s15, $0x8  }
0x36: {  	s22 =	sshll.u32 @!p1 s15, $0x7;
	s21 =	sand.u32 @!p1 $0xFFFFF800, s21  }
0x37: {  	s22 =	sand.u32 @!p1 $0x300, s22;
	s21 =	sor.u32 @!p1 s9, s21  }
0x38: {  	s21 =	sor.u32 @!p1 s22, s21  }
0x39: {  	s21 =	sshrl.u32 @!p1 s21, $0x8  }
0x3a: {  	s22 =	smulhi.u32 @!p1 $0x147AE15, s21;
	_ =	sdelay $0x1  }
0x3b: {  	s22 =	smul.u32 @!p1 $0xC8, s22  }
0x3c: {  	s31 =	sadd.s32 $0xFFFFFFFF, s17;
	s23 =	smul.u32 @!p1 $0x1900, s16  }
0x3d: {  	s24 =	sxor.u32 @!p1 $0xFFFFFFFF, s17;
	s21 =	ssub.s32 @!p1 s21, s22;
	s22 =	sshll.u32 @!p1 s15, $0x4  }
0x3e: {  	s24 =	sshll.u32 @!p1 s24, $0xE;
	s23 =	sadd.s32 @!p1 s4, s23;
	s22 =	sand.u32 @!p1 $0x10, s22  }
0x3f: {  	s24 =	sand.u32 @!p1 $0x4000, s24;
	s21 =	sshll.u32 @!p1 s21, $0x5;
	s22 =	sadd.s32 @!p1 s22, s23  }
0x40: {  	s23 =	simm.s32 @!p1 $0xC800;
	s21 =	sadd.s32 @!p1 s21, s22;
	s22 =	simm.s32 @!p1 $0x80  }
0x41: {  	[tilespmem:s24], [sflag:$0x1] =	stream.strided.gather @!p1 [hbm4b:s21+s22], $0x4000, s23, s22, $0x38;
	[tilespmem:$0x10100] =	vst v63  }
0x42: {  	p1 =	sge.u32 s31, s7  }
.Ltmp2:
0x43: {  	_ = 	snop;
	(pc) =	sbr.rel @p1 .LBB1_5-.Ltmp2, $1  }
0x44: {  	_ =	sdelay $0x3  }
0x45: {  	s21 =	simm.s32 $0x1  }
0x46: {  	_ =	swait.ge [sflag:s6], $0x4000;
	s21 =	simm.s32 @!p0 $0x0  }
0x47: {  	[sflag:s6] =	ssyncset.done $0x0;
	s22 =	sshll.u32 s21, $0xE  }
0x48: {  	[sflag:s6] =	ssyncadd.s32 $0xFFFFC000;
	s22 =	sor.u32 $0x40, s22  }
0x49: {  	s21 =	smul.u32 $0x10200, s21;
	v0 =	vld [tilespmem:s22+$0x30]  }
0x4a: {  	v1 =	vld [tilespmem:s22+$0xFFFFFFD0]  }
0x4b: {  	s21 =	sshrl.u32 s21, $0x2;
	v5 =	vld [tilespmem:s22+$0xFFFFFFE0]  }
0x4c: {  	v6 =	vld [tilespmem:s22+$0xFFFFFFF0];
	s24 =	sor.u32 $0x8000, s21  }
0x4d: {  	s31 =	sand.u32 $0x1, s17;
	v4 =	vld [tilespmem:s22+$0x0];
	s23 =	sadd.s32 $0x0, s24  }
0x4e: {  	v3 =	vld [tilespmem:s22+$0x10];
	s21 =	smul.u32 $0x10200, s31;
	[tilespmem:s23+$0x3870 ss:$0x81] =	vst.msk $0xffff, v0  }
0x4f: {  	v2 =	vld [tilespmem:s22+$0x20];
	[tilespmem:s23+$0x810 ss:$0x81] =	vst.msk $0xffff, v1  }
0x50: {  	s21 =	sshrl.u32 s21, $0x2;
	v1 =	vld [tilespmem:s22+$0xFFFFFFC0];
	[tilespmem:s23+$0x1020 ss:$0x81] =	vst.msk $0xffff, v5;
	s22 =	sadd.s32 $0x80, s22  }
0x51: {  	s25 =	simm.s32 $0x4;
	s26 =	simm.s32 $0x8;
	s21 =	sor.u32 $0x8000, s21;
	[tilespmem:s23+$0x1830 ss:$0x81] =	vst.msk $0xffff, v6;
	v0 =	vld [tilespmem:s22+$0x30]  }
.LBB1_3:
0x52: {  	p1 =	sne.s32 s26, $0x1FC;
	v5 =	vld [tilespmem:s22+$0xFFFFFFD0];
	[tilespmem:s23+$0x2040 ss:$0x81] =	vst.msk $0xffff, v4  }
0x53: {  	v6 =	vld [tilespmem:s22+$0xFFFFFFE0];
	[tilespmem:s23+$0x2850 ss:$0x81] =	vst.msk $0xffff, v3  }
0x54: {  	s27 =	sshra.s32 s25, $0x2;
	s25 =	smov.u32 s26;
	v7 =	vld [tilespmem:s22+$0xFFFFFFF0];
	[tilespmem:s23+$0x3060 ss:$0x81] =	vst.msk $0xffff, v2  }
.Ltmp3:
0x55: {  	v4 =	vld [tilespmem:s22+$0x0];
	[tilespmem:s23+$0x0 ss:$0x81] =	vst.msk $0xffff, v1;
	s23 =	sadd.s32 s27, s24;
	(pc) =	sbr.rel @p1 .LBB1_3-.Ltmp3, $4  }
0x56: {  	v3 =	vld [tilespmem:s22+$0x10];
	[tilespmem:s23+$0x3870 ss:$0x81] =	vst.msk $0xffff, v0  }
0x57: {  	[tilespmem:s23+$0x810 ss:$0x81] =	vst.msk $0xffff, v5;
	v2 =	vld [tilespmem:s22+$0x20]  }
0x58: {  	v1 =	vld [tilespmem:s22+$0xFFFFFFC0];
	[tilespmem:s23+$0x1020 ss:$0x81] =	vst.msk $0xffff, v6;
	s22 =	sadd.s32 $0x80, s22  }
0x59: {  	s26 =	sadd.s32 $0x4, s26;
	v0 =	vld [tilespmem:s22+$0x30];
	[tilespmem:s23+$0x1830 ss:$0x81] =	vst.msk $0xffff, v7  }
.Ltmp4:
0x5a: {  	_ = 	snop;
	(pc) =	sbr.rel .LBB1_4-.Ltmp4, $1  }
0x5b: {  	_ =	sdelay $0x3  }
.LBB1_6:
0x5c: {  	_ =	sfence.sel $0x180000  }
0x5d: {  	s2 =	simm.s32 $0x1;
	[bflag:$0x0] =	sbarrier.arrive $0xFFFF  }
0x5e: {  	s31 =	simm.s32 $0x2;
	[sflag:s2] =	ssyncpa.u1 $0x1  }
0x5f: {  	[sflag:s31] =	ssyncpa.u1 $0x1  }
0x60: {  	p0 =	sne.s32 s0, $0x0;
	_ =	strace $0x9000004A  }
0x61: {  	s0 =	sadd.s32 @!p0 $0x100000, s1;
	[bflag:$0x2] =	sbarrier.arrive $0xFFFF  }
0x62: {  	[sflag:s0] =	ssyncadd.tile.s32 @!p0 $0x1;
	_ =	shalt  }
.Lfunc_end1:
_tile_overlayer_lowered:
.L_overlay_start_2:
0x63: {  	(tag) =	ssettag $0x2  }
0x64: {  	s0 =	rddreg [dreg:$0x0];
	s2 =	stileid.u32  }
0x65: {  	s1 =	rddreg [dreg:$0x1];
	p0 =	sne.s32 s2, $0x0  }
0x66: {  	s3 =	rddreg [dreg:$0x2];
	[bflag:$0x3] =	sbarrier.arrive $0xFFFF;
	s2 =	simm.s32 @!p0 $0x1C01  }
0x67: {  	[timem:s3], [sflag:s2] =	dma.local @!p0 [hbm:s0], s1  }
0x68: {  	s0 =	simm.s32 @!p0 $0x1  }
0x69: {  	_ =	swait.ge @!p0 [sflag:s0], s1  }
0x6a: {  	s1 =	ssub.s32 @!p0 $0x0, s1;
	[sflag:s0] =	ssyncset.done @!p0 $0x0  }
0x6b: {  	[sflag:s0] =	ssyncadd.s32 @!p0 s1  }
0x6c: {  	[bflag:$0x3] =	sbarrier.arrive $0xFFFF  }
0x6d: {  	_ =	shalt  }

</sc_bundles>
